<compile_context>
chip_gen: v7x
topology: tpu7x:2x2x1
jax: 0.10.2.dev20260603
libtpu: 0.0.44.dev20260713+nightly
codegen_flags: <defaults>
</compile_context>

<pallas_src>
import functools

import jax
import jax.numpy as jnp
from jax import lax
from jax.experimental import pallas as pl
from jax.experimental.pallas import tpu as pltpu
from jax.experimental.pallas import tpu_sc as plsc

NC = 2
NS = 16
NW = NC * NS
C = 128


def _build_deg_kernel(np_, ch):
    mesh = plsc.VectorSubcoreMesh(core_axis_name="c", subcore_axis_name="s")
    tps = np_ // NS
    assert tps % 8 == 0

    @functools.partial(
        pl.kernel,
        out_type=jax.ShapeDtypeStruct((NC, np_, 128), jnp.float32),
        mesh=mesh,
        scratch_types=[
            pltpu.VMEM((ch, C), jnp.int32),
            pltpu.VMEM((C, 128), jnp.float32),
            pltpu.VMEM_SHARED((np_, 128), jnp.float32),
        ],
    )
    def deg_kernel(src_hbm, zer_hbm, ones_hbm, out_hbm, src_v, ones_v, acc_sh):
        cid = lax.axis_index("c")
        sid = lax.axis_index("s")
        wid = sid * NC + cid
        pltpu.sync_copy(ones_hbm, ones_v)
        pltpu.sync_copy(src_hbm.at[wid], src_v)
        pltpu.sync_copy(zer_hbm, acc_sh.at[pl.ds(sid * tps, tps)])
        plsc.subcore_barrier()

        def body(j, carry):
            pltpu.sync_copy(ones_v, acc_sh.at[src_v.at[j]], add=True)
            return carry

        lax.fori_loop(0, ch, body, 0)
        plsc.subcore_barrier()
        pltpu.sync_copy(acc_sh.at[pl.ds(sid * tps, tps)],
                        out_hbm.at[cid, pl.ds(sid * tps, tps)])

    return deg_kernel


def _build_scatter_kernel(np_, d, ch):
    mesh = plsc.VectorSubcoreMesh(core_axis_name="c", subcore_axis_name="s")
    tps = np_ // NS
    assert tps % 8 == 0

    @functools.partial(
        pl.kernel,
        out_type=(jax.ShapeDtypeStruct((NC, np_, d), jnp.float32),
                  jax.ShapeDtypeStruct((NC, np_, d), jnp.float32)),
        mesh=mesh,
        scratch_types=[
            pltpu.VMEM((ch, C), jnp.int32),
            pltpu.VMEM((2, C), jnp.int32),
            pltpu.VMEM((C, d), jnp.float32),
            pltpu.VMEM((C, d), jnp.float32),
            pltpu.VMEM_SHARED((np_, d), jnp.float32),
            pltpu.SemaphoreType.DMA,
            pltpu.SemaphoreType.DMA,
        ],
    )
    def scat_kernel(t0_hbm, t1_hbm, src_hbm, dst_hbm, zer_hbm,
                    out0_hbm, out1_hbm,
                    src_v, dring, rows0, rows1, acc_sh, g0, g1):
        cid = lax.axis_index("c")
        sid = lax.axis_index("s")
        wid = sid * NC + cid
        rows = (rows0, rows1)
        gsem = (g0, g1)
        pltpu.sync_copy(src_hbm.at[wid], src_v)
        for t_hbm, out_hbm in ((t0_hbm, out0_hbm), (t1_hbm, out1_hbm)):
            pltpu.sync_copy(zer_hbm, acc_sh.at[pl.ds(sid * tps, tps)])
            plsc.subcore_barrier()

            def issue(j, b):
                pltpu.sync_copy(dst_hbm.at[wid, pl.ds(j, 1)],
                                dring.at[pl.ds(b, 1)])
                pltpu.async_copy(t_hbm.at[src_v.at[j]], rows[b], gsem[b])

            def finish(j, b):
                pltpu.make_async_copy(
                    t_hbm.at[src_v.at[j]], rows[b], gsem[b]).wait()
                pltpu.sync_copy(rows[b], acc_sh.at[dring.at[b]], add=True)

            issue(0, 0)

            def pair(jj, carry):
                issue(2 * jj + 1, 1)
                finish(2 * jj, 0)
                issue(2 * jj + 2, 0)
                finish(2 * jj + 1, 1)
                return carry

            lax.fori_loop(0, (ch - 1) // 2, pair, 0)
            if ch % 2 == 1:
                finish(ch - 1, (ch - 1) % 2)
            else:
                issue(ch - 1, (ch - 1) % 2)
                finish(ch - 2, (ch - 2) % 2)
                finish(ch - 1, (ch - 1) % 2)
            plsc.subcore_barrier()
            pltpu.sync_copy(acc_sh.at[pl.ds(sid * tps, tps)],
                            out_hbm.at[cid, pl.ds(sid * tps, tps)])
            plsc.subcore_barrier()

    return scat_kernel


def _dis_from_deg(degp):
    deg = degp[0, :, 0:1] + degp[1, :, 0:1]
    return jnp.where(deg > 0.0, lax.rsqrt(jnp.maximum(deg, 1.0)), 0.0)


def _build_scale_kernel(n, np_, d, nb):
    def body(degp_ref, x_ref, h_ref, xs_ref, hs_ref):
        dis = _dis_from_deg(degp_ref[...])
        xs_ref[...] = x_ref[...] * dis
        hs_ref[...] = h_ref[...] * dis

    return pl.pallas_call(
        body,
        grid=(n // nb,),
        in_specs=[
            pl.BlockSpec((NC, nb, 128), lambda i: (0, i, 0)),
            pl.BlockSpec((nb, d), lambda i: (i, 0)),
            pl.BlockSpec((nb, d), lambda i: (i, 0)),
        ],
        out_specs=[pl.BlockSpec((nb, d), lambda i: (i, 0))] * 2,
        out_shape=[jax.ShapeDtypeStruct((np_, d), jnp.float32)] * 2,
    )


def _build_mid_kernel(n, np_, d, nb):
    def body(degp_ref, p1x_ref, p1h_ref,
             tx1x_ref, tx1h_ref, t1xs_ref, t1hs_ref):
        dis = _dis_from_deg(degp_ref[...])
        px = p1x_ref[...]
        ph = p1h_ref[...]
        tx1x = -(dis * (px[0] + px[1]))
        tx1h = -(dis * (ph[0] + ph[1]))
        tx1x_ref[...] = tx1x
        tx1h_ref[...] = tx1h
        t1xs_ref[...] = dis * tx1x
        t1hs_ref[...] = dis * tx1h

    return pl.pallas_call(
        body,
        grid=(n // nb,),
        in_specs=[
            pl.BlockSpec((NC, nb, 128), lambda i: (0, i, 0)),
            pl.BlockSpec((NC, nb, d), lambda i: (0, i, 0)),
            pl.BlockSpec((NC, nb, d), lambda i: (0, i, 0)),
        ],
        out_specs=[pl.BlockSpec((nb, d), lambda i: (i, 0))] * 4,
        out_shape=[jax.ShapeDtypeStruct((n, d), jnp.float32)] * 2
        + [jax.ShapeDtypeStruct((np_, d), jnp.float32)] * 2,
    )


def _build_final_kernel(n, d, nb):
    def dot(a, b):
        return lax.dot(a, b, precision=lax.Precision.HIGHEST,
                       preferred_element_type=jnp.float32)

    def body(degp_ref, x_ref, h_ref, tx1x_ref, tx1h_ref, p2x_ref, p2h_ref,
             W1_ref, W2_ref, Wz_ref, Wr_ref, Wc_ref,
             b1_ref, b2_ref, bz_ref, br_ref, bc_ref, out_ref):
        dis = _dis_from_deg(degp_ref[...])
        xb = x_ref[...]
        hb = h_ref[...]
        px = p2x_ref[...]
        ph = p2h_ref[...]
        tx2x = -2.0 * (dis * (px[0] + px[1])) - xb
        tx2h = -2.0 * (dis * (ph[0] + ph[1])) - hb
        W1 = W1_ref[...]
        W2 = W2_ref[...]
        ic = (dot(xb, W1[0]) + dot(tx1x_ref[...], W1[1]) + dot(tx2x, W1[2])
              + b1_ref[...])
        hc = (dot(hb, W2[0]) + dot(tx1h_ref[...], W2[1]) + dot(tx2h, W2[2])
              + b2_ref[...])
        Wz = Wz_ref[...]
        Wr = Wr_ref[...]
        Wc = Wc_ref[...]
        z = jax.nn.sigmoid(dot(ic, Wz[:d]) + dot(hc, Wz[d:]) + bz_ref[...])
        r = jax.nn.sigmoid(dot(ic, Wr[:d]) + dot(hc, Wr[d:]) + br_ref[...])
        ht = jnp.tanh(dot(ic, Wc[:d]) + dot(r * hc, Wc[d:]) + bc_ref[...])
        out_ref[...] = z * hb + (1.0 - z) * ht

    full = lambda shape: pl.BlockSpec(shape, lambda i: tuple(0 for _ in shape))
    return pl.pallas_call(
        body,
        grid=(n // nb,),
        in_specs=[
            pl.BlockSpec((NC, nb, 128), lambda i: (0, i, 0)),
            pl.BlockSpec((nb, d), lambda i: (i, 0)),
            pl.BlockSpec((nb, d), lambda i: (i, 0)),
            pl.BlockSpec((nb, d), lambda i: (i, 0)),
            pl.BlockSpec((nb, d), lambda i: (i, 0)),
            pl.BlockSpec((NC, nb, d), lambda i: (0, i, 0)),
            pl.BlockSpec((NC, nb, d), lambda i: (0, i, 0)),
            full((3, d, d)),
            full((3, d, d)),
            full((2 * d, d)),
            full((2 * d, d)),
            full((2 * d, d)),
            full((1, d)),
            full((1, d)),
            full((1, d)),
            full((1, d)),
            full((1, d)),
        ],
        out_specs=pl.BlockSpec((nb, d), lambda i: (i, 0)),
        out_shape=jax.ShapeDtypeStruct((n, d), jnp.float32),
    )


def kernel(x, edge_index, h, W1, b1, W2, b2, Wz, bz, Wr, br, Wc, bc):
    n, d = x.shape
    e = edge_index.shape[1]
    assert h.shape == (n, d) and e % NW == 0
    ew = e // NW
    ew_p = -(-ew // C) * C
    ch = ew_p // C
    nb = 2000 if n % 2000 == 0 else 400
    np_ = -(-n // (NS * 8)) * (NS * 8)
    assert n % nb == 0 and np_ > n

    src_w = edge_index[0].reshape(NW, ew)
    dst_w = edge_index[1].reshape(NW, ew)
    pad = ew_p - ew
    pad_idx = jnp.full((NW, pad), np_ - 1, jnp.int32)
    src_r = jnp.concatenate([src_w, pad_idx], axis=1).reshape(NW, ch, C)
    dst_r = jnp.concatenate([dst_w, pad_idx], axis=1).reshape(NW, ch, C)

    deg_k = _build_deg_kernel(np_, ch)
    scat_k = _build_scatter_kernel(np_, d, ch)
    scale_k = _build_scale_kernel(n, np_, d, nb)
    mid_k = _build_mid_kernel(n, np_, d, nb)
    final_k = _build_final_kernel(n, d, nb)

    zer = jnp.zeros((np_ // NS, d), jnp.float32)
    ones = jnp.ones((C, d), jnp.float32)

    degp = deg_k(src_r, zer, ones)
    xs, hs = scale_k(degp, x, h)
    p1x, p1h = scat_k(xs, hs, src_r, dst_r, zer)
    tx1x, tx1h, t1xs, t1hs = mid_k(degp, p1x, p1h)
    p2x, p2h = scat_k(t1xs, t1hs, src_r, dst_r, zer)
    return final_k(
        degp, x, h, tx1x, tx1h, p2x, p2h,
        W1, W2, Wz, Wr, Wc,
        b1.reshape(1, d), b2.reshape(1, d), bz.reshape(1, d),
        br.reshape(1, d), bc.reshape(1, d),
    )

# --- scband reference (transcript-rebuilt; emitter-appended) ---
"""Pipeline reference for scband-tgcncell-56057913147770 (READ-ONLY COPY).

The authoritative reference and input builder live on the scoring server;
editing this copy changes nothing except your own understanding.
"""

import jax, jax.numpy as jnp
import numpy as np

N = 10000
E = 320000
D_IN = 128
D_H = 128
K = 3


def setup_inputs(seed: int = 0) -> dict:
    key = jax.random.key(seed)
    ks = jax.random.split(key, 12)
    x = jax.random.normal(ks[0], (N, D_IN), dtype=jnp.float32)
    h = jax.random.normal(ks[1], (N, D_H), dtype=jnp.float32)
    edge_index = jax.random.randint(ks[2], (2, E), 0, N, dtype=jnp.int32)
    s1 = 1.0 / np.sqrt(D_IN)
    s2 = 1.0 / np.sqrt(D_H)
    s3 = 1.0 / np.sqrt(2 * D_H)
    W1 = jax.random.uniform(ks[3], (K, D_IN, D_H), jnp.float32, -s1, s1)
    b1 = jnp.zeros((D_H,), jnp.float32)
    W2 = jax.random.uniform(ks[4], (K, D_H, D_H), jnp.float32, -s2, s2)
    b2 = jnp.zeros((D_H,), jnp.float32)
    Wz = jax.random.uniform(ks[5], (2 * D_H, D_H), jnp.float32, -s3, s3)
    bz = jax.random.uniform(ks[6], (D_H,), jnp.float32, -s3, s3)
    Wr = jax.random.uniform(ks[7], (2 * D_H, D_H), jnp.float32, -s3, s3)
    br = jax.random.uniform(ks[8], (D_H,), jnp.float32, -s3, s3)
    Wc = jax.random.uniform(ks[9], (2 * D_H, D_H), jnp.float32, -s3, s3)
    bc = jax.random.uniform(ks[10], (D_H,), jnp.float32, -s3, s3)
    return {"x": x, "edge_index": edge_index, "h": h,
            "W1": W1, "b1": b1, "W2": W2, "b2": b2,
            "Wz": Wz, "bz": bz, "Wr": Wr, "br": br, "Wc": Wc, "bc": bc}


def cheb_conv(xf, edge_index, W, b):
    # PyG ChebConv with sym normalization, lambda_max=2.0:
    # L_hat = -D^{-1/2} A D^{-1/2}
    src = edge_index[0]
    dst = edge_index[1]
    n = xf.shape[0]
    w = jnp.ones((src.shape[0],), dtype=xf.dtype)
    deg = jnp.zeros((n,), dtype=xf.dtype).at[src].add(w)
    dis = jnp.where(deg > 0, jax.lax.rsqrt(jnp.where(deg > 0, deg, 1.0)), 0.0)
    norm = -dis[src] * w * dis[dst]

    def prop(t):
        msgs = norm[:, None] * jnp.take(t, src, axis=0)
        return jnp.zeros_like(t).at[dst].add(msgs)

    Tx0 = xf
    out = Tx0 @ W[0]
    Tx1 = prop(Tx0)
    out = out + Tx1 @ W[1]
    Tx2 = 2.0 * prop(Tx1) - Tx0
    out = out + Tx2 @ W[2]
    return out + b


def reference(x, edge_index, h, W1, b1, W2, b2, Wz, bz, Wr, br, Wc, bc):
    input_conv = cheb_conv(x, edge_index, W1, b1)
    hidden_conv = cheb_conv(h, edge_index, W2, b2)
    combined = jnp.concatenate([input_conv, hidden_conv], axis=1)
    z = jax.nn.sigmoid(combined @ Wz + bz)
    r = jax.nn.sigmoid(combined @ Wr + br)
    combined_candidate = jnp.concatenate([input_conv, r * hidden_conv], axis=1)
    h_tilde = jnp.tanh(combined_candidate @ Wc + bc)
    h_new = z * h + (1.0 - z) * h_tilde
    return h_new

if __name__ == "__main__":
    import jax
    _d = setup_inputs()
    print(jax.jit(kernel)(*tuple(_d.values())))

</pallas_src>

<mosaic_0001>
#map = affine_map<(d0, d1) -> (0, 0, 0)>
#map1 = affine_map<(d0, d1) -> (0, 0)>
module attributes {stable_mosaic.version = 14 : i64} {
  func.func @deg_kernel(%arg0: i32, %arg1: i32, %arg2: memref<32x79x128xi32, #tpu.memory_space<hbm>>, %arg3: memref<632x128xf32, #tpu.memory_space<hbm>>, %arg4: memref<128x128xf32, #tpu.memory_space<hbm>>, %arg5: memref<2x10112x128xf32, #tpu.memory_space<hbm>>, %arg6: memref<79x128xi32, #tpu.memory_space<vmem>>, %arg7: memref<128x128xf32, #tpu.memory_space<vmem>>, %arg8: memref<10112x128xf32, #tpu.memory_space<vmem_shared>>) attributes {dimension_semantics = [#tpu.dimension_semantics<core_parallel>, #tpu.dimension_semantics<subcore_parallel>], iteration_bounds = array<i64: 2, 16>, scalar_prefetch = 0 : i64, scratch_operands = 3 : i64, tpu.core_type = #tpu.core_type<sc_vector_subcore>, window_params = [{transform_indices = #map}, {transform_indices = #map1}, {transform_indices = #map1}, {transform_indices = #map}]} {
    %mul3A = arith.constant 2 : i32
    %mul3A_0 = arith.muli %arg1, %mul3A : i32
    %add3A = arith.addi %mul3A_0, %arg0 : i32
    "tpu.region"() ({
      %run_scoped3A = tpu.sem_alloc : memref<!tpu.dma_semaphore, #tpu.memory_space<semaphore_mem>>
      tpu.enqueue_dma source(%arg4 : memref<128x128xf32, #tpu.memory_space<hbm>>) target(%arg7 : memref<128x128xf32, #tpu.memory_space<vmem>>) target_semaphore(%run_scoped3A : memref<!tpu.dma_semaphore, #tpu.memory_space<semaphore_mem>>)
      tpu.wait_dma2 semaphore(%run_scoped3A : memref<!tpu.dma_semaphore, #tpu.memory_space<semaphore_mem>>) src(%arg4 : memref<128x128xf32, #tpu.memory_space<hbm>>) dst(%arg7 : memref<128x128xf32, #tpu.memory_space<vmem>>)
      tpu.yield
    }) : () -> ()
    "tpu.region"() ({
      %run_scoped3A = tpu.sem_alloc : memref<!tpu.dma_semaphore, #tpu.memory_space<semaphore_mem>>
      %dma_start3A = arith.constant 0 : i32
      %dma_start3A_13 = arith.constant 0 : i32
      %dma_start3A_14 = tpu.memref_slice %arg2[%add3A, %dma_start3A, %dma_start3A_13] : memref<32x79x128xi32, #tpu.memory_space<hbm>> -> memref<1x79x128xi32, #tpu.memory_space<hbm>>
      %dma_start3A_15 = tpu.memref_squeeze %dma_start3A_14 : memref<1x79x128xi32, #tpu.memory_space<hbm>> -> memref<79x128xi32, #tpu.memory_space<hbm>>
      %dma_start3A_16 = arith.constant 0 : i32
      %dma_start3A_17 = arith.constant 0 : i32
      %dma_start3A_18 = tpu.memref_slice %arg2[%add3A, %dma_start3A_16, %dma_start3A_17] : memref<32x79x128xi32, #tpu.memory_space<hbm>> -> memref<1x79x128xi32, #tpu.memory_space<hbm>>
      %dma_start3A_19 = tpu.memref_squeeze %dma_start3A_18 : memref<1x79x128xi32, #tpu.memory_space<hbm>> -> memref<79x128xi32, #tpu.memory_space<hbm>>
      tpu.enqueue_dma source(%dma_start3A_19 : memref<79x128xi32, #tpu.memory_space<hbm>>) target(%arg6 : memref<79x128xi32, #tpu.memory_space<vmem>>) target_semaphore(%run_scoped3A : memref<!tpu.dma_semaphore, #tpu.memory_space<semaphore_mem>>)
      %dma_wait3A = arith.constant 0 : i32
      %dma_wait3A_20 = arith.constant 0 : i32
      %dma_wait3A_21 = tpu.memref_slice %arg2[%add3A, %dma_wait3A, %dma_wait3A_20] : memref<32x79x128xi32, #tpu.memory_space<hbm>> -> memref<1x79x128xi32, #tpu.memory_space<hbm>>
      %dma_wait3A_22 = tpu.memref_squeeze %dma_wait3A_21 : memref<1x79x128xi32, #tpu.memory_space<hbm>> -> memref<79x128xi32, #tpu.memory_space<hbm>>
      %dma_wait3A_23 = arith.constant 0 : i32
      %dma_wait3A_24 = arith.constant 0 : i32
      %dma_wait3A_25 = tpu.memref_slice %arg2[%add3A, %dma_wait3A_23, %dma_wait3A_24] : memref<32x79x128xi32, #tpu.memory_space<hbm>> -> memref<1x79x128xi32, #tpu.memory_space<hbm>>
      %dma_wait3A_26 = tpu.memref_squeeze %dma_wait3A_25 : memref<1x79x128xi32, #tpu.memory_space<hbm>> -> memref<79x128xi32, #tpu.memory_space<hbm>>
      tpu.wait_dma2 semaphore(%run_scoped3A : memref<!tpu.dma_semaphore, #tpu.memory_space<semaphore_mem>>) src(%dma_wait3A_26 : memref<79x128xi32, #tpu.memory_space<hbm>>) dst(%arg6 : memref<79x128xi32, #tpu.memory_space<vmem>>)
      tpu.yield
    }) : () -> ()
    %mul3A_1 = arith.constant 632 : i32
    %mul3A_2 = arith.muli %arg1, %mul3A_1 : i32
    "tpu.region"() ({
      %run_scoped3A = tpu.sem_alloc : memref<!tpu.dma_semaphore, #tpu.memory_space<semaphore_mem>>
      %dma_start3A = arith.constant 0 : i32
      %dma_start3A_13 = tpu.memref_slice %arg8[%mul3A_2, %dma_start3A] : memref<10112x128xf32, #tpu.memory_space<vmem_shared>> -> memref<632x128xf32, #tpu.memory_space<vmem_shared>>
      tpu.enqueue_dma source(%arg3 : memref<632x128xf32, #tpu.memory_space<hbm>>) target(%dma_start3A_13 : memref<632x128xf32, #tpu.memory_space<vmem_shared>>) target_semaphore(%run_scoped3A : memref<!tpu.dma_semaphore, #tpu.memory_space<semaphore_mem>>)
      %dma_wait3A = arith.constant 0 : i32
      %dma_wait3A_14 = tpu.memref_slice %arg8[%mul3A_2, %dma_wait3A] : memref<10112x128xf32, #tpu.memory_space<vmem_shared>> -> memref<632x128xf32, #tpu.memory_space<vmem_shared>>
      tpu.wait_dma2 semaphore(%run_scoped3A : memref<!tpu.dma_semaphore, #tpu.memory_space<semaphore_mem>>) src(%arg3 : memref<632x128xf32, #tpu.memory_space<hbm>>) dst(%dma_wait3A_14 : memref<632x128xf32, #tpu.memory_space<vmem_shared>>)
      tpu.yield
    }) : () -> ()
    %barrier3A = arith.constant 0 : index
    tpu.barrier barrier_id(%barrier3A)
    %scan3A = arith.constant 0 : i32
    %scan3A_3 = arith.constant 0 : i32
    %scan3A_4 = arith.constant 79 : i32
    %scan3A_5 = arith.addi %scan3A_3, %scan3A_4 : i32
    %scan3A_6 = arith.constant 1 : i32
    scf.for %scan3A_13 = %scan3A_3 to %scan3A_5 step %scan3A_6  : i32 {
      "tpu.region"() ({
        %run_scoped3A = tpu.sem_alloc : memref<!tpu.dma_semaphore, #tpu.memory_space<semaphore_mem>>
        %dma_start3A = arith.constant 0 : i32
        %dma_start3A_14 = tpu.memref_slice %arg6[%scan3A_13, %dma_start3A] : memref<79x128xi32, #tpu.memory_space<vmem>> -> memref<1x128xi32, #tpu.memory_space<vmem>>
        %dma_start3A_15 = tpu.memref_squeeze %dma_start3A_14 : memref<1x128xi32, #tpu.memory_space<vmem>> -> memref<128xi32, #tpu.memory_space<vmem>>
        %dma_start3A_16 = arith.constant 0 : i32
        %dma_start3A_17 = arith.constant 0 : i32
        %dma_start3A_18 = tpu.memref_slice %arg8[%dma_start3A_16, %dma_start3A_17] : memref<10112x128xf32, #tpu.memory_space<vmem_shared>> -> memref<10112x128xf32, #tpu.memory_space<vmem_shared>>
        tpu.enqueue_indirect_dma source(%arg7 : memref<128x128xf32, #tpu.memory_space<vmem>>) target(%dma_start3A_18 : memref<10112x128xf32, #tpu.memory_space<vmem_shared>>) offsets(%dma_start3A_15 : memref<128xi32, #tpu.memory_space<vmem>>) semaphore(%run_scoped3A : memref<!tpu.dma_semaphore, #tpu.memory_space<semaphore_mem>>) {add = true}
        %dma_wait3A = arith.constant 0 : i32
        %dma_wait3A_19 = tpu.memref_slice %arg6[%scan3A_13, %dma_wait3A] : memref<79x128xi32, #tpu.memory_space<vmem>> -> memref<1x128xi32, #tpu.memory_space<vmem>>
        %dma_wait3A_20 = tpu.memref_squeeze %dma_wait3A_19 : memref<1x128xi32, #tpu.memory_space<vmem>> -> memref<128xi32, #tpu.memory_space<vmem>>
        %dma_wait3A_21 = arith.constant 0 : i32
        %dma_wait3A_22 = arith.constant 0 : i32
        %dma_wait3A_23 = tpu.memref_slice %arg8[%dma_wait3A_21, %dma_wait3A_22] : memref<10112x128xf32, #tpu.memory_space<vmem_shared>> -> memref<10112x128xf32, #tpu.memory_space<vmem_shared>>
        tpu.wait_indirect_dma semaphore(%run_scoped3A : memref<!tpu.dma_semaphore, #tpu.memory_space<semaphore_mem>>) src(%arg7 : memref<128x128xf32, #tpu.memory_space<vmem>>) dst(%dma_wait3A_23 : memref<10112x128xf32, #tpu.memory_space<vmem_shared>>)
        tpu.yield
      }) : () -> ()
    }
    %scan3A_7 = arith.constant 79 : i32
    %barrier3A_8 = arith.constant 0 : index
    tpu.barrier barrier_id(%barrier3A_8)
    %mul3A_9 = arith.constant 632 : i32
    %mul3A_10 = arith.muli %arg1, %mul3A_9 : i32
    %mul3A_11 = arith.constant 632 : i32
    %mul3A_12 = arith.muli %arg1, %mul3A_11 : i32
    "tpu.region"() ({
      %run_scoped3A = tpu.sem_alloc : memref<!tpu.dma_semaphore, #tpu.memory_space<semaphore_mem>>
      %dma_start3A = arith.constant 0 : i32
      %dma_start3A_13 = tpu.memref_slice %arg5[%arg0, %mul3A_12, %dma_start3A] : memref<2x10112x128xf32, #tpu.memory_space<hbm>> -> memref<1x632x128xf32, #tpu.memory_space<hbm>>
      %dma_start3A_14 = tpu.memref_squeeze %dma_start3A_13 : memref<1x632x128xf32, #tpu.memory_space<hbm>> -> memref<632x128xf32, #tpu.memory_space<hbm>>
      %dma_start3A_15 = arith.constant 0 : i32
      %dma_start3A_16 = tpu.memref_slice %arg8[%mul3A_10, %dma_start3A_15] : memref<10112x128xf32, #tpu.memory_space<vmem_shared>> -> memref<632x128xf32, #tpu.memory_space<vmem_shared>>
      tpu.enqueue_dma source(%dma_start3A_16 : memref<632x128xf32, #tpu.memory_space<vmem_shared>>) target(%dma_start3A_14 : memref<632x128xf32, #tpu.memory_space<hbm>>) target_semaphore(%run_scoped3A : memref<!tpu.dma_semaphore, #tpu.memory_space<semaphore_mem>>)
      %dma_wait3A = arith.constant 0 : i32
      %dma_wait3A_17 = tpu.memref_slice %arg5[%arg0, %mul3A_12, %dma_wait3A] : memref<2x10112x128xf32, #tpu.memory_space<hbm>> -> memref<1x632x128xf32, #tpu.memory_space<hbm>>
      %dma_wait3A_18 = tpu.memref_squeeze %dma_wait3A_17 : memref<1x632x128xf32, #tpu.memory_space<hbm>> -> memref<632x128xf32, #tpu.memory_space<hbm>>
      %dma_wait3A_19 = arith.constant 0 : i32
      %dma_wait3A_20 = tpu.memref_slice %arg8[%mul3A_10, %dma_wait3A_19] : memref<10112x128xf32, #tpu.memory_space<vmem_shared>> -> memref<632x128xf32, #tpu.memory_space<vmem_shared>>
      tpu.wait_dma2 semaphore(%run_scoped3A : memref<!tpu.dma_semaphore, #tpu.memory_space<semaphore_mem>>) src(%dma_wait3A_20 : memref<632x128xf32, #tpu.memory_space<vmem_shared>>) dst(%dma_wait3A_18 : memref<632x128xf32, #tpu.memory_space<hbm>>)
      tpu.yield
    }) : () -> ()
    return
  }
}

#map = affine_map<(d0, d1) -> (0, 0)>
#map1 = affine_map<(d0, d1) -> (0, 0, 0)>
module attributes {stable_mosaic.version = 14 : i64} {
  func.func @scat_kernel(%arg0: i32, %arg1: i32, %arg2: memref<10112x128xf32, #tpu.memory_space<hbm>>, %arg3: memref<10112x128xf32, #tpu.memory_space<hbm>>, %arg4: memref<32x79x128xi32, #tpu.memory_space<hbm>>, %arg5: memref<32x79x128xi32, #tpu.memory_space<hbm>>, %arg6: memref<632x128xf32, #tpu.memory_space<hbm>>, %arg7: memref<2x10112x128xf32, #tpu.memory_space<hbm>>, %arg8: memref<2x10112x128xf32, #tpu.memory_space<hbm>>, %arg9: memref<79x128xi32, #tpu.memory_space<vmem>>, %arg10: memref<2x128xi32, #tpu.memory_space<vmem>>, %arg11: memref<128x128xf32, #tpu.memory_space<vmem>>, %arg12: memref<128x128xf32, #tpu.memory_space<vmem>>, %arg13: memref<10112x128xf32, #tpu.memory_space<vmem_shared>>, %arg14: memref<!tpu.dma_semaphore, #tpu.memory_space<semaphore_mem>>, %arg15: memref<!tpu.dma_semaphore, #tpu.memory_space<semaphore_mem>>) attributes {dimension_semantics = [#tpu.dimension_semantics<core_parallel>, #tpu.dimension_semantics<subcore_parallel>], iteration_bounds = array<i64: 2, 16>, scalar_prefetch = 0 : i64, scratch_operands = 7 : i64, tpu.core_type = #tpu.core_type<sc_vector_subcore>, window_params = [{transform_indices = #map}, {transform_indices = #map}, {transform_indices = #map1}, {transform_indices = #map1}, {transform_indices = #map}, {transform_indices = #map1}, {transform_indices = #map1}]} {
    %mul3A = arith.constant 2 : i32
    %mul3A_0 = arith.muli %arg1, %mul3A : i32
    %add3A = arith.addi %mul3A_0, %arg0 : i32
    "tpu.region"() ({
      %run_scoped3A_56 = tpu.sem_alloc : memref<!tpu.dma_semaphore, #tpu.memory_space<semaphore_mem>>
      %dma_start3A_57 = arith.constant 0 : i32
      %dma_start3A_58 = arith.constant 0 : i32
      %dma_start3A_59 = tpu.memref_slice %arg4[%add3A, %dma_start3A_57, %dma_start3A_58] : memref<32x79x128xi32, #tpu.memory_space<hbm>> -> memref<1x79x128xi32, #tpu.memory_space<hbm>>
      %dma_start3A_60 = tpu.memref_squeeze %dma_start3A_59 : memref<1x79x128xi32, #tpu.memory_space<hbm>> -> memref<79x128xi32, #tpu.memory_space<hbm>>
      %dma_start3A_61 = arith.constant 0 : i32
      %dma_start3A_62 = arith.constant 0 : i32
      %dma_start3A_63 = tpu.memref_slice %arg4[%add3A, %dma_start3A_61, %dma_start3A_62] : memref<32x79x128xi32, #tpu.memory_space<hbm>> -> memref<1x79x128xi32, #tpu.memory_space<hbm>>
      %dma_start3A_64 = tpu.memref_squeeze %dma_start3A_63 : memref<1x79x128xi32, #tpu.memory_space<hbm>> -> memref<79x128xi32, #tpu.memory_space<hbm>>
      tpu.enqueue_dma source(%dma_start3A_64 : memref<79x128xi32, #tpu.memory_space<hbm>>) target(%arg9 : memref<79x128xi32, #tpu.memory_space<vmem>>) target_semaphore(%run_scoped3A_56 : memref<!tpu.dma_semaphore, #tpu.memory_space<semaphore_mem>>)
      %dma_wait3A_65 = arith.constant 0 : i32
      %dma_wait3A_66 = arith.constant 0 : i32
      %dma_wait3A_67 = tpu.memref_slice %arg4[%add3A, %dma_wait3A_65, %dma_wait3A_66] : memref<32x79x128xi32, #tpu.memory_space<hbm>> -> memref<1x79x128xi32, #tpu.memory_space<hbm>>
      %dma_wait3A_68 = tpu.memref_squeeze %dma_wait3A_67 : memref<1x79x128xi32, #tpu.memory_space<hbm>> -> memref<79x128xi32, #tpu.memory_space<hbm>>
      %dma_wait3A_69 = arith.constant 0 : i32
      %dma_wait3A_70 = arith.constant 0 : i32
      %dma_wait3A_71 = tpu.memref_slice %arg4[%add3A, %dma_wait3A_69, %dma_wait3A_70] : memref<32x79x128xi32, #tpu.memory_space<hbm>> -> memref<1x79x128xi32, #tpu.memory_space<hbm>>
      %dma_wait3A_72 = tpu.memref_squeeze %dma_wait3A_71 : memref<1x79x128xi32, #tpu.memory_space<hbm>> -> memref<79x128xi32, #tpu.memory_space<hbm>>
      tpu.wait_dma2 semaphore(%run_scoped3A_56 : memref<!tpu.dma_semaphore, #tpu.memory_space<semaphore_mem>>) src(%dma_wait3A_72 : memref<79x128xi32, #tpu.memory_space<hbm>>) dst(%arg9 : memref<79x128xi32, #tpu.memory_space<vmem>>)
      tpu.yield
    }) : () -> ()
    %mul3A_1 = arith.constant 632 : i32
    %mul3A_2 = arith.muli %arg1, %mul3A_1 : i32
    "tpu.region"() ({
      %run_scoped3A_56 = tpu.sem_alloc : memref<!tpu.dma_semaphore, #tpu.memory_space<semaphore_mem>>
      %dma_start3A_57 = arith.constant 0 : i32
      %dma_start3A_58 = tpu.memref_slice %arg13[%mul3A_2, %dma_start3A_57] : memref<10112x128xf32, #tpu.memory_space<vmem_shared>> -> memref<632x128xf32, #tpu.memory_space<vmem_shared>>
      tpu.enqueue_dma source(%arg6 : memref<632x128xf32, #tpu.memory_space<hbm>>) target(%dma_start3A_58 : memref<632x128xf32, #tpu.memory_space<vmem_shared>>) target_semaphore(%run_scoped3A_56 : memref<!tpu.dma_semaphore, #tpu.memory_space<semaphore_mem>>)
      %dma_wait3A_59 = arith.constant 0 : i32
      %dma_wait3A_60 = tpu.memref_slice %arg13[%mul3A_2, %dma_wait3A_59] : memref<10112x128xf32, #tpu.memory_space<vmem_shared>> -> memref<632x128xf32, #tpu.memory_space<vmem_shared>>
      tpu.wait_dma2 semaphore(%run_scoped3A_56 : memref<!tpu.dma_semaphore, #tpu.memory_space<semaphore_mem>>) src(%arg6 : memref<632x128xf32, #tpu.memory_space<hbm>>) dst(%dma_wait3A_60 : memref<632x128xf32, #tpu.memory_space<vmem_shared>>)
      tpu.yield
    }) : () -> ()
    %barrier3A = arith.constant 0 : index
    tpu.barrier barrier_id(%barrier3A)
    "tpu.region"() ({
      %run_scoped3A_56 = tpu.sem_alloc : memref<!tpu.dma_semaphore, #tpu.memory_space<semaphore_mem>>
      %dma_start3A_57 = arith.constant 0 : i32
      %dma_start3A_58 = arith.constant 0 : i32
      %dma_start3A_59 = tpu.memref_slice %arg10[%dma_start3A_57, %dma_start3A_58] : memref<2x128xi32, #tpu.memory_space<vmem>> -> memref<1x128xi32, #tpu.memory_space<vmem>>
      %dma_start3A_60 = arith.constant 0 : i32
      %dma_start3A_61 = arith.constant 0 : i32
      %dma_start3A_62 = tpu.memref_slice %arg5[%add3A, %dma_start3A_60, %dma_start3A_61] : memref<32x79x128xi32, #tpu.memory_space<hbm>> -> memref<1x1x128xi32, #tpu.memory_space<hbm>>
      %dma_start3A_63 = tpu.memref_squeeze %dma_start3A_62 : memref<1x1x128xi32, #tpu.memory_space<hbm>> -> memref<1x128xi32, #tpu.memory_space<hbm>>
      %dma_start3A_64 = arith.constant 0 : i32
      %dma_start3A_65 = arith.constant 0 : i32
      %dma_start3A_66 = tpu.memref_slice %arg10[%dma_start3A_64, %dma_start3A_65] : memref<2x128xi32, #tpu.memory_space<vmem>> -> memref<1x128xi32, #tpu.memory_space<vmem>>
      %dma_start3A_67 = arith.constant 0 : i32
      %dma_start3A_68 = arith.constant 0 : i32
      %dma_start3A_69 = tpu.memref_slice %arg5[%add3A, %dma_start3A_67, %dma_start3A_68] : memref<32x79x128xi32, #tpu.memory_space<hbm>> -> memref<1x1x128xi32, #tpu.memory_space<hbm>>
      %dma_start3A_70 = tpu.memref_squeeze %dma_start3A_69 : memref<1x1x128xi32, #tpu.memory_space<hbm>> -> memref<1x128xi32, #tpu.memory_space<hbm>>
      tpu.enqueue_dma source(%dma_start3A_70 : memref<1x128xi32, #tpu.memory_space<hbm>>) target(%dma_start3A_66 : memref<1x128xi32, #tpu.memory_space<vmem>>) target_semaphore(%run_scoped3A_56 : memref<!tpu.dma_semaphore, #tpu.memory_space<semaphore_mem>>)
      %dma_wait3A_71 = arith.constant 0 : i32
      %dma_wait3A_72 = arith.constant 0 : i32
      %dma_wait3A_73 = tpu.memref_slice %arg10[%dma_wait3A_71, %dma_wait3A_72] : memref<2x128xi32, #tpu.memory_space<vmem>> -> memref<1x128xi32, #tpu.memory_space<vmem>>
      %dma_wait3A_74 = arith.constant 0 : i32
      %dma_wait3A_75 = arith.constant 0 : i32
      %dma_wait3A_76 = tpu.memref_slice %arg5[%add3A, %dma_wait3A_74, %dma_wait3A_75] : memref<32x79x128xi32, #tpu.memory_space<hbm>> -> memref<1x1x128xi32, #tpu.memory_space<hbm>>
      %dma_wait3A_77 = tpu.memref_squeeze %dma_wait3A_76 : memref<1x1x128xi32, #tpu.memory_space<hbm>> -> memref<1x128xi32, #tpu.memory_space<hbm>>
      %dma_wait3A_78 = arith.constant 0 : i32
      %dma_wait3A_79 = arith.constant 0 : i32
      %dma_wait3A_80 = tpu.memref_slice %arg10[%dma_wait3A_78, %dma_wait3A_79] : memref<2x128xi32, #tpu.memory_space<vmem>> -> memref<1x128xi32, #tpu.memory_space<vmem>>
      %dma_wait3A_81 = arith.constant 0 : i32
      %dma_wait3A_82 = arith.constant 0 : i32
      %dma_wait3A_83 = tpu.memref_slice %arg5[%add3A, %dma_wait3A_81, %dma_wait3A_82] : memref<32x79x128xi32, #tpu.memory_space<hbm>> -> memref<1x1x128xi32, #tpu.memory_space<hbm>>
      %dma_wait3A_84 = tpu.memref_squeeze %dma_wait3A_83 : memref<1x1x128xi32, #tpu.memory_space<hbm>> -> memref<1x128xi32, #tpu.memory_space<hbm>>
      tpu.wait_dma2 semaphore(%run_scoped3A_56 : memref<!tpu.dma_semaphore, #tpu.memory_space<semaphore_mem>>) src(%dma_wait3A_84 : memref<1x128xi32, #tpu.memory_space<hbm>>) dst(%dma_wait3A_80 : memref<1x128xi32, #tpu.memory_space<vmem>>)
      tpu.yield
    }) : () -> ()
    %dma_start3A = arith.constant 0 : i32
    %dma_start3A_3 = arith.constant 0 : i32
    %dma_start3A_4 = tpu.memref_slice %arg9[%dma_start3A, %dma_start3A_3] : memref<79x128xi32, #tpu.memory_space<vmem>> -> memref<1x128xi32, #tpu.memory_space<vmem>>
    %dma_start3A_5 = tpu.memref_squeeze %dma_start3A_4 : memref<1x128xi32, #tpu.memory_space<vmem>> -> memref<128xi32, #tpu.memory_space<vmem>>
    %dma_start3A_6 = arith.constant 0 : i32
    %dma_start3A_7 = arith.constant 0 : i32
    %dma_start3A_8 = tpu.memref_slice %arg2[%dma_start3A_6, %dma_start3A_7] : memref<10112x128xf32, #tpu.memory_space<hbm>> -> memref<10112x128xf32, #tpu.memory_space<hbm>>
    tpu.enqueue_indirect_dma source(%dma_start3A_8 : memref<10112x128xf32, #tpu.memory_space<hbm>>) target(%arg11 : memref<128x128xf32, #tpu.memory_space<vmem>>) offsets(%dma_start3A_5 : memref<128xi32, #tpu.memory_space<vmem>>) semaphore(%arg14 : memref<!tpu.dma_semaphore, #tpu.memory_space<semaphore_mem>>)
    %scan3A = arith.constant 0 : i32
    %scan3A_9 = arith.constant 0 : i32
    %scan3A_10 = arith.constant 39 : i32
    %scan3A_11 = arith.addi %scan3A_9, %scan3A_10 : i32
    %scan3A_12 = arith.constant 1 : i32
    scf.for %scan3A_56 = %scan3A_9 to %scan3A_11 step %scan3A_12  : i32 {
      %mul3A_57 = arith.constant 2 : i32
      %mul3A_58 = arith.muli %mul3A_57, %scan3A_56 : i32
      %add3A_59 = arith.constant 1 : i32
      %add3A_60 = arith.addi %mul3A_58, %add3A_59 : i32
      "tpu.region"() ({
        %run_scoped3A_97 = tpu.sem_alloc : memref<!tpu.dma_semaphore, #tpu.memory_space<semaphore_mem>>
        %dma_start3A_98 = arith.constant 1 : i32
        %dma_start3A_99 = arith.constant 0 : i32
        %dma_start3A_100 = tpu.memref_slice %arg10[%dma_start3A_98, %dma_start3A_99] : memref<2x128xi32, #tpu.memory_space<vmem>> -> memref<1x128xi32, #tpu.memory_space<vmem>>
        %dma_start3A_101 = arith.constant 0 : i32
        %dma_start3A_102 = tpu.memref_slice %arg5[%add3A, %add3A_60, %dma_start3A_101] : memref<32x79x128xi32, #tpu.memory_space<hbm>> -> memref<1x1x128xi32, #tpu.memory_space<hbm>>
        %dma_start3A_103 = tpu.memref_squeeze %dma_start3A_102 : memref<1x1x128xi32, #tpu.memory_space<hbm>> -> memref<1x128xi32, #tpu.memory_space<hbm>>
        %dma_start3A_104 = arith.constant 1 : i32
        %dma_start3A_105 = arith.constant 0 : i32
        %dma_start3A_106 = tpu.memref_slice %arg10[%dma_start3A_104, %dma_start3A_105] : memref<2x128xi32, #tpu.memory_space<vmem>> -> memref<1x128xi32, #tpu.memory_space<vmem>>
        %dma_start3A_107 = arith.constant 0 : i32
        %dma_start3A_108 = tpu.memref_slice %arg5[%add3A, %add3A_60, %dma_start3A_107] : memref<32x79x128xi32, #tpu.memory_space<hbm>> -> memref<1x1x128xi32, #tpu.memory_space<hbm>>
        %dma_start3A_109 = tpu.memref_squeeze %dma_start3A_108 : memref<1x1x128xi32, #tpu.memory_space<hbm>> -> memref<1x128xi32, #tpu.memory_space<hbm>>
        tpu.enqueue_dma source(%dma_start3A_109 : memref<1x128xi32, #tpu.memory_space<hbm>>) target(%dma_start3A_106 : memref<1x128xi32, #tpu.memory_space<vmem>>) target_semaphore(%run_scoped3A_97 : memref<!tpu.dma_semaphore, #tpu.memory_space<semaphore_mem>>)
        %dma_wait3A_110 = arith.constant 1 : i32
        %dma_wait3A_111 = arith.constant 0 : i32
        %dma_wait3A_112 = tpu.memref_slice %arg10[%dma_wait3A_110, %dma_wait3A_111] : memref<2x128xi32, #tpu.memory_space<vmem>> -> memref<1x128xi32, #tpu.memory_space<vmem>>
        %dma_wait3A_113 = arith.constant 0 : i32
        %dma_wait3A_114 = tpu.memref_slice %arg5[%add3A, %add3A_60, %dma_wait3A_113] : memref<32x79x128xi32, #tpu.memory_space<hbm>> -> memref<1x1x128xi32, #tpu.memory_space<hbm>>
        %dma_wait3A_115 = tpu.memref_squeeze %dma_wait3A_114 : memref<1x1x128xi32, #tpu.memory_space<hbm>> -> memref<1x128xi32, #tpu.memory_space<hbm>>
        %dma_wait3A_116 = arith.constant 1 : i32
        %dma_wait3A_117 = arith.constant 0 : i32
        %dma_wait3A_118 = tpu.memref_slice %arg10[%dma_wait3A_116, %dma_wait3A_117] : memref<2x128xi32, #tpu.memory_space<vmem>> -> memref<1x128xi32, #tpu.memory_space<vmem>>
        %dma_wait3A_119 = arith.constant 0 : i32
        %dma_wait3A_120 = tpu.memref_slice %arg5[%add3A, %add3A_60, %dma_wait3A_119] : memref<32x79x128xi32, #tpu.memory_space<hbm>> -> memref<1x1x128xi32, #tpu.memory_space<hbm>>
        %dma_wait3A_121 = tpu.memref_squeeze %dma_wait3A_120 : memref<1x1x128xi32, #tpu.memory_space<hbm>> -> memref<1x128xi32, #tpu.memory_space<hbm>>
        tpu.wait_dma2 semaphore(%run_scoped3A_97 : memref<!tpu.dma_semaphore, #tpu.memory_space<semaphore_mem>>) src(%dma_wait3A_121 : memref<1x128xi32, #tpu.memory_space<hbm>>) dst(%dma_wait3A_118 : memref<1x128xi32, #tpu.memory_space<vmem>>)
        tpu.yield
      }) : () -> ()
      %dma_start3A_61 = arith.constant 0 : i32
      %dma_start3A_62 = tpu.memref_slice %arg9[%add3A_60, %dma_start3A_61] : memref<79x128xi32, #tpu.memory_space<vmem>> -> memref<1x128xi32, #tpu.memory_space<vmem>>
      %dma_start3A_63 = tpu.memref_squeeze %dma_start3A_62 : memref<1x128xi32, #tpu.memory_space<vmem>> -> memref<128xi32, #tpu.memory_space<vmem>>
      %dma_start3A_64 = arith.constant 0 : i32
      %dma_start3A_65 = arith.constant 0 : i32
      %dma_start3A_66 = tpu.memref_slice %arg2[%dma_start3A_64, %dma_start3A_65] : memref<10112x128xf32, #tpu.memory_space<hbm>> -> memref<10112x128xf32, #tpu.memory_space<hbm>>
      tpu.enqueue_indirect_dma source(%dma_start3A_66 : memref<10112x128xf32, #tpu.memory_space<hbm>>) target(%arg12 : memref<128x128xf32, #tpu.memory_space<vmem>>) offsets(%dma_start3A_63 : memref<128xi32, #tpu.memory_space<vmem>>) semaphore(%arg15 : memref<!tpu.dma_semaphore, #tpu.memory_space<semaphore_mem>>)
      %mul3A_67 = arith.constant 2 : i32
      %mul3A_68 = arith.muli %mul3A_67, %scan3A_56 : i32
      %dma_wait3A_69 = arith.constant 0 : i32
      %dma_wait3A_70 = tpu.memref_slice %arg9[%mul3A_68, %dma_wait3A_69] : memref<79x128xi32, #tpu.memory_space<vmem>> -> memref<1x128xi32, #tpu.memory_space<vmem>>
      %dma_wait3A_71 = tpu.memref_squeeze %dma_wait3A_70 : memref<1x128xi32, #tpu.memory_space<vmem>> -> memref<128xi32, #tpu.memory_space<vmem>>
      %dma_wait3A_72 = arith.constant 0 : i32
      %dma_wait3A_73 = arith.constant 0 : i32
      %dma_wait3A_74 = tpu.memref_slice %arg2[%dma_wait3A_72, %dma_wait3A_73] : memref<10112x128xf32, #tpu.memory_space<hbm>> -> memref<10112x128xf32, #tpu.memory_space<hbm>>
      tpu.wait_indirect_dma semaphore(%arg14 : memref<!tpu.dma_semaphore, #tpu.memory_space<semaphore_mem>>) src(%dma_wait3A_74 : memref<10112x128xf32, #tpu.memory_space<hbm>>) dst(%arg11 : memref<128x128xf32, #tpu.memory_space<vmem>>)
      %run_scoped3A_75 = arith.constant 0 : i32
      "tpu.region"() ({
        %run_scoped3A_97 = tpu.sem_alloc : memref<!tpu.dma_semaphore, #tpu.memory_space<semaphore_mem>>
        %dma_start3A_98 = arith.constant 0 : i32
        %dma_start3A_99 = tpu.memref_slice %arg10[%run_scoped3A_75, %dma_start3A_98] : memref<2x128xi32, #tpu.memory_space<vmem>> -> memref<1x128xi32, #tpu.memory_space<vmem>>
        %dma_start3A_100 = tpu.memref_squeeze %dma_start3A_99 : memref<1x128xi32, #tpu.memory_space<vmem>> -> memref<128xi32, #tpu.memory_space<vmem>>
        %dma_start3A_101 = arith.constant 0 : i32
        %dma_start3A_102 = arith.constant 0 : i32
        %dma_start3A_103 = tpu.memref_slice %arg13[%dma_start3A_101, %dma_start3A_102] : memref<10112x128xf32, #tpu.memory_space<vmem_shared>> -> memref<10112x128xf32, #tpu.memory_space<vmem_shared>>
        tpu.enqueue_indirect_dma source(%arg11 : memref<128x128xf32, #tpu.memory_space<vmem>>) target(%dma_start3A_103 : memref<10112x128xf32, #tpu.memory_space<vmem_shared>>) offsets(%dma_start3A_100 : memref<128xi32, #tpu.memory_space<vmem>>) semaphore(%run_scoped3A_97 : memref<!tpu.dma_semaphore, #tpu.memory_space<semaphore_mem>>) {add = true}
        %dma_wait3A_104 = arith.constant 0 : i32
        %dma_wait3A_105 = tpu.memref_slice %arg10[%run_scoped3A_75, %dma_wait3A_104] : memref<2x128xi32, #tpu.memory_space<vmem>> -> memref<1x128xi32, #tpu.memory_space<vmem>>
        %dma_wait3A_106 = tpu.memref_squeeze %dma_wait3A_105 : memref<1x128xi32, #tpu.memory_space<vmem>> -> memref<128xi32, #tpu.memory_space<vmem>>
        %dma_wait3A_107 = arith.constant 0 : i32
        %dma_wait3A_108 = arith.constant 0 : i32
        %dma_wait3A_109 = tpu.memref_slice %arg13[%dma_wait3A_107, %dma_wait3A_108] : memref<10112x128xf32, #tpu.memory_space<vmem_shared>> -> memref<10112x128xf32, #tpu.memory_space<vmem_shared>>
        tpu.wait_indirect_dma semaphore(%run_scoped3A_97 : memref<!tpu.dma_semaphore, #tpu.memory_space<semaphore_mem>>) src(%arg11 : memref<128x128xf32, #tpu.memory_space<vmem>>) dst(%dma_wait3A_109 : memref<10112x128xf32, #tpu.memory_space<vmem_shared>>)
        tpu.yield
      }) : () -> ()
      %mul3A_76 = arith.constant 2 : i32
      %mul3A_77 = arith.muli %mul3A_76, %scan3A_56 : i32
      %add3A_78 = arith.constant 2 : i32
      %add3A_79 = arith.addi %mul3A_77, %add3A_78 : i32
      "tpu.region"() ({
        %run_scoped3A_97 = tpu.sem_alloc : memref<!tpu.dma_semaphore, #tpu.memory_space<semaphore_mem>>
        %dma_start3A_98 = arith.constant 0 : i32
        %dma_start3A_99 = arith.constant 0 : i32
        %dma_start3A_100 = tpu.memref_slice %arg10[%dma_start3A_98, %dma_start3A_99] : memref<2x128xi32, #tpu.memory_space<vmem>> -> memref<1x128xi32, #tpu.memory_space<vmem>>
        %dma_start3A_101 = arith.constant 0 : i32
        %dma_start3A_102 = tpu.memref_slice %arg5[%add3A, %add3A_79, %dma_start3A_101] : memref<32x79x128xi32, #tpu.memory_space<hbm>> -> memref<1x1x128xi32, #tpu.memory_space<hbm>>
        %dma_start3A_103 = tpu.memref_squeeze %dma_start3A_102 : memref<1x1x128xi32, #tpu.memory_space<hbm>> -> memref<1x128xi32, #tpu.memory_space<hbm>>
        %dma_start3A_104 = arith.constant 0 : i32
        %dma_start3A_105 = arith.constant 0 : i32
        %dma_start3A_106 = tpu.memref_slice %arg10[%dma_start3A_104, %dma_start3A_105] : memref<2x128xi32, #tpu.memory_space<vmem>> -> memref<1x128xi32, #tpu.memory_space<vmem>>
        %dma_start3A_107 = arith.constant 0 : i32
        %dma_start3A_108 = tpu.memref_slice %arg5[%add3A, %add3A_79, %dma_start3A_107] : memref<32x79x128xi32, #tpu.memory_space<hbm>> -> memref<1x1x128xi32, #tpu.memory_space<hbm>>
        %dma_start3A_109 = tpu.memref_squeeze %dma_start3A_108 : memref<1x1x128xi32, #tpu.memory_space<hbm>> -> memref<1x128xi32, #tpu.memory_space<hbm>>
        tpu.enqueue_dma source(%dma_start3A_109 : memref<1x128xi32, #tpu.memory_space<hbm>>) target(%dma_start3A_106 : memref<1x128xi32, #tpu.memory_space<vmem>>) target_semaphore(%run_scoped3A_97 : memref<!tpu.dma_semaphore, #tpu.memory_space<semaphore_mem>>)
        %dma_wait3A_110 = arith.constant 0 : i32
        %dma_wait3A_111 = arith.constant 0 : i32
        %dma_wait3A_112 = tpu.memref_slice %arg10[%dma_wait3A_110, %dma_wait3A_111] : memref<2x128xi32, #tpu.memory_space<vmem>> -> memref<1x128xi32, #tpu.memory_space<vmem>>
        %dma_wait3A_113 = arith.constant 0 : i32
        %dma_wait3A_114 = tpu.memref_slice %arg5[%add3A, %add3A_79, %dma_wait3A_113] : memref<32x79x128xi32, #tpu.memory_space<hbm>> -> memref<1x1x128xi32, #tpu.memory_space<hbm>>
        %dma_wait3A_115 = tpu.memref_squeeze %dma_wait3A_114 : memref<1x1x128xi32, #tpu.memory_space<hbm>> -> memref<1x128xi32, #tpu.memory_space<hbm>>
        %dma_wait3A_116 = arith.constant 0 : i32
        %dma_wait3A_117 = arith.constant 0 : i32
        %dma_wait3A_118 = tpu.memref_slice %arg10[%dma_wait3A_116, %dma_wait3A_117] : memref<2x128xi32, #tpu.memory_space<vmem>> -> memref<1x128xi32, #tpu.memory_space<vmem>>
        %dma_wait3A_119 = arith.constant 0 : i32
        %dma_wait3A_120 = tpu.memref_slice %arg5[%add3A, %add3A_79, %dma_wait3A_119] : memref<32x79x128xi32, #tpu.memory_space<hbm>> -> memref<1x1x128xi32, #tpu.memory_space<hbm>>
        %dma_wait3A_121 = tpu.memref_squeeze %dma_wait3A_120 : memref<1x1x128xi32, #tpu.memory_space<hbm>> -> memref<1x128xi32, #tpu.memory_space<hbm>>
        tpu.wait_dma2 semaphore(%run_scoped3A_97 : memref<!tpu.dma_semaphore, #tpu.memory_space<semaphore_mem>>) src(%dma_wait3A_121 : memref<1x128xi32, #tpu.memory_space<hbm>>) dst(%dma_wait3A_118 : memref<1x128xi32, #tpu.memory_space<vmem>>)
        tpu.yield
      }) : () -> ()
      %dma_start3A_80 = arith.constant 0 : i32
      %dma_start3A_81 = tpu.memref_slice %arg9[%add3A_79, %dma_start3A_80] : memref<79x128xi32, #tpu.memory_space<vmem>> -> memref<1x128xi32, #tpu.memory_space<vmem>>
      %dma_start3A_82 = tpu.memref_squeeze %dma_start3A_81 : memref<1x128xi32, #tpu.memory_space<vmem>> -> memref<128xi32, #tpu.memory_space<vmem>>
      %dma_start3A_83 = arith.constant 0 : i32
      %dma_start3A_84 = arith.constant 0 : i32
      %dma_start3A_85 = tpu.memref_slice %arg2[%dma_start3A_83, %dma_start3A_84] : memref<10112x128xf32, #tpu.memory_space<hbm>> -> memref<10112x128xf32, #tpu.memory_space<hbm>>
      tpu.enqueue_indirect_dma source(%dma_start3A_85 : memref<10112x128xf32, #tpu.memory_space<hbm>>) target(%arg11 : memref<128x128xf32, #tpu.memory_space<vmem>>) offsets(%dma_start3A_82 : memref<128xi32, #tpu.memory_space<vmem>>) semaphore(%arg14 : memref<!tpu.dma_semaphore, #tpu.memory_space<semaphore_mem>>)
      %mul3A_86 = arith.constant 2 : i32
      %mul3A_87 = arith.muli %mul3A_86, %scan3A_56 : i32
      %add3A_88 = arith.constant 1 : i32
      %add3A_89 = arith.addi %mul3A_87, %add3A_88 : i32
      %dma_wait3A_90 = arith.constant 0 : i32
      %dma_wait3A_91 = tpu.memref_slice %arg9[%add3A_89, %dma_wait3A_90] : memref<79x128xi32, #tpu.memory_space<vmem>> -> memref<1x128xi32, #tpu.memory_space<vmem>>
      %dma_wait3A_92 = tpu.memref_squeeze %dma_wait3A_91 : memref<1x128xi32, #tpu.memory_space<vmem>> -> memref<128xi32, #tpu.memory_space<vmem>>
      %dma_wait3A_93 = arith.constant 0 : i32
      %dma_wait3A_94 = arith.constant 0 : i32
      %dma_wait3A_95 = tpu.memref_slice %arg2[%dma_wait3A_93, %dma_wait3A_94] : memref<10112x128xf32, #tpu.memory_space<hbm>> -> memref<10112x128xf32, #tpu.memory_space<hbm>>
      tpu.wait_indirect_dma semaphore(%arg15 : memref<!tpu.dma_semaphore, #tpu.memory_space<semaphore_mem>>) src(%dma_wait3A_95 : memref<10112x128xf32, #tpu.memory_space<hbm>>) dst(%arg12 : memref<128x128xf32, #tpu.memory_space<vmem>>)
      %run_scoped3A_96 = arith.constant 1 : i32
      "tpu.region"() ({
        %run_scoped3A_97 = tpu.sem_alloc : memref<!tpu.dma_semaphore, #tpu.memory_space<semaphore_mem>>
        %dma_start3A_98 = arith.constant 0 : i32
        %dma_start3A_99 = tpu.memref_slice %arg10[%run_scoped3A_96, %dma_start3A_98] : memref<2x128xi32, #tpu.memory_space<vmem>> -> memref<1x128xi32, #tpu.memory_space<vmem>>
        %dma_start3A_100 = tpu.memref_squeeze %dma_start3A_99 : memref<1x128xi32, #tpu.memory_space<vmem>> -> memref<128xi32, #tpu.memory_space<vmem>>
        %dma_start3A_101 = arith.constant 0 : i32
        %dma_start3A_102 = arith.constant 0 : i32
        %dma_start3A_103 = tpu.memref_slice %arg13[%dma_start3A_101, %dma_start3A_102] : memref<10112x128xf32, #tpu.memory_space<vmem_shared>> -> memref<10112x128xf32, #tpu.memory_space<vmem_shared>>
        tpu.enqueue_indirect_dma source(%arg12 : memref<128x128xf32, #tpu.memory_space<vmem>>) target(%dma_start3A_103 : memref<10112x128xf32, #tpu.memory_space<vmem_shared>>) offsets(%dma_start3A_100 : memref<128xi32, #tpu.memory_space<vmem>>) semaphore(%run_scoped3A_97 : memref<!tpu.dma_semaphore, #tpu.memory_space<semaphore_mem>>) {add = true}
        %dma_wait3A_104 = arith.constant 0 : i32
        %dma_wait3A_105 = tpu.memref_slice %arg10[%run_scoped3A_96, %dma_wait3A_104] : memref<2x128xi32, #tpu.memory_space<vmem>> -> memref<1x128xi32, #tpu.memory_space<vmem>>
        %dma_wait3A_106 = tpu.memref_squeeze %dma_wait3A_105 : memref<1x128xi32, #tpu.memory_space<vmem>> -> memref<128xi32, #tpu.memory_space<vmem>>
        %dma_wait3A_107 = arith.constant 0 : i32
        %dma_wait3A_108 = arith.constant 0 : i32
        %dma_wait3A_109 = tpu.memref_slice %arg13[%dma_wait3A_107, %dma_wait3A_108] : memref<10112x128xf32, #tpu.memory_space<vmem_shared>> -> memref<10112x128xf32, #tpu.memory_space<vmem_shared>>
        tpu.wait_indirect_dma semaphore(%run_scoped3A_97 : memref<!tpu.dma_semaphore, #tpu.memory_space<semaphore_mem>>) src(%arg12 : memref<128x128xf32, #tpu.memory_space<vmem>>) dst(%dma_wait3A_109 : memref<10112x128xf32, #tpu.memory_space<vmem_shared>>)
        tpu.yield
      }) : () -> ()
    }
    %scan3A_13 = arith.constant 39 : i32
    %dma_wait3A = arith.constant 78 : i32
    %dma_wait3A_14 = arith.constant 0 : i32
    %dma_wait3A_15 = tpu.memref_slice %arg9[%dma_wait3A, %dma_wait3A_14] : memref<79x128xi32, #tpu.memory_space<vmem>> -> memref<1x128xi32, #tpu.memory_space<vmem>>
    %dma_wait3A_16 = tpu.memref_squeeze %dma_wait3A_15 : memref<1x128xi32, #tpu.memory_space<vmem>> -> memref<128xi32, #tpu.memory_space<vmem>>
    %dma_wait3A_17 = arith.constant 0 : i32
    %dma_wait3A_18 = arith.constant 0 : i32
    %dma_wait3A_19 = tpu.memref_slice %arg2[%dma_wait3A_17, %dma_wait3A_18] : memref<10112x128xf32, #tpu.memory_space<hbm>> -> memref<10112x128xf32, #tpu.memory_space<hbm>>
    tpu.wait_indirect_dma semaphore(%arg14 : memref<!tpu.dma_semaphore, #tpu.memory_space<semaphore_mem>>) src(%dma_wait3A_19 : memref<10112x128xf32, #tpu.memory_space<hbm>>) dst(%arg11 : memref<128x128xf32, #tpu.memory_space<vmem>>)
    %run_scoped3A = arith.constant 0 : i32
    "tpu.region"() ({
      %run_scoped3A_56 = tpu.sem_alloc : memref<!tpu.dma_semaphore, #tpu.memory_space<semaphore_mem>>
      %dma_start3A_57 = arith.constant 0 : i32
      %dma_start3A_58 = tpu.memref_slice %arg10[%run_scoped3A, %dma_start3A_57] : memref<2x128xi32, #tpu.memory_space<vmem>> -> memref<1x128xi32, #tpu.memory_space<vmem>>
      %dma_start3A_59 = tpu.memref_squeeze %dma_start3A_58 : memref<1x128xi32, #tpu.memory_space<vmem>> -> memref<128xi32, #tpu.memory_space<vmem>>
      %dma_start3A_60 = arith.constant 0 : i32
      %dma_start3A_61 = arith.constant 0 : i32
      %dma_start3A_62 = tpu.memref_slice %arg13[%dma_start3A_60, %dma_start3A_61] : memref<10112x128xf32, #tpu.memory_space<vmem_shared>> -> memref<10112x128xf32, #tpu.memory_space<vmem_shared>>
      tpu.enqueue_indirect_dma source(%arg11 : memref<128x128xf32, #tpu.memory_space<vmem>>) target(%dma_start3A_62 : memref<10112x128xf32, #tpu.memory_space<vmem_shared>>) offsets(%dma_start3A_59 : memref<128xi32, #tpu.memory_space<vmem>>) semaphore(%run_scoped3A_56 : memref<!tpu.dma_semaphore, #tpu.memory_space<semaphore_mem>>) {add = true}
      %dma_wait3A_63 = arith.constant 0 : i32
      %dma_wait3A_64 = tpu.memref_slice %arg10[%run_scoped3A, %dma_wait3A_63] : memref<2x128xi32, #tpu.memory_space<vmem>> -> memref<1x128xi32, #tpu.memory_space<vmem>>
      %dma_wait3A_65 = tpu.memref_squeeze %dma_wait3A_64 : memref<1x128xi32, #tpu.memory_space<vmem>> -> memref<128xi32, #tpu.memory_space<vmem>>
      %dma_wait3A_66 = arith.constant 0 : i32
      %dma_wait3A_67 = arith.constant 0 : i32
      %dma_wait3A_68 = tpu.memref_slice %arg13[%dma_wait3A_66, %dma_wait3A_67] : memref<10112x128xf32, #tpu.memory_space<vmem_shared>> -> memref<10112x128xf32, #tpu.memory_space<vmem_shared>>
      tpu.wait_indirect_dma semaphore(%run_scoped3A_56 : memref<!tpu.dma_semaphore, #tpu.memory_space<semaphore_mem>>) src(%arg11 : memref<128x128xf32, #tpu.memory_space<vmem>>) dst(%dma_wait3A_68 : memref<10112x128xf32, #tpu.memory_space<vmem_shared>>)
      tpu.yield
    }) : () -> ()
    %barrier3A_20 = arith.constant 0 : index
    tpu.barrier barrier_id(%barrier3A_20)
    %mul3A_21 = arith.constant 632 : i32
    %mul3A_22 = arith.muli %arg1, %mul3A_21 : i32
    %mul3A_23 = arith.constant 632 : i32
    %mul3A_24 = arith.muli %arg1, %mul3A_23 : i32
    "tpu.region"() ({
      %run_scoped3A_56 = tpu.sem_alloc : memref<!tpu.dma_semaphore, #tpu.memory_space<semaphore_mem>>
      %dma_start3A_57 = arith.constant 0 : i32
      %dma_start3A_58 = tpu.memref_slice %arg7[%arg0, %mul3A_24, %dma_start3A_57] : memref<2x10112x128xf32, #tpu.memory_space<hbm>> -> memref<1x632x128xf32, #tpu.memory_space<hbm>>
      %dma_start3A_59 = tpu.memref_squeeze %dma_start3A_58 : memref<1x632x128xf32, #tpu.memory_space<hbm>> -> memref<632x128xf32, #tpu.memory_space<hbm>>
      %dma_start3A_60 = arith.constant 0 : i32
      %dma_start3A_61 = tpu.memref_slice %arg13[%mul3A_22, %dma_start3A_60] : memref<10112x128xf32, #tpu.memory_space<vmem_shared>> -> memref<632x128xf32, #tpu.memory_space<vmem_shared>>
      tpu.enqueue_dma source(%dma_start3A_61 : memref<632x128xf32, #tpu.memory_space<vmem_shared>>) target(%dma_start3A_59 : memref<632x128xf32, #tpu.memory_space<hbm>>) target_semaphore(%run_scoped3A_56 : memref<!tpu.dma_semaphore, #tpu.memory_space<semaphore_mem>>)
      %dma_wait3A_62 = arith.constant 0 : i32
      %dma_wait3A_63 = tpu.memref_slice %arg7[%arg0, %mul3A_24, %dma_wait3A_62] : memref<2x10112x128xf32, #tpu.memory_space<hbm>> -> memref<1x632x128xf32, #tpu.memory_space<hbm>>
      %dma_wait3A_64 = tpu.memref_squeeze %dma_wait3A_63 : memref<1x632x128xf32, #tpu.memory_space<hbm>> -> memref<632x128xf32, #tpu.memory_space<hbm>>
      %dma_wait3A_65 = arith.constant 0 : i32
      %dma_wait3A_66 = tpu.memref_slice %arg13[%mul3A_22, %dma_wait3A_65] : memref<10112x128xf32, #tpu.memory_space<vmem_shared>> -> memref<632x128xf32, #tpu.memory_space<vmem_shared>>
      tpu.wait_dma2 semaphore(%run_scoped3A_56 : memref<!tpu.dma_semaphore, #tpu.memory_space<semaphore_mem>>) src(%dma_wait3A_66 : memref<632x128xf32, #tpu.memory_space<vmem_shared>>) dst(%dma_wait3A_64 : memref<632x128xf32, #tpu.memory_space<hbm>>)
      tpu.yield
    }) : () -> ()
    %barrier3A_25 = arith.constant 0 : index
    tpu.barrier barrier_id(%barrier3A_25)
    %mul3A_26 = arith.constant 632 : i32
    %mul3A_27 = arith.muli %arg1, %mul3A_26 : i32
    "tpu.region"() ({
      %run_scoped3A_56 = tpu.sem_alloc : memref<!tpu.dma_semaphore, #tpu.memory_space<semaphore_mem>>
      %dma_start3A_57 = arith.constant 0 : i32
      %dma_start3A_58 = tpu.memref_slice %arg13[%mul3A_27, %dma_start3A_57] : memref<10112x128xf32, #tpu.memory_space<vmem_shared>> -> memref<632x128xf32, #tpu.memory_space<vmem_shared>>
      tpu.enqueue_dma source(%arg6 : memref<632x128xf32, #tpu.memory_space<hbm>>) target(%dma_start3A_58 : memref<632x128xf32, #tpu.memory_space<vmem_shared>>) target_semaphore(%run_scoped3A_56 : memref<!tpu.dma_semaphore, #tpu.memory_space<semaphore_mem>>)
      %dma_wait3A_59 = arith.constant 0 : i32
      %dma_wait3A_60 = tpu.memref_slice %arg13[%mul3A_27, %dma_wait3A_59] : memref<10112x128xf32, #tpu.memory_space<vmem_shared>> -> memref<632x128xf32, #tpu.memory_space<vmem_shared>>
      tpu.wait_dma2 semaphore(%run_scoped3A_56 : memref<!tpu.dma_semaphore, #tpu.memory_space<semaphore_mem>>) src(%arg6 : memref<632x128xf32, #tpu.memory_space<hbm>>) dst(%dma_wait3A_60 : memref<632x128xf32, #tpu.memory_space<vmem_shared>>)
      tpu.yield
    }) : () -> ()
    %barrier3A_28 = arith.constant 0 : index
    tpu.barrier barrier_id(%barrier3A_28)
    "tpu.region"() ({
      %run_scoped3A_56 = tpu.sem_alloc : memref<!tpu.dma_semaphore, #tpu.memory_space<semaphore_mem>>
      %dma_start3A_57 = arith.constant 0 : i32
      %dma_start3A_58 = arith.constant 0 : i32
      %dma_start3A_59 = tpu.memref_slice %arg10[%dma_start3A_57, %dma_start3A_58] : memref<2x128xi32, #tpu.memory_space<vmem>> -> memref<1x128xi32, #tpu.memory_space<vmem>>
      %dma_start3A_60 = arith.constant 0 : i32
      %dma_start3A_61 = arith.constant 0 : i32
      %dma_start3A_62 = tpu.memref_slice %arg5[%add3A, %dma_start3A_60, %dma_start3A_61] : memref<32x79x128xi32, #tpu.memory_space<hbm>> -> memref<1x1x128xi32, #tpu.memory_space<hbm>>
      %dma_start3A_63 = tpu.memref_squeeze %dma_start3A_62 : memref<1x1x128xi32, #tpu.memory_space<hbm>> -> memref<1x128xi32, #tpu.memory_space<hbm>>
      %dma_start3A_64 = arith.constant 0 : i32
      %dma_start3A_65 = arith.constant 0 : i32
      %dma_start3A_66 = tpu.memref_slice %arg10[%dma_start3A_64, %dma_start3A_65] : memref<2x128xi32, #tpu.memory_space<vmem>> -> memref<1x128xi32, #tpu.memory_space<vmem>>
      %dma_start3A_67 = arith.constant 0 : i32
      %dma_start3A_68 = arith.constant 0 : i32
      %dma_start3A_69 = tpu.memref_slice %arg5[%add3A, %dma_start3A_67, %dma_start3A_68] : memref<32x79x128xi32, #tpu.memory_space<hbm>> -> memref<1x1x128xi32, #tpu.memory_space<hbm>>
      %dma_start3A_70 = tpu.memref_squeeze %dma_start3A_69 : memref<1x1x128xi32, #tpu.memory_space<hbm>> -> memref<1x128xi32, #tpu.memory_space<hbm>>
      tpu.enqueue_dma source(%dma_start3A_70 : memref<1x128xi32, #tpu.memory_space<hbm>>) target(%dma_start3A_66 : memref<1x128xi32, #tpu.memory_space<vmem>>) target_semaphore(%run_scoped3A_56 : memref<!tpu.dma_semaphore, #tpu.memory_space<semaphore_mem>>)
      %dma_wait3A_71 = arith.constant 0 : i32
      %dma_wait3A_72 = arith.constant 0 : i32
      %dma_wait3A_73 = tpu.memref_slice %arg10[%dma_wait3A_71, %dma_wait3A_72] : memref<2x128xi32, #tpu.memory_space<vmem>> -> memref<1x128xi32, #tpu.memory_space<vmem>>
      %dma_wait3A_74 = arith.constant 0 : i32
      %dma_wait3A_75 = arith.constant 0 : i32
      %dma_wait3A_76 = tpu.memref_slice %arg5[%add3A, %dma_wait3A_74, %dma_wait3A_75] : memref<32x79x128xi32, #tpu.memory_space<hbm>> -> memref<1x1x128xi32, #tpu.memory_space<hbm>>
      %dma_wait3A_77 = tpu.memref_squeeze %dma_wait3A_76 : memref<1x1x128xi32, #tpu.memory_space<hbm>> -> memref<1x128xi32, #tpu.memory_space<hbm>>
      %dma_wait3A_78 = arith.constant 0 : i32
      %dma_wait3A_79 = arith.constant 0 : i32
      %dma_wait3A_80 = tpu.memref_slice %arg10[%dma_wait3A_78, %dma_wait3A_79] : memref<2x128xi32, #tpu.memory_space<vmem>> -> memref<1x128xi32, #tpu.memory_space<vmem>>
      %dma_wait3A_81 = arith.constant 0 : i32
      %dma_wait3A_82 = arith.constant 0 : i32
      %dma_wait3A_83 = tpu.memref_slice %arg5[%add3A, %dma_wait3A_81, %dma_wait3A_82] : memref<32x79x128xi32, #tpu.memory_space<hbm>> -> memref<1x1x128xi32, #tpu.memory_space<hbm>>
      %dma_wait3A_84 = tpu.memref_squeeze %dma_wait3A_83 : memref<1x1x128xi32, #tpu.memory_space<hbm>> -> memref<1x128xi32, #tpu.memory_space<hbm>>
      tpu.wait_dma2 semaphore(%run_scoped3A_56 : memref<!tpu.dma_semaphore, #tpu.memory_space<semaphore_mem>>) src(%dma_wait3A_84 : memref<1x128xi32, #tpu.memory_space<hbm>>) dst(%dma_wait3A_80 : memref<1x128xi32, #tpu.memory_space<vmem>>)
      tpu.yield
    }) : () -> ()
    %dma_start3A_29 = arith.constant 0 : i32
    %dma_start3A_30 = arith.constant 0 : i32
    %dma_start3A_31 = tpu.memref_slice %arg9[%dma_start3A_29, %dma_start3A_30] : memref<79x128xi32, #tpu.memory_space<vmem>> -> memref<1x128xi32, #tpu.memory_space<vmem>>
    %dma_start3A_32 = tpu.memref_squeeze %dma_start3A_31 : memref<1x128xi32, #tpu.memory_space<vmem>> -> memref<128xi32, #tpu.memory_space<vmem>>
    %dma_start3A_33 = arith.constant 0 : i32
    %dma_start3A_34 = arith.constant 0 : i32
    %dma_start3A_35 = tpu.memref_slice %arg3[%dma_start3A_33, %dma_start3A_34] : memref<10112x128xf32, #tpu.memory_space<hbm>> -> memref<10112x128xf32, #tpu.memory_space<hbm>>
    tpu.enqueue_indirect_dma source(%dma_start3A_35 : memref<10112x128xf32, #tpu.memory_space<hbm>>) target(%arg11 : memref<128x128xf32, #tpu.memory_space<vmem>>) offsets(%dma_start3A_32 : memref<128xi32, #tpu.memory_space<vmem>>) semaphore(%arg14 : memref<!tpu.dma_semaphore, #tpu.memory_space<semaphore_mem>>)
    %scan3A_36 = arith.constant 0 : i32
    %scan3A_37 = arith.constant 0 : i32
    %scan3A_38 = arith.constant 39 : i32
    %scan3A_39 = arith.addi %scan3A_37, %scan3A_38 : i32
    %scan3A_40 = arith.constant 1 : i32
    scf.for %scan3A_56 = %scan3A_37 to %scan3A_39 step %scan3A_40  : i32 {
      %mul3A_57 = arith.constant 2 : i32
      %mul3A_58 = arith.muli %mul3A_57, %scan3A_56 : i32
      %add3A_59 = arith.constant 1 : i32
      %add3A_60 = arith.addi %mul3A_58, %add3A_59 : i32
      "tpu.region"() ({
        %run_scoped3A_97 = tpu.sem_alloc : memref<!tpu.dma_semaphore, #tpu.memory_space<semaphore_mem>>
        %dma_start3A_98 = arith.constant 1 : i32
        %dma_start3A_99 = arith.constant 0 : i32
        %dma_start3A_100 = tpu.memref_slice %arg10[%dma_start3A_98, %dma_start3A_99] : memref<2x128xi32, #tpu.memory_space<vmem>> -> memref<1x128xi32, #tpu.memory_space<vmem>>
        %dma_start3A_101 = arith.constant 0 : i32
        %dma_start3A_102 = tpu.memref_slice %arg5[%add3A, %add3A_60, %dma_start3A_101] : memref<32x79x128xi32, #tpu.memory_space<hbm>> -> memref<1x1x128xi32, #tpu.memory_space<hbm>>
        %dma_start3A_103 = tpu.memref_squeeze %dma_start3A_102 : memref<1x1x128xi32, #tpu.memory_space<hbm>> -> memref<1x128xi32, #tpu.memory_space<hbm>>
        %dma_start3A_104 = arith.constant 1 : i32
        %dma_start3A_105 = arith.constant 0 : i32
        %dma_start3A_106 = tpu.memref_slice %arg10[%dma_start3A_104, %dma_start3A_105] : memref<2x128xi32, #tpu.memory_space<vmem>> -> memref<1x128xi32, #tpu.memory_space<vmem>>
        %dma_start3A_107 = arith.constant 0 : i32
        %dma_start3A_108 = tpu.memref_slice %arg5[%add3A, %add3A_60, %dma_start3A_107] : memref<32x79x128xi32, #tpu.memory_space<hbm>> -> memref<1x1x128xi32, #tpu.memory_space<hbm>>
        %dma_start3A_109 = tpu.memref_squeeze %dma_start3A_108 : memref<1x1x128xi32, #tpu.memory_space<hbm>> -> memref<1x128xi32, #tpu.memory_space<hbm>>
        tpu.enqueue_dma source(%dma_start3A_109 : memref<1x128xi32, #tpu.memory_space<hbm>>) target(%dma_start3A_106 : memref<1x128xi32, #tpu.memory_space<vmem>>) target_semaphore(%run_scoped3A_97 : memref<!tpu.dma_semaphore, #tpu.memory_space<semaphore_mem>>)
        %dma_wait3A_110 = arith.constant 1 : i32
        %dma_wait3A_111 = arith.constant 0 : i32
        %dma_wait3A_112 = tpu.memref_slice %arg10[%dma_wait3A_110, %dma_wait3A_111] : memref<2x128xi32, #tpu.memory_space<vmem>> -> memref<1x128xi32, #tpu.memory_space<vmem>>
        %dma_wait3A_113 = arith.constant 0 : i32
        %dma_wait3A_114 = tpu.memref_slice %arg5[%add3A, %add3A_60, %dma_wait3A_113] : memref<32x79x128xi32, #tpu.memory_space<hbm>> -> memref<1x1x128xi32, #tpu.memory_space<hbm>>
        %dma_wait3A_115 = tpu.memref_squeeze %dma_wait3A_114 : memref<1x1x128xi32, #tpu.memory_space<hbm>> -> memref<1x128xi32, #tpu.memory_space<hbm>>
        %dma_wait3A_116 = arith.constant 1 : i32
        %dma_wait3A_117 = arith.constant 0 : i32
        %dma_wait3A_118 = tpu.memref_slice %arg10[%dma_wait3A_116, %dma_wait3A_117] : memref<2x128xi32, #tpu.memory_space<vmem>> -> memref<1x128xi32, #tpu.memory_space<vmem>>
        %dma_wait3A_119 = arith.constant 0 : i32
        %dma_wait3A_120 = tpu.memref_slice %arg5[%add3A, %add3A_60, %dma_wait3A_119] : memref<32x79x128xi32, #tpu.memory_space<hbm>> -> memref<1x1x128xi32, #tpu.memory_space<hbm>>
        %dma_wait3A_121 = tpu.memref_squeeze %dma_wait3A_120 : memref<1x1x128xi32, #tpu.memory_space<hbm>> -> memref<1x128xi32, #tpu.memory_space<hbm>>
        tpu.wait_dma2 semaphore(%run_scoped3A_97 : memref<!tpu.dma_semaphore, #tpu.memory_space<semaphore_mem>>) src(%dma_wait3A_121 : memref<1x128xi32, #tpu.memory_space<hbm>>) dst(%dma_wait3A_118 : memref<1x128xi32, #tpu.memory_space<vmem>>)
        tpu.yield
      }) : () -> ()
      %dma_start3A_61 = arith.constant 0 : i32
      %dma_start3A_62 = tpu.memref_slice %arg9[%add3A_60, %dma_start3A_61] : memref<79x128xi32, #tpu.memory_space<vmem>> -> memref<1x128xi32, #tpu.memory_space<vmem>>
      %dma_start3A_63 = tpu.memref_squeeze %dma_start3A_62 : memref<1x128xi32, #tpu.memory_space<vmem>> -> memref<128xi32, #tpu.memory_space<vmem>>
      %dma_start3A_64 = arith.constant 0 : i32
      %dma_start3A_65 = arith.constant 0 : i32
      %dma_start3A_66 = tpu.memref_slice %arg3[%dma_start3A_64, %dma_start3A_65] : memref<10112x128xf32, #tpu.memory_space<hbm>> -> memref<10112x128xf32, #tpu.memory_space<hbm>>
      tpu.enqueue_indirect_dma source(%dma_start3A_66 : memref<10112x128xf32, #tpu.memory_space<hbm>>) target(%arg12 : memref<128x128xf32, #tpu.memory_space<vmem>>) offsets(%dma_start3A_63 : memref<128xi32, #tpu.memory_space<vmem>>) semaphore(%arg15 : memref<!tpu.dma_semaphore, #tpu.memory_space<semaphore_mem>>)
      %mul3A_67 = arith.constant 2 : i32
      %mul3A_68 = arith.muli %mul3A_67, %scan3A_56 : i32
      %dma_wait3A_69 = arith.constant 0 : i32
      %dma_wait3A_70 = tpu.memref_slice %arg9[%mul3A_68, %dma_wait3A_69] : memref<79x128xi32, #tpu.memory_space<vmem>> -> memref<1x128xi32, #tpu.memory_space<vmem>>
      %dma_wait3A_71 = tpu.memref_squeeze %dma_wait3A_70 : memref<1x128xi32, #tpu.memory_space<vmem>> -> memref<128xi32, #tpu.memory_space<vmem>>
      %dma_wait3A_72 = arith.constant 0 : i32
      %dma_wait3A_73 = arith.constant 0 : i32
      %dma_wait3A_74 = tpu.memref_slice %arg3[%dma_wait3A_72, %dma_wait3A_73] : memref<10112x128xf32, #tpu.memory_space<hbm>> -> memref<10112x128xf32, #tpu.memory_space<hbm>>
      tpu.wait_indirect_dma semaphore(%arg14 : memref<!tpu.dma_semaphore, #tpu.memory_space<semaphore_mem>>) src(%dma_wait3A_74 : memref<10112x128xf32, #tpu.memory_space<hbm>>) dst(%arg11 : memref<128x128xf32, #tpu.memory_space<vmem>>)
      %run_scoped3A_75 = arith.constant 0 : i32
      "tpu.region"() ({
        %run_scoped3A_97 = tpu.sem_alloc : memref<!tpu.dma_semaphore, #tpu.memory_space<semaphore_mem>>
        %dma_start3A_98 = arith.constant 0 : i32
        %dma_start3A_99 = tpu.memref_slice %arg10[%run_scoped3A_75, %dma_start3A_98] : memref<2x128xi32, #tpu.memory_space<vmem>> -> memref<1x128xi32, #tpu.memory_space<vmem>>
        %dma_start3A_100 = tpu.memref_squeeze %dma_start3A_99 : memref<1x128xi32, #tpu.memory_space<vmem>> -> memref<128xi32, #tpu.memory_space<vmem>>
        %dma_start3A_101 = arith.constant 0 : i32
        %dma_start3A_102 = arith.constant 0 : i32
        %dma_start3A_103 = tpu.memref_slice %arg13[%dma_start3A_101, %dma_start3A_102] : memref<10112x128xf32, #tpu.memory_space<vmem_shared>> -> memref<10112x128xf32, #tpu.memory_space<vmem_shared>>
        tpu.enqueue_indirect_dma source(%arg11 : memref<128x128xf32, #tpu.memory_space<vmem>>) target(%dma_start3A_103 : memref<10112x128xf32, #tpu.memory_space<vmem_shared>>) offsets(%dma_start3A_100 : memref<128xi32, #tpu.memory_space<vmem>>) semaphore(%run_scoped3A_97 : memref<!tpu.dma_semaphore, #tpu.memory_space<semaphore_mem>>) {add = true}
        %dma_wait3A_104 = arith.constant 0 : i32
        %dma_wait3A_105 = tpu.memref_slice %arg10[%run_scoped3A_75, %dma_wait3A_104] : memref<2x128xi32, #tpu.memory_space<vmem>> -> memref<1x128xi32, #tpu.memory_space<vmem>>
        %dma_wait3A_106 = tpu.memref_squeeze %dma_wait3A_105 : memref<1x128xi32, #tpu.memory_space<vmem>> -> memref<128xi32, #tpu.memory_space<vmem>>
        %dma_wait3A_107 = arith.constant 0 : i32
        %dma_wait3A_108 = arith.constant 0 : i32
        %dma_wait3A_109 = tpu.memref_slice %arg13[%dma_wait3A_107, %dma_wait3A_108] : memref<10112x128xf32, #tpu.memory_space<vmem_shared>> -> memref<10112x128xf32, #tpu.memory_space<vmem_shared>>
        tpu.wait_indirect_dma semaphore(%run_scoped3A_97 : memref<!tpu.dma_semaphore, #tpu.memory_space<semaphore_mem>>) src(%arg11 : memref<128x128xf32, #tpu.memory_space<vmem>>) dst(%dma_wait3A_109 : memref<10112x128xf32, #tpu.memory_space<vmem_shared>>)
        tpu.yield
      }) : () -> ()
      %mul3A_76 = arith.constant 2 : i32
      %mul3A_77 = arith.muli %mul3A_76, %scan3A_56 : i32
      %add3A_78 = arith.constant 2 : i32
      %add3A_79 = arith.addi %mul3A_77, %add3A_78 : i32
      "tpu.region"() ({
        %run_scoped3A_97 = tpu.sem_alloc : memref<!tpu.dma_semaphore, #tpu.memory_space<semaphore_mem>>
        %dma_start3A_98 = arith.constant 0 : i32
        %dma_start3A_99 = arith.constant 0 : i32
        %dma_start3A_100 = tpu.memref_slice %arg10[%dma_start3A_98, %dma_start3A_99] : memref<2x128xi32, #tpu.memory_space<vmem>> -> memref<1x128xi32, #tpu.memory_space<vmem>>
        %dma_start3A_101 = arith.constant 0 : i32
        %dma_start3A_102 = tpu.memref_slice %arg5[%add3A, %add3A_79, %dma_start3A_101] : memref<32x79x128xi32, #tpu.memory_space<hbm>> -> memref<1x1x128xi32, #tpu.memory_space<hbm>>
        %dma_start3A_103 = tpu.memref_squeeze %dma_start3A_102 : memref<1x1x128xi32, #tpu.memory_space<hbm>> -> memref<1x128xi32, #tpu.memory_space<hbm>>
        %dma_start3A_104 = arith.constant 0 : i32
        %dma_start3A_105 = arith.constant 0 : i32
        %dma_start3A_106 = tpu.memref_slice %arg10[%dma_start3A_104, %dma_start3A_105] : memref<2x128xi32, #tpu.memory_space<vmem>> -> memref<1x128xi32, #tpu.memory_space<vmem>>
        %dma_start3A_107 = arith.constant 0 : i32
        %dma_start3A_108 = tpu.memref_slice %arg5[%add3A, %add3A_79, %dma_start3A_107] : memref<32x79x128xi32, #tpu.memory_space<hbm>> -> memref<1x1x128xi32, #tpu.memory_space<hbm>>
        %dma_start3A_109 = tpu.memref_squeeze %dma_start3A_108 : memref<1x1x128xi32, #tpu.memory_space<hbm>> -> memref<1x128xi32, #tpu.memory_space<hbm>>
        tpu.enqueue_dma source(%dma_start3A_109 : memref<1x128xi32, #tpu.memory_space<hbm>>) target(%dma_start3A_106 : memref<1x128xi32, #tpu.memory_space<vmem>>) target_semaphore(%run_scoped3A_97 : memref<!tpu.dma_semaphore, #tpu.memory_space<semaphore_mem>>)
        %dma_wait3A_110 = arith.constant 0 : i32
        %dma_wait3A_111 = arith.constant 0 : i32
        %dma_wait3A_112 = tpu.memref_slice %arg10[%dma_wait3A_110, %dma_wait3A_111] : memref<2x128xi32, #tpu.memory_space<vmem>> -> memref<1x128xi32, #tpu.memory_space<vmem>>
        %dma_wait3A_113 = arith.constant 0 : i32
        %dma_wait3A_114 = tpu.memref_slice %arg5[%add3A, %add3A_79, %dma_wait3A_113] : memref<32x79x128xi32, #tpu.memory_space<hbm>> -> memref<1x1x128xi32, #tpu.memory_space<hbm>>
        %dma_wait3A_115 = tpu.memref_squeeze %dma_wait3A_114 : memref<1x1x128xi32, #tpu.memory_space<hbm>> -> memref<1x128xi32, #tpu.memory_space<hbm>>
        %dma_wait3A_116 = arith.constant 0 : i32
        %dma_wait3A_117 = arith.constant 0 : i32
        %dma_wait3A_118 = tpu.memref_slice %arg10[%dma_wait3A_116, %dma_wait3A_117] : memref<2x128xi32, #tpu.memory_space<vmem>> -> memref<1x128xi32, #tpu.memory_space<vmem>>
        %dma_wait3A_119 = arith.constant 0 : i32
        %dma_wait3A_120 = tpu.memref_slice %arg5[%add3A, %add3A_79, %dma_wait3A_119] : memref<32x79x128xi32, #tpu.memory_space<hbm>> -> memref<1x1x128xi32, #tpu.memory_space<hbm>>
        %dma_wait3A_121 = tpu.memref_squeeze %dma_wait3A_120 : memref<1x1x128xi32, #tpu.memory_space<hbm>> -> memref<1x128xi32, #tpu.memory_space<hbm>>
        tpu.wait_dma2 semaphore(%run_scoped3A_97 : memref<!tpu.dma_semaphore, #tpu.memory_space<semaphore_mem>>) src(%dma_wait3A_121 : memref<1x128xi32, #tpu.memory_space<hbm>>) dst(%dma_wait3A_118 : memref<1x128xi32, #tpu.memory_space<vmem>>)
        tpu.yield
      }) : () -> ()
      %dma_start3A_80 = arith.constant 0 : i32
      %dma_start3A_81 = tpu.memref_slice %arg9[%add3A_79, %dma_start3A_80] : memref<79x128xi32, #tpu.memory_space<vmem>> -> memref<1x128xi32, #tpu.memory_space<vmem>>
      %dma_start3A_82 = tpu.memref_squeeze %dma_start3A_81 : memref<1x128xi32, #tpu.memory_space<vmem>> -> memref<128xi32, #tpu.memory_space<vmem>>
      %dma_start3A_83 = arith.constant 0 : i32
      %dma_start3A_84 = arith.constant 0 : i32
      %dma_start3A_85 = tpu.memref_slice %arg3[%dma_start3A_83, %dma_start3A_84] : memref<10112x128xf32, #tpu.memory_space<hbm>> -> memref<10112x128xf32, #tpu.memory_space<hbm>>
      tpu.enqueue_indirect_dma source(%dma_start3A_85 : memref<10112x128xf32, #tpu.memory_space<hbm>>) target(%arg11 : memref<128x128xf32, #tpu.memory_space<vmem>>) offsets(%dma_start3A_82 : memref<128xi32, #tpu.memory_space<vmem>>) semaphore(%arg14 : memref<!tpu.dma_semaphore, #tpu.memory_space<semaphore_mem>>)
      %mul3A_86 = arith.constant 2 : i32
      %mul3A_87 = arith.muli %mul3A_86, %scan3A_56 : i32
      %add3A_88 = arith.constant 1 : i32
      %add3A_89 = arith.addi %mul3A_87, %add3A_88 : i32
      %dma_wait3A_90 = arith.constant 0 : i32
      %dma_wait3A_91 = tpu.memref_slice %arg9[%add3A_89, %dma_wait3A_90] : memref<79x128xi32, #tpu.memory_space<vmem>> -> memref<1x128xi32, #tpu.memory_space<vmem>>
      %dma_wait3A_92 = tpu.memref_squeeze %dma_wait3A_91 : memref<1x128xi32, #tpu.memory_space<vmem>> -> memref<128xi32, #tpu.memory_space<vmem>>
      %dma_wait3A_93 = arith.constant 0 : i32
      %dma_wait3A_94 = arith.constant 0 : i32
      %dma_wait3A_95 = tpu.memref_slice %arg3[%dma_wait3A_93, %dma_wait3A_94] : memref<10112x128xf32, #tpu.memory_space<hbm>> -> memref<10112x128xf32, #tpu.memory_space<hbm>>
      tpu.wait_indirect_dma semaphore(%arg15 : memref<!tpu.dma_semaphore, #tpu.memory_space<semaphore_mem>>) src(%dma_wait3A_95 : memref<10112x128xf32, #tpu.memory_space<hbm>>) dst(%arg12 : memref<128x128xf32, #tpu.memory_space<vmem>>)
      %run_scoped3A_96 = arith.constant 1 : i32
      "tpu.region"() ({
        %run_scoped3A_97 = tpu.sem_alloc : memref<!tpu.dma_semaphore, #tpu.memory_space<semaphore_mem>>
        %dma_start3A_98 = arith.constant 0 : i32
        %dma_start3A_99 = tpu.memref_slice %arg10[%run_scoped3A_96, %dma_start3A_98] : memref<2x128xi32, #tpu.memory_space<vmem>> -> memref<1x128xi32, #tpu.memory_space<vmem>>
        %dma_start3A_100 = tpu.memref_squeeze %dma_start3A_99 : memref<1x128xi32, #tpu.memory_space<vmem>> -> memref<128xi32, #tpu.memory_space<vmem>>
        %dma_start3A_101 = arith.constant 0 : i32
        %dma_start3A_102 = arith.constant 0 : i32
        %dma_start3A_103 = tpu.memref_slice %arg13[%dma_start3A_101, %dma_start3A_102] : memref<10112x128xf32, #tpu.memory_space<vmem_shared>> -> memref<10112x128xf32, #tpu.memory_space<vmem_shared>>
        tpu.enqueue_indirect_dma source(%arg12 : memref<128x128xf32, #tpu.memory_space<vmem>>) target(%dma_start3A_103 : memref<10112x128xf32, #tpu.memory_space<vmem_shared>>) offsets(%dma_start3A_100 : memref<128xi32, #tpu.memory_space<vmem>>) semaphore(%run_scoped3A_97 : memref<!tpu.dma_semaphore, #tpu.memory_space<semaphore_mem>>) {add = true}
        %dma_wait3A_104 = arith.constant 0 : i32
        %dma_wait3A_105 = tpu.memref_slice %arg10[%run_scoped3A_96, %dma_wait3A_104] : memref<2x128xi32, #tpu.memory_space<vmem>> -> memref<1x128xi32, #tpu.memory_space<vmem>>
        %dma_wait3A_106 = tpu.memref_squeeze %dma_wait3A_105 : memref<1x128xi32, #tpu.memory_space<vmem>> -> memref<128xi32, #tpu.memory_space<vmem>>
        %dma_wait3A_107 = arith.constant 0 : i32
        %dma_wait3A_108 = arith.constant 0 : i32
        %dma_wait3A_109 = tpu.memref_slice %arg13[%dma_wait3A_107, %dma_wait3A_108] : memref<10112x128xf32, #tpu.memory_space<vmem_shared>> -> memref<10112x128xf32, #tpu.memory_space<vmem_shared>>
        tpu.wait_indirect_dma semaphore(%run_scoped3A_97 : memref<!tpu.dma_semaphore, #tpu.memory_space<semaphore_mem>>) src(%arg12 : memref<128x128xf32, #tpu.memory_space<vmem>>) dst(%dma_wait3A_109 : memref<10112x128xf32, #tpu.memory_space<vmem_shared>>)
        tpu.yield
      }) : () -> ()
    }
    %scan3A_41 = arith.constant 39 : i32
    %dma_wait3A_42 = arith.constant 78 : i32
    %dma_wait3A_43 = arith.constant 0 : i32
    %dma_wait3A_44 = tpu.memref_slice %arg9[%dma_wait3A_42, %dma_wait3A_43] : memref<79x128xi32, #tpu.memory_space<vmem>> -> memref<1x128xi32, #tpu.memory_space<vmem>>
    %dma_wait3A_45 = tpu.memref_squeeze %dma_wait3A_44 : memref<1x128xi32, #tpu.memory_space<vmem>> -> memref<128xi32, #tpu.memory_space<vmem>>
    %dma_wait3A_46 = arith.constant 0 : i32
    %dma_wait3A_47 = arith.constant 0 : i32
    %dma_wait3A_48 = tpu.memref_slice %arg3[%dma_wait3A_46, %dma_wait3A_47] : memref<10112x128xf32, #tpu.memory_space<hbm>> -> memref<10112x128xf32, #tpu.memory_space<hbm>>
    tpu.wait_indirect_dma semaphore(%arg14 : memref<!tpu.dma_semaphore, #tpu.memory_space<semaphore_mem>>) src(%dma_wait3A_48 : memref<10112x128xf32, #tpu.memory_space<hbm>>) dst(%arg11 : memref<128x128xf32, #tpu.memory_space<vmem>>)
    %run_scoped3A_49 = arith.constant 0 : i32
    "tpu.region"() ({
      %run_scoped3A_56 = tpu.sem_alloc : memref<!tpu.dma_semaphore, #tpu.memory_space<semaphore_mem>>
      %dma_start3A_57 = arith.constant 0 : i32
      %dma_start3A_58 = tpu.memref_slice %arg10[%run_scoped3A_49, %dma_start3A_57] : memref<2x128xi32, #tpu.memory_space<vmem>> -> memref<1x128xi32, #tpu.memory_space<vmem>>
      %dma_start3A_59 = tpu.memref_squeeze %dma_start3A_58 : memref<1x128xi32, #tpu.memory_space<vmem>> -> memref<128xi32, #tpu.memory_space<vmem>>
      %dma_start3A_60 = arith.constant 0 : i32
      %dma_start3A_61 = arith.constant 0 : i32
      %dma_start3A_62 = tpu.memref_slice %arg13[%dma_start3A_60, %dma_start3A_61] : memref<10112x128xf32, #tpu.memory_space<vmem_shared>> -> memref<10112x128xf32, #tpu.memory_space<vmem_shared>>
      tpu.enqueue_indirect_dma source(%arg11 : memref<128x128xf32, #tpu.memory_space<vmem>>) target(%dma_start3A_62 : memref<10112x128xf32, #tpu.memory_space<vmem_shared>>) offsets(%dma_start3A_59 : memref<128xi32, #tpu.memory_space<vmem>>) semaphore(%run_scoped3A_56 : memref<!tpu.dma_semaphore, #tpu.memory_space<semaphore_mem>>) {add = true}
      %dma_wait3A_63 = arith.constant 0 : i32
      %dma_wait3A_64 = tpu.memref_slice %arg10[%run_scoped3A_49, %dma_wait3A_63] : memref<2x128xi32, #tpu.memory_space<vmem>> -> memref<1x128xi32, #tpu.memory_space<vmem>>
      %dma_wait3A_65 = tpu.memref_squeeze %dma_wait3A_64 : memref<1x128xi32, #tpu.memory_space<vmem>> -> memref<128xi32, #tpu.memory_space<vmem>>
      %dma_wait3A_66 = arith.constant 0 : i32
      %dma_wait3A_67 = arith.constant 0 : i32
      %dma_wait3A_68 = tpu.memref_slice %arg13[%dma_wait3A_66, %dma_wait3A_67] : memref<10112x128xf32, #tpu.memory_space<vmem_shared>> -> memref<10112x128xf32, #tpu.memory_space<vmem_shared>>
      tpu.wait_indirect_dma semaphore(%run_scoped3A_56 : memref<!tpu.dma_semaphore, #tpu.memory_space<semaphore_mem>>) src(%arg11 : memref<128x128xf32, #tpu.memory_space<vmem>>) dst(%dma_wait3A_68 : memref<10112x128xf32, #tpu.memory_space<vmem_shared>>)
      tpu.yield
    }) : () -> ()
    %barrier3A_50 = arith.constant 0 : index
    tpu.barrier barrier_id(%barrier3A_50)
    %mul3A_51 = arith.constant 632 : i32
    %mul3A_52 = arith.muli %arg1, %mul3A_51 : i32
    %mul3A_53 = arith.constant 632 : i32
    %mul3A_54 = arith.muli %arg1, %mul3A_53 : i32
    "tpu.region"() ({
      %run_scoped3A_56 = tpu.sem_alloc : memref<!tpu.dma_semaphore, #tpu.memory_space<semaphore_mem>>
      %dma_start3A_57 = arith.constant 0 : i32
      %dma_start3A_58 = tpu.memref_slice %arg8[%arg0, %mul3A_54, %dma_start3A_57] : memref<2x10112x128xf32, #tpu.memory_space<hbm>> -> memref<1x632x128xf32, #tpu.memory_space<hbm>>
      %dma_start3A_59 = tpu.memref_squeeze %dma_start3A_58 : memref<1x632x128xf32, #tpu.memory_space<hbm>> -> memref<632x128xf32, #tpu.memory_space<hbm>>
      %dma_start3A_60 = arith.constant 0 : i32
      %dma_start3A_61 = tpu.memref_slice %arg13[%mul3A_52, %dma_start3A_60] : memref<10112x128xf32, #tpu.memory_space<vmem_shared>> -> memref<632x128xf32, #tpu.memory_space<vmem_shared>>
      tpu.enqueue_dma source(%dma_start3A_61 : memref<632x128xf32, #tpu.memory_space<vmem_shared>>) target(%dma_start3A_59 : memref<632x128xf32, #tpu.memory_space<hbm>>) target_semaphore(%run_scoped3A_56 : memref<!tpu.dma_semaphore, #tpu.memory_space<semaphore_mem>>)
      %dma_wait3A_62 = arith.constant 0 : i32
      %dma_wait3A_63 = tpu.memref_slice %arg8[%arg0, %mul3A_54, %dma_wait3A_62] : memref<2x10112x128xf32, #tpu.memory_space<hbm>> -> memref<1x632x128xf32, #tpu.memory_space<hbm>>
      %dma_wait3A_64 = tpu.memref_squeeze %dma_wait3A_63 : memref<1x632x128xf32, #tpu.memory_space<hbm>> -> memref<632x128xf32, #tpu.memory_space<hbm>>
      %dma_wait3A_65 = arith.constant 0 : i32
      %dma_wait3A_66 = tpu.memref_slice %arg13[%mul3A_52, %dma_wait3A_65] : memref<10112x128xf32, #tpu.memory_space<vmem_shared>> -> memref<632x128xf32, #tpu.memory_space<vmem_shared>>
      tpu.wait_dma2 semaphore(%run_scoped3A_56 : memref<!tpu.dma_semaphore, #tpu.memory_space<semaphore_mem>>) src(%dma_wait3A_66 : memref<632x128xf32, #tpu.memory_space<vmem_shared>>) dst(%dma_wait3A_64 : memref<632x128xf32, #tpu.memory_space<hbm>>)
      tpu.yield
    }) : () -> ()
    %barrier3A_55 = arith.constant 0 : index
    tpu.barrier barrier_id(%barrier3A_55)
    return
  }
}

#map = affine_map<(d0, d1) -> (0, 0)>
#map1 = affine_map<(d0, d1) -> (0, 0, 0)>
module attributes {stable_mosaic.version = 14 : i64} {
  func.func @scat_kernel(%arg0: i32, %arg1: i32, %arg2: memref<10112x128xf32, #tpu.memory_space<hbm>>, %arg3: memref<10112x128xf32, #tpu.memory_space<hbm>>, %arg4: memref<32x79x128xi32, #tpu.memory_space<hbm>>, %arg5: memref<32x79x128xi32, #tpu.memory_space<hbm>>, %arg6: memref<632x128xf32, #tpu.memory_space<hbm>>, %arg7: memref<2x10112x128xf32, #tpu.memory_space<hbm>>, %arg8: memref<2x10112x128xf32, #tpu.memory_space<hbm>>, %arg9: memref<79x128xi32, #tpu.memory_space<vmem>>, %arg10: memref<2x128xi32, #tpu.memory_space<vmem>>, %arg11: memref<128x128xf32, #tpu.memory_space<vmem>>, %arg12: memref<128x128xf32, #tpu.memory_space<vmem>>, %arg13: memref<10112x128xf32, #tpu.memory_space<vmem_shared>>, %arg14: memref<!tpu.dma_semaphore, #tpu.memory_space<semaphore_mem>>, %arg15: memref<!tpu.dma_semaphore, #tpu.memory_space<semaphore_mem>>) attributes {dimension_semantics = [#tpu.dimension_semantics<core_parallel>, #tpu.dimension_semantics<subcore_parallel>], iteration_bounds = array<i64: 2, 16>, scalar_prefetch = 0 : i64, scratch_operands = 7 : i64, tpu.core_type = #tpu.core_type<sc_vector_subcore>, window_params = [{transform_indices = #map}, {transform_indices = #map}, {transform_indices = #map1}, {transform_indices = #map1}, {transform_indices = #map}, {transform_indices = #map1}, {transform_indices = #map1}]} {
    %mul3A = arith.constant 2 : i32
    %mul3A_0 = arith.muli %arg1, %mul3A : i32
    %add3A = arith.addi %mul3A_0, %arg0 : i32
    "tpu.region"() ({
      %run_scoped3A_56 = tpu.sem_alloc : memref<!tpu.dma_semaphore, #tpu.memory_space<semaphore_mem>>
      %dma_start3A_57 = arith.constant 0 : i32
      %dma_start3A_58 = arith.constant 0 : i32
      %dma_start3A_59 = tpu.memref_slice %arg4[%add3A, %dma_start3A_57, %dma_start3A_58] : memref<32x79x128xi32, #tpu.memory_space<hbm>> -> memref<1x79x128xi32, #tpu.memory_space<hbm>>
      %dma_start3A_60 = tpu.memref_squeeze %dma_start3A_59 : memref<1x79x128xi32, #tpu.memory_space<hbm>> -> memref<79x128xi32, #tpu.memory_space<hbm>>
      %dma_start3A_61 = arith.constant 0 : i32
      %dma_start3A_62 = arith.constant 0 : i32
      %dma_start3A_63 = tpu.memref_slice %arg4[%add3A, %dma_start3A_61, %dma_start3A_62] : memref<32x79x128xi32, #tpu.memory_space<hbm>> -> memref<1x79x128xi32, #tpu.memory_space<hbm>>
      %dma_start3A_64 = tpu.memref_squeeze %dma_start3A_63 : memref<1x79x128xi32, #tpu.memory_space<hbm>> -> memref<79x128xi32, #tpu.memory_space<hbm>>
      tpu.enqueue_dma source(%dma_start3A_64 : memref<79x128xi32, #tpu.memory_space<hbm>>) target(%arg9 : memref<79x128xi32, #tpu.memory_space<vmem>>) target_semaphore(%run_scoped3A_56 : memref<!tpu.dma_semaphore, #tpu.memory_space<semaphore_mem>>)
      %dma_wait3A_65 = arith.constant 0 : i32
      %dma_wait3A_66 = arith.constant 0 : i32
      %dma_wait3A_67 = tpu.memref_slice %arg4[%add3A, %dma_wait3A_65, %dma_wait3A_66] : memref<32x79x128xi32, #tpu.memory_space<hbm>> -> memref<1x79x128xi32, #tpu.memory_space<hbm>>
      %dma_wait3A_68 = tpu.memref_squeeze %dma_wait3A_67 : memref<1x79x128xi32, #tpu.memory_space<hbm>> -> memref<79x128xi32, #tpu.memory_space<hbm>>
      %dma_wait3A_69 = arith.constant 0 : i32
      %dma_wait3A_70 = arith.constant 0 : i32
      %dma_wait3A_71 = tpu.memref_slice %arg4[%add3A, %dma_wait3A_69, %dma_wait3A_70] : memref<32x79x128xi32, #tpu.memory_space<hbm>> -> memref<1x79x128xi32, #tpu.memory_space<hbm>>
      %dma_wait3A_72 = tpu.memref_squeeze %dma_wait3A_71 : memref<1x79x128xi32, #tpu.memory_space<hbm>> -> memref<79x128xi32, #tpu.memory_space<hbm>>
      tpu.wait_dma2 semaphore(%run_scoped3A_56 : memref<!tpu.dma_semaphore, #tpu.memory_space<semaphore_mem>>) src(%dma_wait3A_72 : memref<79x128xi32, #tpu.memory_space<hbm>>) dst(%arg9 : memref<79x128xi32, #tpu.memory_space<vmem>>)
      tpu.yield
    }) : () -> ()
    %mul3A_1 = arith.constant 632 : i32
    %mul3A_2 = arith.muli %arg1, %mul3A_1 : i32
    "tpu.region"() ({
      %run_scoped3A_56 = tpu.sem_alloc : memref<!tpu.dma_semaphore, #tpu.memory_space<semaphore_mem>>
      %dma_start3A_57 = arith.constant 0 : i32
      %dma_start3A_58 = tpu.memref_slice %arg13[%mul3A_2, %dma_start3A_57] : memref<10112x128xf32, #tpu.memory_space<vmem_shared>> -> memref<632x128xf32, #tpu.memory_space<vmem_shared>>
      tpu.enqueue_dma source(%arg6 : memref<632x128xf32, #tpu.memory_space<hbm>>) target(%dma_start3A_58 : memref<632x128xf32, #tpu.memory_space<vmem_shared>>) target_semaphore(%run_scoped3A_56 : memref<!tpu.dma_semaphore, #tpu.memory_space<semaphore_mem>>)
      %dma_wait3A_59 = arith.constant 0 : i32
      %dma_wait3A_60 = tpu.memref_slice %arg13[%mul3A_2, %dma_wait3A_59] : memref<10112x128xf32, #tpu.memory_space<vmem_shared>> -> memref<632x128xf32, #tpu.memory_space<vmem_shared>>
      tpu.wait_dma2 semaphore(%run_scoped3A_56 : memref<!tpu.dma_semaphore, #tpu.memory_space<semaphore_mem>>) src(%arg6 : memref<632x128xf32, #tpu.memory_space<hbm>>) dst(%dma_wait3A_60 : memref<632x128xf32, #tpu.memory_space<vmem_shared>>)
      tpu.yield
    }) : () -> ()
    %barrier3A = arith.constant 0 : index
    tpu.barrier barrier_id(%barrier3A)
    "tpu.region"() ({
      %run_scoped3A_56 = tpu.sem_alloc : memref<!tpu.dma_semaphore, #tpu.memory_space<semaphore_mem>>
      %dma_start3A_57 = arith.constant 0 : i32
      %dma_start3A_58 = arith.constant 0 : i32
      %dma_start3A_59 = tpu.memref_slice %arg10[%dma_start3A_57, %dma_start3A_58] : memref<2x128xi32, #tpu.memory_space<vmem>> -> memref<1x128xi32, #tpu.memory_space<vmem>>
      %dma_start3A_60 = arith.constant 0 : i32
      %dma_start3A_61 = arith.constant 0 : i32
      %dma_start3A_62 = tpu.memref_slice %arg5[%add3A, %dma_start3A_60, %dma_start3A_61] : memref<32x79x128xi32, #tpu.memory_space<hbm>> -> memref<1x1x128xi32, #tpu.memory_space<hbm>>
      %dma_start3A_63 = tpu.memref_squeeze %dma_start3A_62 : memref<1x1x128xi32, #tpu.memory_space<hbm>> -> memref<1x128xi32, #tpu.memory_space<hbm>>
      %dma_start3A_64 = arith.constant 0 : i32
      %dma_start3A_65 = arith.constant 0 : i32
      %dma_start3A_66 = tpu.memref_slice %arg10[%dma_start3A_64, %dma_start3A_65] : memref<2x128xi32, #tpu.memory_space<vmem>> -> memref<1x128xi32, #tpu.memory_space<vmem>>
      %dma_start3A_67 = arith.constant 0 : i32
      %dma_start3A_68 = arith.constant 0 : i32
      %dma_start3A_69 = tpu.memref_slice %arg5[%add3A, %dma_start3A_67, %dma_start3A_68] : memref<32x79x128xi32, #tpu.memory_space<hbm>> -> memref<1x1x128xi32, #tpu.memory_space<hbm>>
      %dma_start3A_70 = tpu.memref_squeeze %dma_start3A_69 : memref<1x1x128xi32, #tpu.memory_space<hbm>> -> memref<1x128xi32, #tpu.memory_space<hbm>>
      tpu.enqueue_dma source(%dma_start3A_70 : memref<1x128xi32, #tpu.memory_space<hbm>>) target(%dma_start3A_66 : memref<1x128xi32, #tpu.memory_space<vmem>>) target_semaphore(%run_scoped3A_56 : memref<!tpu.dma_semaphore, #tpu.memory_space<semaphore_mem>>)
      %dma_wait3A_71 = arith.constant 0 : i32
      %dma_wait3A_72 = arith.constant 0 : i32
      %dma_wait3A_73 = tpu.memref_slice %arg10[%dma_wait3A_71, %dma_wait3A_72] : memref<2x128xi32, #tpu.memory_space<vmem>> -> memref<1x128xi32, #tpu.memory_space<vmem>>
      %dma_wait3A_74 = arith.constant 0 : i32
      %dma_wait3A_75 = arith.constant 0 : i32
      %dma_wait3A_76 = tpu.memref_slice %arg5[%add3A, %dma_wait3A_74, %dma_wait3A_75] : memref<32x79x128xi32, #tpu.memory_space<hbm>> -> memref<1x1x128xi32, #tpu.memory_space<hbm>>
      %dma_wait3A_77 = tpu.memref_squeeze %dma_wait3A_76 : memref<1x1x128xi32, #tpu.memory_space<hbm>> -> memref<1x128xi32, #tpu.memory_space<hbm>>
      %dma_wait3A_78 = arith.constant 0 : i32
      %dma_wait3A_79 = arith.constant 0 : i32
      %dma_wait3A_80 = tpu.memref_slice %arg10[%dma_wait3A_78, %dma_wait3A_79] : memref<2x128xi32, #tpu.memory_space<vmem>> -> memref<1x128xi32, #tpu.memory_space<vmem>>
      %dma_wait3A_81 = arith.constant 0 : i32
      %dma_wait3A_82 = arith.constant 0 : i32
      %dma_wait3A_83 = tpu.memref_slice %arg5[%add3A, %dma_wait3A_81, %dma_wait3A_82] : memref<32x79x128xi32, #tpu.memory_space<hbm>> -> memref<1x1x128xi32, #tpu.memory_space<hbm>>
      %dma_wait3A_84 = tpu.memref_squeeze %dma_wait3A_83 : memref<1x1x128xi32, #tpu.memory_space<hbm>> -> memref<1x128xi32, #tpu.memory_space<hbm>>
      tpu.wait_dma2 semaphore(%run_scoped3A_56 : memref<!tpu.dma_semaphore, #tpu.memory_space<semaphore_mem>>) src(%dma_wait3A_84 : memref<1x128xi32, #tpu.memory_space<hbm>>) dst(%dma_wait3A_80 : memref<1x128xi32, #tpu.memory_space<vmem>>)
      tpu.yield
    }) : () -> ()
    %dma_start3A = arith.constant 0 : i32
    %dma_start3A_3 = arith.constant 0 : i32
    %dma_start3A_4 = tpu.memref_slice %arg9[%dma_start3A, %dma_start3A_3] : memref<79x128xi32, #tpu.memory_space<vmem>> -> memref<1x128xi32, #tpu.memory_space<vmem>>
    %dma_start3A_5 = tpu.memref_squeeze %dma_start3A_4 : memref<1x128xi32, #tpu.memory_space<vmem>> -> memref<128xi32, #tpu.memory_space<vmem>>
    %dma_start3A_6 = arith.constant 0 : i32
    %dma_start3A_7 = arith.constant 0 : i32
    %dma_start3A_8 = tpu.memref_slice %arg2[%dma_start3A_6, %dma_start3A_7] : memref<10112x128xf32, #tpu.memory_space<hbm>> -> memref<10112x128xf32, #tpu.memory_space<hbm>>
    tpu.enqueue_indirect_dma source(%dma_start3A_8 : memref<10112x128xf32, #tpu.memory_space<hbm>>) target(%arg11 : memref<128x128xf32, #tpu.memory_space<vmem>>) offsets(%dma_start3A_5 : memref<128xi32, #tpu.memory_space<vmem>>) semaphore(%arg14 : memref<!tpu.dma_semaphore, #tpu.memory_space<semaphore_mem>>)
    %scan3A = arith.constant 0 : i32
    %scan3A_9 = arith.constant 0 : i32
    %scan3A_10 = arith.constant 39 : i32
    %scan3A_11 = arith.addi %scan3A_9, %scan3A_10 : i32
    %scan3A_12 = arith.constant 1 : i32
    scf.for %scan3A_56 = %scan3A_9 to %scan3A_11 step %scan3A_12  : i32 {
      %mul3A_57 = arith.constant 2 : i32
      %mul3A_58 = arith.muli %mul3A_57, %scan3A_56 : i32
      %add3A_59 = arith.constant 1 : i32
      %add3A_60 = arith.addi %mul3A_58, %add3A_59 : i32
      "tpu.region"() ({
        %run_scoped3A_97 = tpu.sem_alloc : memref<!tpu.dma_semaphore, #tpu.memory_space<semaphore_mem>>
        %dma_start3A_98 = arith.constant 1 : i32
        %dma_start3A_99 = arith.constant 0 : i32
        %dma_start3A_100 = tpu.memref_slice %arg10[%dma_start3A_98, %dma_start3A_99] : memref<2x128xi32, #tpu.memory_space<vmem>> -> memref<1x128xi32, #tpu.memory_space<vmem>>
        %dma_start3A_101 = arith.constant 0 : i32
        %dma_start3A_102 = tpu.memref_slice %arg5[%add3A, %add3A_60, %dma_start3A_101] : memref<32x79x128xi32, #tpu.memory_space<hbm>> -> memref<1x1x128xi32, #tpu.memory_space<hbm>>
        %dma_start3A_103 = tpu.memref_squeeze %dma_start3A_102 : memref<1x1x128xi32, #tpu.memory_space<hbm>> -> memref<1x128xi32, #tpu.memory_space<hbm>>
        %dma_start3A_104 = arith.constant 1 : i32
        %dma_start3A_105 = arith.constant 0 : i32
        %dma_start3A_106 = tpu.memref_slice %arg10[%dma_start3A_104, %dma_start3A_105] : memref<2x128xi32, #tpu.memory_space<vmem>> -> memref<1x128xi32, #tpu.memory_space<vmem>>
        %dma_start3A_107 = arith.constant 0 : i32
        %dma_start3A_108 = tpu.memref_slice %arg5[%add3A, %add3A_60, %dma_start3A_107] : memref<32x79x128xi32, #tpu.memory_space<hbm>> -> memref<1x1x128xi32, #tpu.memory_space<hbm>>
        %dma_start3A_109 = tpu.memref_squeeze %dma_start3A_108 : memref<1x1x128xi32, #tpu.memory_space<hbm>> -> memref<1x128xi32, #tpu.memory_space<hbm>>
        tpu.enqueue_dma source(%dma_start3A_109 : memref<1x128xi32, #tpu.memory_space<hbm>>) target(%dma_start3A_106 : memref<1x128xi32, #tpu.memory_space<vmem>>) target_semaphore(%run_scoped3A_97 : memref<!tpu.dma_semaphore, #tpu.memory_space<semaphore_mem>>)
        %dma_wait3A_110 = arith.constant 1 : i32
        %dma_wait3A_111 = arith.constant 0 : i32
        %dma_wait3A_112 = tpu.memref_slice %arg10[%dma_wait3A_110, %dma_wait3A_111] : memref<2x128xi32, #tpu.memory_space<vmem>> -> memref<1x128xi32, #tpu.memory_space<vmem>>
        %dma_wait3A_113 = arith.constant 0 : i32
        %dma_wait3A_114 = tpu.memref_slice %arg5[%add3A, %add3A_60, %dma_wait3A_113] : memref<32x79x128xi32, #tpu.memory_space<hbm>> -> memref<1x1x128xi32, #tpu.memory_space<hbm>>
        %dma_wait3A_115 = tpu.memref_squeeze %dma_wait3A_114 : memref<1x1x128xi32, #tpu.memory_space<hbm>> -> memref<1x128xi32, #tpu.memory_space<hbm>>
        %dma_wait3A_116 = arith.constant 1 : i32
        %dma_wait3A_117 = arith.constant 0 : i32
        %dma_wait3A_118 = tpu.memref_slice %arg10[%dma_wait3A_116, %dma_wait3A_117] : memref<2x128xi32, #tpu.memory_space<vmem>> -> memref<1x128xi32, #tpu.memory_space<vmem>>
        %dma_wait3A_119 = arith.constant 0 : i32
        %dma_wait3A_120 = tpu.memref_slice %arg5[%add3A, %add3A_60, %dma_wait3A_119] : memref<32x79x128xi32, #tpu.memory_space<hbm>> -> memref<1x1x128xi32, #tpu.memory_space<hbm>>
        %dma_wait3A_121 = tpu.memref_squeeze %dma_wait3A_120 : memref<1x1x128xi32, #tpu.memory_space<hbm>> -> memref<1x128xi32, #tpu.memory_space<hbm>>
        tpu.wait_dma2 semaphore(%run_scoped3A_97 : memref<!tpu.dma_semaphore, #tpu.memory_space<semaphore_mem>>) src(%dma_wait3A_121 : memref<1x128xi32, #tpu.memory_space<hbm>>) dst(%dma_wait3A_118 : memref<1x128xi32, #tpu.memory_space<vmem>>)
        tpu.yield
      }) : () -> ()
      %dma_start3A_61 = arith.constant 0 : i32
      %dma_start3A_62 = tpu.memref_slice %arg9[%add3A_60, %dma_start3A_61] : memref<79x128xi32, #tpu.memory_space<vmem>> -> memref<1x128xi32, #tpu.memory_space<vmem>>
      %dma_start3A_63 = tpu.memref_squeeze %dma_start3A_62 : memref<1x128xi32, #tpu.memory_space<vmem>> -> memref<128xi32, #tpu.memory_space<vmem>>
      %dma_start3A_64 = arith.constant 0 : i32
      %dma_start3A_65 = arith.constant 0 : i32
      %dma_start3A_66 = tpu.memref_slice %arg2[%dma_start3A_64, %dma_start3A_65] : memref<10112x128xf32, #tpu.memory_space<hbm>> -> memref<10112x128xf32, #tpu.memory_space<hbm>>
      tpu.enqueue_indirect_dma source(%dma_start3A_66 : memref<10112x128xf32, #tpu.memory_space<hbm>>) target(%arg12 : memref<128x128xf32, #tpu.memory_space<vmem>>) offsets(%dma_start3A_63 : memref<128xi32, #tpu.memory_space<vmem>>) semaphore(%arg15 : memref<!tpu.dma_semaphore, #tpu.memory_space<semaphore_mem>>)
      %mul3A_67 = arith.constant 2 : i32
      %mul3A_68 = arith.muli %mul3A_67, %scan3A_56 : i32
      %dma_wait3A_69 = arith.constant 0 : i32
      %dma_wait3A_70 = tpu.memref_slice %arg9[%mul3A_68, %dma_wait3A_69] : memref<79x128xi32, #tpu.memory_space<vmem>> -> memref<1x128xi32, #tpu.memory_space<vmem>>
      %dma_wait3A_71 = tpu.memref_squeeze %dma_wait3A_70 : memref<1x128xi32, #tpu.memory_space<vmem>> -> memref<128xi32, #tpu.memory_space<vmem>>
      %dma_wait3A_72 = arith.constant 0 : i32
      %dma_wait3A_73 = arith.constant 0 : i32
      %dma_wait3A_74 = tpu.memref_slice %arg2[%dma_wait3A_72, %dma_wait3A_73] : memref<10112x128xf32, #tpu.memory_space<hbm>> -> memref<10112x128xf32, #tpu.memory_space<hbm>>
      tpu.wait_indirect_dma semaphore(%arg14 : memref<!tpu.dma_semaphore, #tpu.memory_space<semaphore_mem>>) src(%dma_wait3A_74 : memref<10112x128xf32, #tpu.memory_space<hbm>>) dst(%arg11 : memref<128x128xf32, #tpu.memory_space<vmem>>)
      %run_scoped3A_75 = arith.constant 0 : i32
      "tpu.region"() ({
        %run_scoped3A_97 = tpu.sem_alloc : memref<!tpu.dma_semaphore, #tpu.memory_space<semaphore_mem>>
        %dma_start3A_98 = arith.constant 0 : i32
        %dma_start3A_99 = tpu.memref_slice %arg10[%run_scoped3A_75, %dma_start3A_98] : memref<2x128xi32, #tpu.memory_space<vmem>> -> memref<1x128xi32, #tpu.memory_space<vmem>>
        %dma_start3A_100 = tpu.memref_squeeze %dma_start3A_99 : memref<1x128xi32, #tpu.memory_space<vmem>> -> memref<128xi32, #tpu.memory_space<vmem>>
        %dma_start3A_101 = arith.constant 0 : i32
        %dma_start3A_102 = arith.constant 0 : i32
        %dma_start3A_103 = tpu.memref_slice %arg13[%dma_start3A_101, %dma_start3A_102] : memref<10112x128xf32, #tpu.memory_space<vmem_shared>> -> memref<10112x128xf32, #tpu.memory_space<vmem_shared>>
        tpu.enqueue_indirect_dma source(%arg11 : memref<128x128xf32, #tpu.memory_space<vmem>>) target(%dma_start3A_103 : memref<10112x128xf32, #tpu.memory_space<vmem_shared>>) offsets(%dma_start3A_100 : memref<128xi32, #tpu.memory_space<vmem>>) semaphore(%run_scoped3A_97 : memref<!tpu.dma_semaphore, #tpu.memory_space<semaphore_mem>>) {add = true}
        %dma_wait3A_104 = arith.constant 0 : i32
        %dma_wait3A_105 = tpu.memref_slice %arg10[%run_scoped3A_75, %dma_wait3A_104] : memref<2x128xi32, #tpu.memory_space<vmem>> -> memref<1x128xi32, #tpu.memory_space<vmem>>
        %dma_wait3A_106 = tpu.memref_squeeze %dma_wait3A_105 : memref<1x128xi32, #tpu.memory_space<vmem>> -> memref<128xi32, #tpu.memory_space<vmem>>
        %dma_wait3A_107 = arith.constant 0 : i32
        %dma_wait3A_108 = arith.constant 0 : i32
        %dma_wait3A_109 = tpu.memref_slice %arg13[%dma_wait3A_107, %dma_wait3A_108] : memref<10112x128xf32, #tpu.memory_space<vmem_shared>> -> memref<10112x128xf32, #tpu.memory_space<vmem_shared>>
        tpu.wait_indirect_dma semaphore(%run_scoped3A_97 : memref<!tpu.dma_semaphore, #tpu.memory_space<semaphore_mem>>) src(%arg11 : memref<128x128xf32, #tpu.memory_space<vmem>>) dst(%dma_wait3A_109 : memref<10112x128xf32, #tpu.memory_space<vmem_shared>>)
        tpu.yield
      }) : () -> ()
      %mul3A_76 = arith.constant 2 : i32
      %mul3A_77 = arith.muli %mul3A_76, %scan3A_56 : i32
      %add3A_78 = arith.constant 2 : i32
      %add3A_79 = arith.addi %mul3A_77, %add3A_78 : i32
      "tpu.region"() ({
        %run_scoped3A_97 = tpu.sem_alloc : memref<!tpu.dma_semaphore, #tpu.memory_space<semaphore_mem>>
        %dma_start3A_98 = arith.constant 0 : i32
        %dma_start3A_99 = arith.constant 0 : i32
        %dma_start3A_100 = tpu.memref_slice %arg10[%dma_start3A_98, %dma_start3A_99] : memref<2x128xi32, #tpu.memory_space<vmem>> -> memref<1x128xi32, #tpu.memory_space<vmem>>
        %dma_start3A_101 = arith.constant 0 : i32
        %dma_start3A_102 = tpu.memref_slice %arg5[%add3A, %add3A_79, %dma_start3A_101] : memref<32x79x128xi32, #tpu.memory_space<hbm>> -> memref<1x1x128xi32, #tpu.memory_space<hbm>>
        %dma_start3A_103 = tpu.memref_squeeze %dma_start3A_102 : memref<1x1x128xi32, #tpu.memory_space<hbm>> -> memref<1x128xi32, #tpu.memory_space<hbm>>
        %dma_start3A_104 = arith.constant 0 : i32
        %dma_start3A_105 = arith.constant 0 : i32
        %dma_start3A_106 = tpu.memref_slice %arg10[%dma_start3A_104, %dma_start3A_105] : memref<2x128xi32, #tpu.memory_space<vmem>> -> memref<1x128xi32, #tpu.memory_space<vmem>>
        %dma_start3A_107 = arith.constant 0 : i32
        %dma_start3A_108 = tpu.memref_slice %arg5[%add3A, %add3A_79, %dma_start3A_107] : memref<32x79x128xi32, #tpu.memory_space<hbm>> -> memref<1x1x128xi32, #tpu.memory_space<hbm>>
        %dma_start3A_109 = tpu.memref_squeeze %dma_start3A_108 : memref<1x1x128xi32, #tpu.memory_space<hbm>> -> memref<1x128xi32, #tpu.memory_space<hbm>>
        tpu.enqueue_dma source(%dma_start3A_109 : memref<1x128xi32, #tpu.memory_space<hbm>>) target(%dma_start3A_106 : memref<1x128xi32, #tpu.memory_space<vmem>>) target_semaphore(%run_scoped3A_97 : memref<!tpu.dma_semaphore, #tpu.memory_space<semaphore_mem>>)
        %dma_wait3A_110 = arith.constant 0 : i32
        %dma_wait3A_111 = arith.constant 0 : i32
        %dma_wait3A_112 = tpu.memref_slice %arg10[%dma_wait3A_110, %dma_wait3A_111] : memref<2x128xi32, #tpu.memory_space<vmem>> -> memref<1x128xi32, #tpu.memory_space<vmem>>
        %dma_wait3A_113 = arith.constant 0 : i32
        %dma_wait3A_114 = tpu.memref_slice %arg5[%add3A, %add3A_79, %dma_wait3A_113] : memref<32x79x128xi32, #tpu.memory_space<hbm>> -> memref<1x1x128xi32, #tpu.memory_space<hbm>>
        %dma_wait3A_115 = tpu.memref_squeeze %dma_wait3A_114 : memref<1x1x128xi32, #tpu.memory_space<hbm>> -> memref<1x128xi32, #tpu.memory_space<hbm>>
        %dma_wait3A_116 = arith.constant 0 : i32
        %dma_wait3A_117 = arith.constant 0 : i32
        %dma_wait3A_118 = tpu.memref_slice %arg10[%dma_wait3A_116, %dma_wait3A_117] : memref<2x128xi32, #tpu.memory_space<vmem>> -> memref<1x128xi32, #tpu.memory_space<vmem>>
        %dma_wait3A_119 = arith.constant 0 : i32
        %dma_wait3A_120 = tpu.memref_slice %arg5[%add3A, %add3A_79, %dma_wait3A_119] : memref<32x79x128xi32, #tpu.memory_space<hbm>> -> memref<1x1x128xi32, #tpu.memory_space<hbm>>
        %dma_wait3A_121 = tpu.memref_squeeze %dma_wait3A_120 : memref<1x1x128xi32, #tpu.memory_space<hbm>> -> memref<1x128xi32, #tpu.memory_space<hbm>>
        tpu.wait_dma2 semaphore(%run_scoped3A_97 : memref<!tpu.dma_semaphore, #tpu.memory_space<semaphore_mem>>) src(%dma_wait3A_121 : memref<1x128xi32, #tpu.memory_space<hbm>>) dst(%dma_wait3A_118 : memref<1x128xi32, #tpu.memory_space<vmem>>)
        tpu.yield
      }) : () -> ()
      %dma_start3A_80 = arith.constant 0 : i32
      %dma_start3A_81 = tpu.memref_slice %arg9[%add3A_79, %dma_start3A_80] : memref<79x128xi32, #tpu.memory_space<vmem>> -> memref<1x128xi32, #tpu.memory_space<vmem>>
      %dma_start3A_82 = tpu.memref_squeeze %dma_start3A_81 : memref<1x128xi32, #tpu.memory_space<vmem>> -> memref<128xi32, #tpu.memory_space<vmem>>
      %dma_start3A_83 = arith.constant 0 : i32
      %dma_start3A_84 = arith.constant 0 : i32
      %dma_start3A_85 = tpu.memref_slice %arg2[%dma_start3A_83, %dma_start3A_84] : memref<10112x128xf32, #tpu.memory_space<hbm>> -> memref<10112x128xf32, #tpu.memory_space<hbm>>
      tpu.enqueue_indirect_dma source(%dma_start3A_85 : memref<10112x128xf32, #tpu.memory_space<hbm>>) target(%arg11 : memref<128x128xf32, #tpu.memory_space<vmem>>) offsets(%dma_start3A_82 : memref<128xi32, #tpu.memory_space<vmem>>) semaphore(%arg14 : memref<!tpu.dma_semaphore, #tpu.memory_space<semaphore_mem>>)
      %mul3A_86 = arith.constant 2 : i32
      %mul3A_87 = arith.muli %mul3A_86, %scan3A_56 : i32
      %add3A_88 = arith.constant 1 : i32
      %add3A_89 = arith.addi %mul3A_87, %add3A_88 : i32
      %dma_wait3A_90 = arith.constant 0 : i32
      %dma_wait3A_91 = tpu.memref_slice %arg9[%add3A_89, %dma_wait3A_90] : memref<79x128xi32, #tpu.memory_space<vmem>> -> memref<1x128xi32, #tpu.memory_space<vmem>>
      %dma_wait3A_92 = tpu.memref_squeeze %dma_wait3A_91 : memref<1x128xi32, #tpu.memory_space<vmem>> -> memref<128xi32, #tpu.memory_space<vmem>>
      %dma_wait3A_93 = arith.constant 0 : i32
      %dma_wait3A_94 = arith.constant 0 : i32
      %dma_wait3A_95 = tpu.memref_slice %arg2[%dma_wait3A_93, %dma_wait3A_94] : memref<10112x128xf32, #tpu.memory_space<hbm>> -> memref<10112x128xf32, #tpu.memory_space<hbm>>
      tpu.wait_indirect_dma semaphore(%arg15 : memref<!tpu.dma_semaphore, #tpu.memory_space<semaphore_mem>>) src(%dma_wait3A_95 : memref<10112x128xf32, #tpu.memory_space<hbm>>) dst(%arg12 : memref<128x128xf32, #tpu.memory_space<vmem>>)
      %run_scoped3A_96 = arith.constant 1 : i32
      "tpu.region"() ({
        %run_scoped3A_97 = tpu.sem_alloc : memref<!tpu.dma_semaphore, #tpu.memory_space<semaphore_mem>>
        %dma_start3A_98 = arith.constant 0 : i32
        %dma_start3A_99 = tpu.memref_slice %arg10[%run_scoped3A_96, %dma_start3A_98] : memref<2x128xi32, #tpu.memory_space<vmem>> -> memref<1x128xi32, #tpu.memory_space<vmem>>
        %dma_start3A_100 = tpu.memref_squeeze %dma_start3A_99 : memref<1x128xi32, #tpu.memory_space<vmem>> -> memref<128xi32, #tpu.memory_space<vmem>>
        %dma_start3A_101 = arith.constant 0 : i32
        %dma_start3A_102 = arith.constant 0 : i32
        %dma_start3A_103 = tpu.memref_slice %arg13[%dma_start3A_101, %dma_start3A_102] : memref<10112x128xf32, #tpu.memory_space<vmem_shared>> -> memref<10112x128xf32, #tpu.memory_space<vmem_shared>>
        tpu.enqueue_indirect_dma source(%arg12 : memref<128x128xf32, #tpu.memory_space<vmem>>) target(%dma_start3A_103 : memref<10112x128xf32, #tpu.memory_space<vmem_shared>>) offsets(%dma_start3A_100 : memref<128xi32, #tpu.memory_space<vmem>>) semaphore(%run_scoped3A_97 : memref<!tpu.dma_semaphore, #tpu.memory_space<semaphore_mem>>) {add = true}
        %dma_wait3A_104 = arith.constant 0 : i32
        %dma_wait3A_105 = tpu.memref_slice %arg10[%run_scoped3A_96, %dma_wait3A_104] : memref<2x128xi32, #tpu.memory_space<vmem>> -> memref<1x128xi32, #tpu.memory_space<vmem>>
        %dma_wait3A_106 = tpu.memref_squeeze %dma_wait3A_105 : memref<1x128xi32, #tpu.memory_space<vmem>> -> memref<128xi32, #tpu.memory_space<vmem>>
        %dma_wait3A_107 = arith.constant 0 : i32
        %dma_wait3A_108 = arith.constant 0 : i32
        %dma_wait3A_109 = tpu.memref_slice %arg13[%dma_wait3A_107, %dma_wait3A_108] : memref<10112x128xf32, #tpu.memory_space<vmem_shared>> -> memref<10112x128xf32, #tpu.memory_space<vmem_shared>>
        tpu.wait_indirect_dma semaphore(%run_scoped3A_97 : memref<!tpu.dma_semaphore, #tpu.memory_space<semaphore_mem>>) src(%arg12 : memref<128x128xf32, #tpu.memory_space<vmem>>) dst(%dma_wait3A_109 : memref<10112x128xf32, #tpu.memory_space<vmem_shared>>)
        tpu.yield
      }) : () -> ()
    }
    %scan3A_13 = arith.constant 39 : i32
    %dma_wait3A = arith.constant 78 : i32
    %dma_wait3A_14 = arith.constant 0 : i32
    %dma_wait3A_15 = tpu.memref_slice %arg9[%dma_wait3A, %dma_wait3A_14] : memref<79x128xi32, #tpu.memory_space<vmem>> -> memref<1x128xi32, #tpu.memory_space<vmem>>
    %dma_wait3A_16 = tpu.memref_squeeze %dma_wait3A_15 : memref<1x128xi32, #tpu.memory_space<vmem>> -> memref<128xi32, #tpu.memory_space<vmem>>
    %dma_wait3A_17 = arith.constant 0 : i32
    %dma_wait3A_18 = arith.constant 0 : i32
    %dma_wait3A_19 = tpu.memref_slice %arg2[%dma_wait3A_17, %dma_wait3A_18] : memref<10112x128xf32, #tpu.memory_space<hbm>> -> memref<10112x128xf32, #tpu.memory_space<hbm>>
    tpu.wait_indirect_dma semaphore(%arg14 : memref<!tpu.dma_semaphore, #tpu.memory_space<semaphore_mem>>) src(%dma_wait3A_19 : memref<10112x128xf32, #tpu.memory_space<hbm>>) dst(%arg11 : memref<128x128xf32, #tpu.memory_space<vmem>>)
    %run_scoped3A = arith.constant 0 : i32
    "tpu.region"() ({
      %run_scoped3A_56 = tpu.sem_alloc : memref<!tpu.dma_semaphore, #tpu.memory_space<semaphore_mem>>
      %dma_start3A_57 = arith.constant 0 : i32
      %dma_start3A_58 = tpu.memref_slice %arg10[%run_scoped3A, %dma_start3A_57] : memref<2x128xi32, #tpu.memory_space<vmem>> -> memref<1x128xi32, #tpu.memory_space<vmem>>
      %dma_start3A_59 = tpu.memref_squeeze %dma_start3A_58 : memref<1x128xi32, #tpu.memory_space<vmem>> -> memref<128xi32, #tpu.memory_space<vmem>>
      %dma_start3A_60 = arith.constant 0 : i32
      %dma_start3A_61 = arith.constant 0 : i32
      %dma_start3A_62 = tpu.memref_slice %arg13[%dma_start3A_60, %dma_start3A_61] : memref<10112x128xf32, #tpu.memory_space<vmem_shared>> -> memref<10112x128xf32, #tpu.memory_space<vmem_shared>>
      tpu.enqueue_indirect_dma source(%arg11 : memref<128x128xf32, #tpu.memory_space<vmem>>) target(%dma_start3A_62 : memref<10112x128xf32, #tpu.memory_space<vmem_shared>>) offsets(%dma_start3A_59 : memref<128xi32, #tpu.memory_space<vmem>>) semaphore(%run_scoped3A_56 : memref<!tpu.dma_semaphore, #tpu.memory_space<semaphore_mem>>) {add = true}
      %dma_wait3A_63 = arith.constant 0 : i32
      %dma_wait3A_64 = tpu.memref_slice %arg10[%run_scoped3A, %dma_wait3A_63] : memref<2x128xi32, #tpu.memory_space<vmem>> -> memref<1x128xi32, #tpu.memory_space<vmem>>
      %dma_wait3A_65 = tpu.memref_squeeze %dma_wait3A_64 : memref<1x128xi32, #tpu.memory_space<vmem>> -> memref<128xi32, #tpu.memory_space<vmem>>
      %dma_wait3A_66 = arith.constant 0 : i32
      %dma_wait3A_67 = arith.constant 0 : i32
      %dma_wait3A_68 = tpu.memref_slice %arg13[%dma_wait3A_66, %dma_wait3A_67] : memref<10112x128xf32, #tpu.memory_space<vmem_shared>> -> memref<10112x128xf32, #tpu.memory_space<vmem_shared>>
      tpu.wait_indirect_dma semaphore(%run_scoped3A_56 : memref<!tpu.dma_semaphore, #tpu.memory_space<semaphore_mem>>) src(%arg11 : memref<128x128xf32, #tpu.memory_space<vmem>>) dst(%dma_wait3A_68 : memref<10112x128xf32, #tpu.memory_space<vmem_shared>>)
      tpu.yield
    }) : () -> ()
    %barrier3A_20 = arith.constant 0 : index
    tpu.barrier barrier_id(%barrier3A_20)
    %mul3A_21 = arith.constant 632 : i32
    %mul3A_22 = arith.muli %arg1, %mul3A_21 : i32
    %mul3A_23 = arith.constant 632 : i32
    %mul3A_24 = arith.muli %arg1, %mul3A_23 : i32
    "tpu.region"() ({
      %run_scoped3A_56 = tpu.sem_alloc : memref<!tpu.dma_semaphore, #tpu.memory_space<semaphore_mem>>
      %dma_start3A_57 = arith.constant 0 : i32
      %dma_start3A_58 = tpu.memref_slice %arg7[%arg0, %mul3A_24, %dma_start3A_57] : memref<2x10112x128xf32, #tpu.memory_space<hbm>> -> memref<1x632x128xf32, #tpu.memory_space<hbm>>
      %dma_start3A_59 = tpu.memref_squeeze %dma_start3A_58 : memref<1x632x128xf32, #tpu.memory_space<hbm>> -> memref<632x128xf32, #tpu.memory_space<hbm>>
      %dma_start3A_60 = arith.constant 0 : i32
      %dma_start3A_61 = tpu.memref_slice %arg13[%mul3A_22, %dma_start3A_60] : memref<10112x128xf32, #tpu.memory_space<vmem_shared>> -> memref<632x128xf32, #tpu.memory_space<vmem_shared>>
      tpu.enqueue_dma source(%dma_start3A_61 : memref<632x128xf32, #tpu.memory_space<vmem_shared>>) target(%dma_start3A_59 : memref<632x128xf32, #tpu.memory_space<hbm>>) target_semaphore(%run_scoped3A_56 : memref<!tpu.dma_semaphore, #tpu.memory_space<semaphore_mem>>)
      %dma_wait3A_62 = arith.constant 0 : i32
      %dma_wait3A_63 = tpu.memref_slice %arg7[%arg0, %mul3A_24, %dma_wait3A_62] : memref<2x10112x128xf32, #tpu.memory_space<hbm>> -> memref<1x632x128xf32, #tpu.memory_space<hbm>>
      %dma_wait3A_64 = tpu.memref_squeeze %dma_wait3A_63 : memref<1x632x128xf32, #tpu.memory_space<hbm>> -> memref<632x128xf32, #tpu.memory_space<hbm>>
      %dma_wait3A_65 = arith.constant 0 : i32
      %dma_wait3A_66 = tpu.memref_slice %arg13[%mul3A_22, %dma_wait3A_65] : memref<10112x128xf32, #tpu.memory_space<vmem_shared>> -> memref<632x128xf32, #tpu.memory_space<vmem_shared>>
      tpu.wait_dma2 semaphore(%run_scoped3A_56 : memref<!tpu.dma_semaphore, #tpu.memory_space<semaphore_mem>>) src(%dma_wait3A_66 : memref<632x128xf32, #tpu.memory_space<vmem_shared>>) dst(%dma_wait3A_64 : memref<632x128xf32, #tpu.memory_space<hbm>>)
      tpu.yield
    }) : () -> ()
    %barrier3A_25 = arith.constant 0 : index
    tpu.barrier barrier_id(%barrier3A_25)
    %mul3A_26 = arith.constant 632 : i32
    %mul3A_27 = arith.muli %arg1, %mul3A_26 : i32
    "tpu.region"() ({
      %run_scoped3A_56 = tpu.sem_alloc : memref<!tpu.dma_semaphore, #tpu.memory_space<semaphore_mem>>
      %dma_start3A_57 = arith.constant 0 : i32
      %dma_start3A_58 = tpu.memref_slice %arg13[%mul3A_27, %dma_start3A_57] : memref<10112x128xf32, #tpu.memory_space<vmem_shared>> -> memref<632x128xf32, #tpu.memory_space<vmem_shared>>
      tpu.enqueue_dma source(%arg6 : memref<632x128xf32, #tpu.memory_space<hbm>>) target(%dma_start3A_58 : memref<632x128xf32, #tpu.memory_space<vmem_shared>>) target_semaphore(%run_scoped3A_56 : memref<!tpu.dma_semaphore, #tpu.memory_space<semaphore_mem>>)
      %dma_wait3A_59 = arith.constant 0 : i32
      %dma_wait3A_60 = tpu.memref_slice %arg13[%mul3A_27, %dma_wait3A_59] : memref<10112x128xf32, #tpu.memory_space<vmem_shared>> -> memref<632x128xf32, #tpu.memory_space<vmem_shared>>
      tpu.wait_dma2 semaphore(%run_scoped3A_56 : memref<!tpu.dma_semaphore, #tpu.memory_space<semaphore_mem>>) src(%arg6 : memref<632x128xf32, #tpu.memory_space<hbm>>) dst(%dma_wait3A_60 : memref<632x128xf32, #tpu.memory_space<vmem_shared>>)
      tpu.yield
    }) : () -> ()
    %barrier3A_28 = arith.constant 0 : index
    tpu.barrier barrier_id(%barrier3A_28)
    "tpu.region"() ({
      %run_scoped3A_56 = tpu.sem_alloc : memref<!tpu.dma_semaphore, #tpu.memory_space<semaphore_mem>>
      %dma_start3A_57 = arith.constant 0 : i32
      %dma_start3A_58 = arith.constant 0 : i32
      %dma_start3A_59 = tpu.memref_slice %arg10[%dma_start3A_57, %dma_start3A_58] : memref<2x128xi32, #tpu.memory_space<vmem>> -> memref<1x128xi32, #tpu.memory_space<vmem>>
      %dma_start3A_60 = arith.constant 0 : i32
      %dma_start3A_61 = arith.constant 0 : i32
      %dma_start3A_62 = tpu.memref_slice %arg5[%add3A, %dma_start3A_60, %dma_start3A_61] : memref<32x79x128xi32, #tpu.memory_space<hbm>> -> memref<1x1x128xi32, #tpu.memory_space<hbm>>
      %dma_start3A_63 = tpu.memref_squeeze %dma_start3A_62 : memref<1x1x128xi32, #tpu.memory_space<hbm>> -> memref<1x128xi32, #tpu.memory_space<hbm>>
      %dma_start3A_64 = arith.constant 0 : i32
      %dma_start3A_65 = arith.constant 0 : i32
      %dma_start3A_66 = tpu.memref_slice %arg10[%dma_start3A_64, %dma_start3A_65] : memref<2x128xi32, #tpu.memory_space<vmem>> -> memref<1x128xi32, #tpu.memory_space<vmem>>
      %dma_start3A_67 = arith.constant 0 : i32
      %dma_start3A_68 = arith.constant 0 : i32
      %dma_start3A_69 = tpu.memref_slice %arg5[%add3A, %dma_start3A_67, %dma_start3A_68] : memref<32x79x128xi32, #tpu.memory_space<hbm>> -> memref<1x1x128xi32, #tpu.memory_space<hbm>>
      %dma_start3A_70 = tpu.memref_squeeze %dma_start3A_69 : memref<1x1x128xi32, #tpu.memory_space<hbm>> -> memref<1x128xi32, #tpu.memory_space<hbm>>
      tpu.enqueue_dma source(%dma_start3A_70 : memref<1x128xi32, #tpu.memory_space<hbm>>) target(%dma_start3A_66 : memref<1x128xi32, #tpu.memory_space<vmem>>) target_semaphore(%run_scoped3A_56 : memref<!tpu.dma_semaphore, #tpu.memory_space<semaphore_mem>>)
      %dma_wait3A_71 = arith.constant 0 : i32
      %dma_wait3A_72 = arith.constant 0 : i32
      %dma_wait3A_73 = tpu.memref_slice %arg10[%dma_wait3A_71, %dma_wait3A_72] : memref<2x128xi32, #tpu.memory_space<vmem>> -> memref<1x128xi32, #tpu.memory_space<vmem>>
      %dma_wait3A_74 = arith.constant 0 : i32
      %dma_wait3A_75 = arith.constant 0 : i32
      %dma_wait3A_76 = tpu.memref_slice %arg5[%add3A, %dma_wait3A_74, %dma_wait3A_75] : memref<32x79x128xi32, #tpu.memory_space<hbm>> -> memref<1x1x128xi32, #tpu.memory_space<hbm>>
      %dma_wait3A_77 = tpu.memref_squeeze %dma_wait3A_76 : memref<1x1x128xi32, #tpu.memory_space<hbm>> -> memref<1x128xi32, #tpu.memory_space<hbm>>
      %dma_wait3A_78 = arith.constant 0 : i32
      %dma_wait3A_79 = arith.constant 0 : i32
      %dma_wait3A_80 = tpu.memref_slice %arg10[%dma_wait3A_78, %dma_wait3A_79] : memref<2x128xi32, #tpu.memory_space<vmem>> -> memref<1x128xi32, #tpu.memory_space<vmem>>
      %dma_wait3A_81 = arith.constant 0 : i32
      %dma_wait3A_82 = arith.constant 0 : i32
      %dma_wait3A_83 = tpu.memref_slice %arg5[%add3A, %dma_wait3A_81, %dma_wait3A_82] : memref<32x79x128xi32, #tpu.memory_space<hbm>> -> memref<1x1x128xi32, #tpu.memory_space<hbm>>
      %dma_wait3A_84 = tpu.memref_squeeze %dma_wait3A_83 : memref<1x1x128xi32, #tpu.memory_space<hbm>> -> memref<1x128xi32, #tpu.memory_space<hbm>>
      tpu.wait_dma2 semaphore(%run_scoped3A_56 : memref<!tpu.dma_semaphore, #tpu.memory_space<semaphore_mem>>) src(%dma_wait3A_84 : memref<1x128xi32, #tpu.memory_space<hbm>>) dst(%dma_wait3A_80 : memref<1x128xi32, #tpu.memory_space<vmem>>)
      tpu.yield
    }) : () -> ()
    %dma_start3A_29 = arith.constant 0 : i32
    %dma_start3A_30 = arith.constant 0 : i32
    %dma_start3A_31 = tpu.memref_slice %arg9[%dma_start3A_29, %dma_start3A_30] : memref<79x128xi32, #tpu.memory_space<vmem>> -> memref<1x128xi32, #tpu.memory_space<vmem>>
    %dma_start3A_32 = tpu.memref_squeeze %dma_start3A_31 : memref<1x128xi32, #tpu.memory_space<vmem>> -> memref<128xi32, #tpu.memory_space<vmem>>
    %dma_start3A_33 = arith.constant 0 : i32
    %dma_start3A_34 = arith.constant 0 : i32
    %dma_start3A_35 = tpu.memref_slice %arg3[%dma_start3A_33, %dma_start3A_34] : memref<10112x128xf32, #tpu.memory_space<hbm>> -> memref<10112x128xf32, #tpu.memory_space<hbm>>
    tpu.enqueue_indirect_dma source(%dma_start3A_35 : memref<10112x128xf32, #tpu.memory_space<hbm>>) target(%arg11 : memref<128x128xf32, #tpu.memory_space<vmem>>) offsets(%dma_start3A_32 : memref<128xi32, #tpu.memory_space<vmem>>) semaphore(%arg14 : memref<!tpu.dma_semaphore, #tpu.memory_space<semaphore_mem>>)
    %scan3A_36 = arith.constant 0 : i32
    %scan3A_37 = arith.constant 0 : i32
    %scan3A_38 = arith.constant 39 : i32
    %scan3A_39 = arith.addi %scan3A_37, %scan3A_38 : i32
    %scan3A_40 = arith.constant 1 : i32
    scf.for %scan3A_56 = %scan3A_37 to %scan3A_39 step %scan3A_40  : i32 {
      %mul3A_57 = arith.constant 2 : i32
      %mul3A_58 = arith.muli %mul3A_57, %scan3A_56 : i32
      %add3A_59 = arith.constant 1 : i32
      %add3A_60 = arith.addi %mul3A_58, %add3A_59 : i32
      "tpu.region"() ({
        %run_scoped3A_97 = tpu.sem_alloc : memref<!tpu.dma_semaphore, #tpu.memory_space<semaphore_mem>>
        %dma_start3A_98 = arith.constant 1 : i32
        %dma_start3A_99 = arith.constant 0 : i32
        %dma_start3A_100 = tpu.memref_slice %arg10[%dma_start3A_98, %dma_start3A_99] : memref<2x128xi32, #tpu.memory_space<vmem>> -> memref<1x128xi32, #tpu.memory_space<vmem>>
        %dma_start3A_101 = arith.constant 0 : i32
        %dma_start3A_102 = tpu.memref_slice %arg5[%add3A, %add3A_60, %dma_start3A_101] : memref<32x79x128xi32, #tpu.memory_space<hbm>> -> memref<1x1x128xi32, #tpu.memory_space<hbm>>
        %dma_start3A_103 = tpu.memref_squeeze %dma_start3A_102 : memref<1x1x128xi32, #tpu.memory_space<hbm>> -> memref<1x128xi32, #tpu.memory_space<hbm>>
        %dma_start3A_104 = arith.constant 1 : i32
        %dma_start3A_105 = arith.constant 0 : i32
        %dma_start3A_106 = tpu.memref_slice %arg10[%dma_start3A_104, %dma_start3A_105] : memref<2x128xi32, #tpu.memory_space<vmem>> -> memref<1x128xi32, #tpu.memory_space<vmem>>
        %dma_start3A_107 = arith.constant 0 : i32
        %dma_start3A_108 = tpu.memref_slice %arg5[%add3A, %add3A_60, %dma_start3A_107] : memref<32x79x128xi32, #tpu.memory_space<hbm>> -> memref<1x1x128xi32, #tpu.memory_space<hbm>>
        %dma_start3A_109 = tpu.memref_squeeze %dma_start3A_108 : memref<1x1x128xi32, #tpu.memory_space<hbm>> -> memref<1x128xi32, #tpu.memory_space<hbm>>
        tpu.enqueue_dma source(%dma_start3A_109 : memref<1x128xi32, #tpu.memory_space<hbm>>) target(%dma_start3A_106 : memref<1x128xi32, #tpu.memory_space<vmem>>) target_semaphore(%run_scoped3A_97 : memref<!tpu.dma_semaphore, #tpu.memory_space<semaphore_mem>>)
        %dma_wait3A_110 = arith.constant 1 : i32
        %dma_wait3A_111 = arith.constant 0 : i32
        %dma_wait3A_112 = tpu.memref_slice %arg10[%dma_wait3A_110, %dma_wait3A_111] : memref<2x128xi32, #tpu.memory_space<vmem>> -> memref<1x128xi32, #tpu.memory_space<vmem>>
        %dma_wait3A_113 = arith.constant 0 : i32
        %dma_wait3A_114 = tpu.memref_slice %arg5[%add3A, %add3A_60, %dma_wait3A_113] : memref<32x79x128xi32, #tpu.memory_space<hbm>> -> memref<1x1x128xi32, #tpu.memory_space<hbm>>
        %dma_wait3A_115 = tpu.memref_squeeze %dma_wait3A_114 : memref<1x1x128xi32, #tpu.memory_space<hbm>> -> memref<1x128xi32, #tpu.memory_space<hbm>>
        %dma_wait3A_116 = arith.constant 1 : i32
        %dma_wait3A_117 = arith.constant 0 : i32
        %dma_wait3A_118 = tpu.memref_slice %arg10[%dma_wait3A_116, %dma_wait3A_117] : memref<2x128xi32, #tpu.memory_space<vmem>> -> memref<1x128xi32, #tpu.memory_space<vmem>>
        %dma_wait3A_119 = arith.constant 0 : i32
        %dma_wait3A_120 = tpu.memref_slice %arg5[%add3A, %add3A_60, %dma_wait3A_119] : memref<32x79x128xi32, #tpu.memory_space<hbm>> -> memref<1x1x128xi32, #tpu.memory_space<hbm>>
        %dma_wait3A_121 = tpu.memref_squeeze %dma_wait3A_120 : memref<1x1x128xi32, #tpu.memory_space<hbm>> -> memref<1x128xi32, #tpu.memory_space<hbm>>
        tpu.wait_dma2 semaphore(%run_scoped3A_97 : memref<!tpu.dma_semaphore, #tpu.memory_space<semaphore_mem>>) src(%dma_wait3A_121 : memref<1x128xi32, #tpu.memory_space<hbm>>) dst(%dma_wait3A_118 : memref<1x128xi32, #tpu.memory_space<vmem>>)
        tpu.yield
      }) : () -> ()
      %dma_start3A_61 = arith.constant 0 : i32
      %dma_start3A_62 = tpu.memref_slice %arg9[%add3A_60, %dma_start3A_61] : memref<79x128xi32, #tpu.memory_space<vmem>> -> memref<1x128xi32, #tpu.memory_space<vmem>>
      %dma_start3A_63 = tpu.memref_squeeze %dma_start3A_62 : memref<1x128xi32, #tpu.memory_space<vmem>> -> memref<128xi32, #tpu.memory_space<vmem>>
      %dma_start3A_64 = arith.constant 0 : i32
      %dma_start3A_65 = arith.constant 0 : i32
      %dma_start3A_66 = tpu.memref_slice %arg3[%dma_start3A_64, %dma_start3A_65] : memref<10112x128xf32, #tpu.memory_space<hbm>> -> memref<10112x128xf32, #tpu.memory_space<hbm>>
      tpu.enqueue_indirect_dma source(%dma_start3A_66 : memref<10112x128xf32, #tpu.memory_space<hbm>>) target(%arg12 : memref<128x128xf32, #tpu.memory_space<vmem>>) offsets(%dma_start3A_63 : memref<128xi32, #tpu.memory_space<vmem>>) semaphore(%arg15 : memref<!tpu.dma_semaphore, #tpu.memory_space<semaphore_mem>>)
      %mul3A_67 = arith.constant 2 : i32
      %mul3A_68 = arith.muli %mul3A_67, %scan3A_56 : i32
      %dma_wait3A_69 = arith.constant 0 : i32
      %dma_wait3A_70 = tpu.memref_slice %arg9[%mul3A_68, %dma_wait3A_69] : memref<79x128xi32, #tpu.memory_space<vmem>> -> memref<1x128xi32, #tpu.memory_space<vmem>>
      %dma_wait3A_71 = tpu.memref_squeeze %dma_wait3A_70 : memref<1x128xi32, #tpu.memory_space<vmem>> -> memref<128xi32, #tpu.memory_space<vmem>>
      %dma_wait3A_72 = arith.constant 0 : i32
      %dma_wait3A_73 = arith.constant 0 : i32
      %dma_wait3A_74 = tpu.memref_slice %arg3[%dma_wait3A_72, %dma_wait3A_73] : memref<10112x128xf32, #tpu.memory_space<hbm>> -> memref<10112x128xf32, #tpu.memory_space<hbm>>
      tpu.wait_indirect_dma semaphore(%arg14 : memref<!tpu.dma_semaphore, #tpu.memory_space<semaphore_mem>>) src(%dma_wait3A_74 : memref<10112x128xf32, #tpu.memory_space<hbm>>) dst(%arg11 : memref<128x128xf32, #tpu.memory_space<vmem>>)
      %run_scoped3A_75 = arith.constant 0 : i32
      "tpu.region"() ({
        %run_scoped3A_97 = tpu.sem_alloc : memref<!tpu.dma_semaphore, #tpu.memory_space<semaphore_mem>>
        %dma_start3A_98 = arith.constant 0 : i32
        %dma_start3A_99 = tpu.memref_slice %arg10[%run_scoped3A_75, %dma_start3A_98] : memref<2x128xi32, #tpu.memory_space<vmem>> -> memref<1x128xi32, #tpu.memory_space<vmem>>
        %dma_start3A_100 = tpu.memref_squeeze %dma_start3A_99 : memref<1x128xi32, #tpu.memory_space<vmem>> -> memref<128xi32, #tpu.memory_space<vmem>>
        %dma_start3A_101 = arith.constant 0 : i32
        %dma_start3A_102 = arith.constant 0 : i32
        %dma_start3A_103 = tpu.memref_slice %arg13[%dma_start3A_101, %dma_start3A_102] : memref<10112x128xf32, #tpu.memory_space<vmem_shared>> -> memref<10112x128xf32, #tpu.memory_space<vmem_shared>>
        tpu.enqueue_indirect_dma source(%arg11 : memref<128x128xf32, #tpu.memory_space<vmem>>) target(%dma_start3A_103 : memref<10112x128xf32, #tpu.memory_space<vmem_shared>>) offsets(%dma_start3A_100 : memref<128xi32, #tpu.memory_space<vmem>>) semaphore(%run_scoped3A_97 : memref<!tpu.dma_semaphore, #tpu.memory_space<semaphore_mem>>) {add = true}
        %dma_wait3A_104 = arith.constant 0 : i32
        %dma_wait3A_105 = tpu.memref_slice %arg10[%run_scoped3A_75, %dma_wait3A_104] : memref<2x128xi32, #tpu.memory_space<vmem>> -> memref<1x128xi32, #tpu.memory_space<vmem>>
        %dma_wait3A_106 = tpu.memref_squeeze %dma_wait3A_105 : memref<1x128xi32, #tpu.memory_space<vmem>> -> memref<128xi32, #tpu.memory_space<vmem>>
        %dma_wait3A_107 = arith.constant 0 : i32
        %dma_wait3A_108 = arith.constant 0 : i32
        %dma_wait3A_109 = tpu.memref_slice %arg13[%dma_wait3A_107, %dma_wait3A_108] : memref<10112x128xf32, #tpu.memory_space<vmem_shared>> -> memref<10112x128xf32, #tpu.memory_space<vmem_shared>>
        tpu.wait_indirect_dma semaphore(%run_scoped3A_97 : memref<!tpu.dma_semaphore, #tpu.memory_space<semaphore_mem>>) src(%arg11 : memref<128x128xf32, #tpu.memory_space<vmem>>) dst(%dma_wait3A_109 : memref<10112x128xf32, #tpu.memory_space<vmem_shared>>)
        tpu.yield
      }) : () -> ()
      %mul3A_76 = arith.constant 2 : i32
      %mul3A_77 = arith.muli %mul3A_76, %scan3A_56 : i32
      %add3A_78 = arith.constant 2 : i32
      %add3A_79 = arith.addi %mul3A_77, %add3A_78 : i32
      "tpu.region"() ({
        %run_scoped3A_97 = tpu.sem_alloc : memref<!tpu.dma_semaphore, #tpu.memory_space<semaphore_mem>>
        %dma_start3A_98 = arith.constant 0 : i32
        %dma_start3A_99 = arith.constant 0 : i32
        %dma_start3A_100 = tpu.memref_slice %arg10[%dma_start3A_98, %dma_start3A_99] : memref<2x128xi32, #tpu.memory_space<vmem>> -> memref<1x128xi32, #tpu.memory_space<vmem>>
        %dma_start3A_101 = arith.constant 0 : i32
        %dma_start3A_102 = tpu.memref_slice %arg5[%add3A, %add3A_79, %dma_start3A_101] : memref<32x79x128xi32, #tpu.memory_space<hbm>> -> memref<1x1x128xi32, #tpu.memory_space<hbm>>
        %dma_start3A_103 = tpu.memref_squeeze %dma_start3A_102 : memref<1x1x128xi32, #tpu.memory_space<hbm>> -> memref<1x128xi32, #tpu.memory_space<hbm>>
        %dma_start3A_104 = arith.constant 0 : i32
        %dma_start3A_105 = arith.constant 0 : i32
        %dma_start3A_106 = tpu.memref_slice %arg10[%dma_start3A_104, %dma_start3A_105] : memref<2x128xi32, #tpu.memory_space<vmem>> -> memref<1x128xi32, #tpu.memory_space<vmem>>
        %dma_start3A_107 = arith.constant 0 : i32
        %dma_start3A_108 = tpu.memref_slice %arg5[%add3A, %add3A_79, %dma_start3A_107] : memref<32x79x128xi32, #tpu.memory_space<hbm>> -> memref<1x1x128xi32, #tpu.memory_space<hbm>>
        %dma_start3A_109 = tpu.memref_squeeze %dma_start3A_108 : memref<1x1x128xi32, #tpu.memory_space<hbm>> -> memref<1x128xi32, #tpu.memory_space<hbm>>
        tpu.enqueue_dma source(%dma_start3A_109 : memref<1x128xi32, #tpu.memory_space<hbm>>) target(%dma_start3A_106 : memref<1x128xi32, #tpu.memory_space<vmem>>) target_semaphore(%run_scoped3A_97 : memref<!tpu.dma_semaphore, #tpu.memory_space<semaphore_mem>>)
        %dma_wait3A_110 = arith.constant 0 : i32
        %dma_wait3A_111 = arith.constant 0 : i32
        %dma_wait3A_112 = tpu.memref_slice %arg10[%dma_wait3A_110, %dma_wait3A_111] : memref<2x128xi32, #tpu.memory_space<vmem>> -> memref<1x128xi32, #tpu.memory_space<vmem>>
        %dma_wait3A_113 = arith.constant 0 : i32
        %dma_wait3A_114 = tpu.memref_slice %arg5[%add3A, %add3A_79, %dma_wait3A_113] : memref<32x79x128xi32, #tpu.memory_space<hbm>> -> memref<1x1x128xi32, #tpu.memory_space<hbm>>
        %dma_wait3A_115 = tpu.memref_squeeze %dma_wait3A_114 : memref<1x1x128xi32, #tpu.memory_space<hbm>> -> memref<1x128xi32, #tpu.memory_space<hbm>>
        %dma_wait3A_116 = arith.constant 0 : i32
        %dma_wait3A_117 = arith.constant 0 : i32
        %dma_wait3A_118 = tpu.memref_slice %arg10[%dma_wait3A_116, %dma_wait3A_117] : memref<2x128xi32, #tpu.memory_space<vmem>> -> memref<1x128xi32, #tpu.memory_space<vmem>>
        %dma_wait3A_119 = arith.constant 0 : i32
        %dma_wait3A_120 = tpu.memref_slice %arg5[%add3A, %add3A_79, %dma_wait3A_119] : memref<32x79x128xi32, #tpu.memory_space<hbm>> -> memref<1x1x128xi32, #tpu.memory_space<hbm>>
        %dma_wait3A_121 = tpu.memref_squeeze %dma_wait3A_120 : memref<1x1x128xi32, #tpu.memory_space<hbm>> -> memref<1x128xi32, #tpu.memory_space<hbm>>
        tpu.wait_dma2 semaphore(%run_scoped3A_97 : memref<!tpu.dma_semaphore, #tpu.memory_space<semaphore_mem>>) src(%dma_wait3A_121 : memref<1x128xi32, #tpu.memory_space<hbm>>) dst(%dma_wait3A_118 : memref<1x128xi32, #tpu.memory_space<vmem>>)
        tpu.yield
      }) : () -> ()
      %dma_start3A_80 = arith.constant 0 : i32
      %dma_start3A_81 = tpu.memref_slice %arg9[%add3A_79, %dma_start3A_80] : memref<79x128xi32, #tpu.memory_space<vmem>> -> memref<1x128xi32, #tpu.memory_space<vmem>>
      %dma_start3A_82 = tpu.memref_squeeze %dma_start3A_81 : memref<1x128xi32, #tpu.memory_space<vmem>> -> memref<128xi32, #tpu.memory_space<vmem>>
      %dma_start3A_83 = arith.constant 0 : i32
      %dma_start3A_84 = arith.constant 0 : i32
      %dma_start3A_85 = tpu.memref_slice %arg3[%dma_start3A_83, %dma_start3A_84] : memref<10112x128xf32, #tpu.memory_space<hbm>> -> memref<10112x128xf32, #tpu.memory_space<hbm>>
      tpu.enqueue_indirect_dma source(%dma_start3A_85 : memref<10112x128xf32, #tpu.memory_space<hbm>>) target(%arg11 : memref<128x128xf32, #tpu.memory_space<vmem>>) offsets(%dma_start3A_82 : memref<128xi32, #tpu.memory_space<vmem>>) semaphore(%arg14 : memref<!tpu.dma_semaphore, #tpu.memory_space<semaphore_mem>>)
      %mul3A_86 = arith.constant 2 : i32
      %mul3A_87 = arith.muli %mul3A_86, %scan3A_56 : i32
      %add3A_88 = arith.constant 1 : i32
      %add3A_89 = arith.addi %mul3A_87, %add3A_88 : i32
      %dma_wait3A_90 = arith.constant 0 : i32
      %dma_wait3A_91 = tpu.memref_slice %arg9[%add3A_89, %dma_wait3A_90] : memref<79x128xi32, #tpu.memory_space<vmem>> -> memref<1x128xi32, #tpu.memory_space<vmem>>
      %dma_wait3A_92 = tpu.memref_squeeze %dma_wait3A_91 : memref<1x128xi32, #tpu.memory_space<vmem>> -> memref<128xi32, #tpu.memory_space<vmem>>
      %dma_wait3A_93 = arith.constant 0 : i32
      %dma_wait3A_94 = arith.constant 0 : i32
      %dma_wait3A_95 = tpu.memref_slice %arg3[%dma_wait3A_93, %dma_wait3A_94] : memref<10112x128xf32, #tpu.memory_space<hbm>> -> memref<10112x128xf32, #tpu.memory_space<hbm>>
      tpu.wait_indirect_dma semaphore(%arg15 : memref<!tpu.dma_semaphore, #tpu.memory_space<semaphore_mem>>) src(%dma_wait3A_95 : memref<10112x128xf32, #tpu.memory_space<hbm>>) dst(%arg12 : memref<128x128xf32, #tpu.memory_space<vmem>>)
      %run_scoped3A_96 = arith.constant 1 : i32
      "tpu.region"() ({
        %run_scoped3A_97 = tpu.sem_alloc : memref<!tpu.dma_semaphore, #tpu.memory_space<semaphore_mem>>
        %dma_start3A_98 = arith.constant 0 : i32
        %dma_start3A_99 = tpu.memref_slice %arg10[%run_scoped3A_96, %dma_start3A_98] : memref<2x128xi32, #tpu.memory_space<vmem>> -> memref<1x128xi32, #tpu.memory_space<vmem>>
        %dma_start3A_100 = tpu.memref_squeeze %dma_start3A_99 : memref<1x128xi32, #tpu.memory_space<vmem>> -> memref<128xi32, #tpu.memory_space<vmem>>
        %dma_start3A_101 = arith.constant 0 : i32
        %dma_start3A_102 = arith.constant 0 : i32
        %dma_start3A_103 = tpu.memref_slice %arg13[%dma_start3A_101, %dma_start3A_102] : memref<10112x128xf32, #tpu.memory_space<vmem_shared>> -> memref<10112x128xf32, #tpu.memory_space<vmem_shared>>
        tpu.enqueue_indirect_dma source(%arg12 : memref<128x128xf32, #tpu.memory_space<vmem>>) target(%dma_start3A_103 : memref<10112x128xf32, #tpu.memory_space<vmem_shared>>) offsets(%dma_start3A_100 : memref<128xi32, #tpu.memory_space<vmem>>) semaphore(%run_scoped3A_97 : memref<!tpu.dma_semaphore, #tpu.memory_space<semaphore_mem>>) {add = true}
        %dma_wait3A_104 = arith.constant 0 : i32
        %dma_wait3A_105 = tpu.memref_slice %arg10[%run_scoped3A_96, %dma_wait3A_104] : memref<2x128xi32, #tpu.memory_space<vmem>> -> memref<1x128xi32, #tpu.memory_space<vmem>>
        %dma_wait3A_106 = tpu.memref_squeeze %dma_wait3A_105 : memref<1x128xi32, #tpu.memory_space<vmem>> -> memref<128xi32, #tpu.memory_space<vmem>>
        %dma_wait3A_107 = arith.constant 0 : i32
        %dma_wait3A_108 = arith.constant 0 : i32
        %dma_wait3A_109 = tpu.memref_slice %arg13[%dma_wait3A_107, %dma_wait3A_108] : memref<10112x128xf32, #tpu.memory_space<vmem_shared>> -> memref<10112x128xf32, #tpu.memory_space<vmem_shared>>
        tpu.wait_indirect_dma semaphore(%run_scoped3A_97 : memref<!tpu.dma_semaphore, #tpu.memory_space<semaphore_mem>>) src(%arg12 : memref<128x128xf32, #tpu.memory_space<vmem>>) dst(%dma_wait3A_109 : memref<10112x128xf32, #tpu.memory_space<vmem_shared>>)
        tpu.yield
      }) : () -> ()
    }
    %scan3A_41 = arith.constant 39 : i32
    %dma_wait3A_42 = arith.constant 78 : i32
    %dma_wait3A_43 = arith.constant 0 : i32
    %dma_wait3A_44 = tpu.memref_slice %arg9[%dma_wait3A_42, %dma_wait3A_43] : memref<79x128xi32, #tpu.memory_space<vmem>> -> memref<1x128xi32, #tpu.memory_space<vmem>>
    %dma_wait3A_45 = tpu.memref_squeeze %dma_wait3A_44 : memref<1x128xi32, #tpu.memory_space<vmem>> -> memref<128xi32, #tpu.memory_space<vmem>>
    %dma_wait3A_46 = arith.constant 0 : i32
    %dma_wait3A_47 = arith.constant 0 : i32
    %dma_wait3A_48 = tpu.memref_slice %arg3[%dma_wait3A_46, %dma_wait3A_47] : memref<10112x128xf32, #tpu.memory_space<hbm>> -> memref<10112x128xf32, #tpu.memory_space<hbm>>
    tpu.wait_indirect_dma semaphore(%arg14 : memref<!tpu.dma_semaphore, #tpu.memory_space<semaphore_mem>>) src(%dma_wait3A_48 : memref<10112x128xf32, #tpu.memory_space<hbm>>) dst(%arg11 : memref<128x128xf32, #tpu.memory_space<vmem>>)
    %run_scoped3A_49 = arith.constant 0 : i32
    "tpu.region"() ({
      %run_scoped3A_56 = tpu.sem_alloc : memref<!tpu.dma_semaphore, #tpu.memory_space<semaphore_mem>>
      %dma_start3A_57 = arith.constant 0 : i32
      %dma_start3A_58 = tpu.memref_slice %arg10[%run_scoped3A_49, %dma_start3A_57] : memref<2x128xi32, #tpu.memory_space<vmem>> -> memref<1x128xi32, #tpu.memory_space<vmem>>
      %dma_start3A_59 = tpu.memref_squeeze %dma_start3A_58 : memref<1x128xi32, #tpu.memory_space<vmem>> -> memref<128xi32, #tpu.memory_space<vmem>>
      %dma_start3A_60 = arith.constant 0 : i32
      %dma_start3A_61 = arith.constant 0 : i32
      %dma_start3A_62 = tpu.memref_slice %arg13[%dma_start3A_60, %dma_start3A_61] : memref<10112x128xf32, #tpu.memory_space<vmem_shared>> -> memref<10112x128xf32, #tpu.memory_space<vmem_shared>>
      tpu.enqueue_indirect_dma source(%arg11 : memref<128x128xf32, #tpu.memory_space<vmem>>) target(%dma_start3A_62 : memref<10112x128xf32, #tpu.memory_space<vmem_shared>>) offsets(%dma_start3A_59 : memref<128xi32, #tpu.memory_space<vmem>>) semaphore(%run_scoped3A_56 : memref<!tpu.dma_semaphore, #tpu.memory_space<semaphore_mem>>) {add = true}
      %dma_wait3A_63 = arith.constant 0 : i32
      %dma_wait3A_64 = tpu.memref_slice %arg10[%run_scoped3A_49, %dma_wait3A_63] : memref<2x128xi32, #tpu.memory_space<vmem>> -> memref<1x128xi32, #tpu.memory_space<vmem>>
      %dma_wait3A_65 = tpu.memref_squeeze %dma_wait3A_64 : memref<1x128xi32, #tpu.memory_space<vmem>> -> memref<128xi32, #tpu.memory_space<vmem>>
      %dma_wait3A_66 = arith.constant 0 : i32
      %dma_wait3A_67 = arith.constant 0 : i32
      %dma_wait3A_68 = tpu.memref_slice %arg13[%dma_wait3A_66, %dma_wait3A_67] : memref<10112x128xf32, #tpu.memory_space<vmem_shared>> -> memref<10112x128xf32, #tpu.memory_space<vmem_shared>>
      tpu.wait_indirect_dma semaphore(%run_scoped3A_56 : memref<!tpu.dma_semaphore, #tpu.memory_space<semaphore_mem>>) src(%arg11 : memref<128x128xf32, #tpu.memory_space<vmem>>) dst(%dma_wait3A_68 : memref<10112x128xf32, #tpu.memory_space<vmem_shared>>)
      tpu.yield
    }) : () -> ()
    %barrier3A_50 = arith.constant 0 : index
    tpu.barrier barrier_id(%barrier3A_50)
    %mul3A_51 = arith.constant 632 : i32
    %mul3A_52 = arith.muli %arg1, %mul3A_51 : i32
    %mul3A_53 = arith.constant 632 : i32
    %mul3A_54 = arith.muli %arg1, %mul3A_53 : i32
    "tpu.region"() ({
      %run_scoped3A_56 = tpu.sem_alloc : memref<!tpu.dma_semaphore, #tpu.memory_space<semaphore_mem>>
      %dma_start3A_57 = arith.constant 0 : i32
      %dma_start3A_58 = tpu.memref_slice %arg8[%arg0, %mul3A_54, %dma_start3A_57] : memref<2x10112x128xf32, #tpu.memory_space<hbm>> -> memref<1x632x128xf32, #tpu.memory_space<hbm>>
      %dma_start3A_59 = tpu.memref_squeeze %dma_start3A_58 : memref<1x632x128xf32, #tpu.memory_space<hbm>> -> memref<632x128xf32, #tpu.memory_space<hbm>>
      %dma_start3A_60 = arith.constant 0 : i32
      %dma_start3A_61 = tpu.memref_slice %arg13[%mul3A_52, %dma_start3A_60] : memref<10112x128xf32, #tpu.memory_space<vmem_shared>> -> memref<632x128xf32, #tpu.memory_space<vmem_shared>>
      tpu.enqueue_dma source(%dma_start3A_61 : memref<632x128xf32, #tpu.memory_space<vmem_shared>>) target(%dma_start3A_59 : memref<632x128xf32, #tpu.memory_space<hbm>>) target_semaphore(%run_scoped3A_56 : memref<!tpu.dma_semaphore, #tpu.memory_space<semaphore_mem>>)
      %dma_wait3A_62 = arith.constant 0 : i32
      %dma_wait3A_63 = tpu.memref_slice %arg8[%arg0, %mul3A_54, %dma_wait3A_62] : memref<2x10112x128xf32, #tpu.memory_space<hbm>> -> memref<1x632x128xf32, #tpu.memory_space<hbm>>
      %dma_wait3A_64 = tpu.memref_squeeze %dma_wait3A_63 : memref<1x632x128xf32, #tpu.memory_space<hbm>> -> memref<632x128xf32, #tpu.memory_space<hbm>>
      %dma_wait3A_65 = arith.constant 0 : i32
      %dma_wait3A_66 = tpu.memref_slice %arg13[%mul3A_52, %dma_wait3A_65] : memref<10112x128xf32, #tpu.memory_space<vmem_shared>> -> memref<632x128xf32, #tpu.memory_space<vmem_shared>>
      tpu.wait_dma2 semaphore(%run_scoped3A_56 : memref<!tpu.dma_semaphore, #tpu.memory_space<semaphore_mem>>) src(%dma_wait3A_66 : memref<632x128xf32, #tpu.memory_space<vmem_shared>>) dst(%dma_wait3A_64 : memref<632x128xf32, #tpu.memory_space<hbm>>)
      tpu.yield
    }) : () -> ()
    %barrier3A_55 = arith.constant 0 : index
    tpu.barrier barrier_id(%barrier3A_55)
    return
  }
}

module attributes {stable_mosaic.version = 14 : i64} {
  func.func @body(%arg0: i32, %arg1: memref<2x2000x128xf32, #tpu.memory_space<vmem>>, %arg2: memref<2000x128xf32, #tpu.memory_space<vmem>>, %arg3: memref<2000x128xf32, #tpu.memory_space<vmem>>, %arg4: memref<2000x128xf32, #tpu.memory_space<vmem>>, %arg5: memref<2000x128xf32, #tpu.memory_space<vmem>>) attributes {dimension_semantics = [#tpu.dimension_semantics<arbitrary>], iteration_bounds = array<i64: 5>, scalar_prefetch = 0 : i64, scratch_operands = 0 : i64, tpu.core_type = #tpu.core_type<tc>, window_params = [{transform_indices = @transform_0, window_bounds = array<i64: 2, 2000, 128>}, {transform_indices = @transform_1, window_bounds = array<i64: 2000, 128>}, {transform_indices = @transform_2, window_bounds = array<i64: 2000, 128>}, {transform_indices = @transform_3, window_bounds = array<i64: 2000, 128>}, {transform_indices = @transform_4, window_bounds = array<i64: 2000, 128>}]} {
    %get3A = arith.constant 0 : index
    %get3A_0 = arith.constant 0 : index
    %get3A_1 = arith.constant 0 : index
    %get3A_2 = vector.load %arg1[%get3A, %get3A_0, %get3A_1] : memref<2x2000x128xf32, #tpu.memory_space<vmem>>, vector<2x2000x128xf32>
    %slice3A = vector.extract_strided_slice %get3A_2 {offsets = [0, 0, 0], sizes = [1, 2000, 1], strides = [1, 1, 1]} : vector<2x2000x128xf32> to vector<1x2000x1xf32>
    %squeeze3A = vector.shape_cast %slice3A : vector<1x2000x1xf32> to vector<2000x1xf32>
    %slice3A_3 = vector.extract_strided_slice %get3A_2 {offsets = [1, 0, 0], sizes = [1, 2000, 1], strides = [1, 1, 1]} : vector<2x2000x128xf32> to vector<1x2000x1xf32>
    %squeeze3A_4 = vector.shape_cast %slice3A_3 : vector<1x2000x1xf32> to vector<2000x1xf32>
    %add3A = arith.addf %squeeze3A, %squeeze3A_4 : vector<2000x1xf32>
    %gt3A = arith.constant 0.000000e+00 : f32
    %gt3A_5 = vector.broadcast %gt3A : f32 to vector<2000x1xf32>
    %gt3A_6 = arith.cmpf ogt, %add3A, %gt3A_5 : vector<2000x1xf32>
    %max3A = arith.constant 1.000000e+00 : f32
    %max3A_7 = vector.broadcast %max3A : f32 to vector<2000x1xf32>
    %max3A_8 = arith.maximumf %add3A, %max3A_7 : vector<2000x1xf32>
    %rsqrt3A = math.rsqrt %max3A_8 : vector<2000x1xf32>
    %jit3A = arith.constant 0.000000e+00 : f32
    %broadcast_in_dim3A = vector.broadcast %jit3A : f32 to vector<2000x1xf32>
    %select_n3A = arith.select %gt3A_6, %rsqrt3A, %broadcast_in_dim3A : vector<2000x1xi1>, vector<2000x1xf32>
    %get3A_9 = arith.constant 0 : index
    %get3A_10 = arith.constant 0 : index
    %get3A_11 = vector.load %arg2[%get3A_9, %get3A_10] : memref<2000x128xf32, #tpu.memory_space<vmem>>, vector<2000x128xf32>
    %mul3A = vector.broadcast %select_n3A : vector<2000x1xf32> to vector<2000x128xf32>
    %mul3A_12 = arith.mulf %get3A_11, %mul3A : vector<2000x128xf32>
    %swap3A = arith.constant 0 : index
    %swap3A_13 = arith.constant 0 : index
    %swap3A_14 = vector.load %arg4[%swap3A, %swap3A_13] : memref<2000x128xf32, #tpu.memory_space<vmem>>, vector<2000x128xf32>
    tpu.vector_store %arg4[%swap3A, %swap3A_13], %mul3A_12 {strides = array<i32>} : memref<2000x128xf32, #tpu.memory_space<vmem>>, vector<2000x128xf32>,
    %get3A_15 = arith.constant 0 : index
    %get3A_16 = arith.constant 0 : index
    %get3A_17 = vector.load %arg3[%get3A_15, %get3A_16] : memref<2000x128xf32, #tpu.memory_space<vmem>>, vector<2000x128xf32>
    %mul3A_18 = vector.broadcast %select_n3A : vector<2000x1xf32> to vector<2000x128xf32>
    %mul3A_19 = arith.mulf %get3A_17, %mul3A_18 : vector<2000x128xf32>
    %swap3A_20 = arith.constant 0 : index
    %swap3A_21 = arith.constant 0 : index
    %swap3A_22 = vector.load %arg5[%swap3A_20, %swap3A_21] : memref<2000x128xf32, #tpu.memory_space<vmem>>, vector<2000x128xf32>
    tpu.vector_store %arg5[%swap3A_20, %swap3A_21], %mul3A_19 {strides = array<i32>} : memref<2000x128xf32, #tpu.memory_space<vmem>>, vector<2000x128xf32>,
    return
  }
  func.func @transform_0(%arg0: i32) -> (i32, i32, i32) {
    %c0_i32 = arith.constant 0 : i32
    %c0_i32_0 = arith.constant 0 : i32
    %c0_i32_1 = arith.constant 0 : i32
    return %c0_i32, %arg0, %c0_i32_0 : i32, i32, i32
  }
  func.func @transform_1(%arg0: i32) -> (i32, i32) {
    %c0_i32 = arith.constant 0 : i32
    %c0_i32_0 = arith.constant 0 : i32
    return %arg0, %c0_i32 : i32, i32
  }
  func.func @transform_2(%arg0: i32) -> (i32, i32) {
    %c0_i32 = arith.constant 0 : i32
    %c0_i32_0 = arith.constant 0 : i32
    return %arg0, %c0_i32 : i32, i32
  }
  func.func @transform_3(%arg0: i32) -> (i32, i32) {
    %c0_i32 = arith.constant 0 : i32
    %c0_i32_0 = arith.constant 0 : i32
    return %arg0, %c0_i32 : i32, i32
  }
  func.func @transform_4(%arg0: i32) -> (i32, i32) {
    %c0_i32 = arith.constant 0 : i32
    %c0_i32_0 = arith.constant 0 : i32
    return %arg0, %c0_i32 : i32, i32
  }
}

module attributes {stable_mosaic.version = 14 : i64} {
  func.func @body(%arg0: i32, %arg1: memref<2x2000x128xf32, #tpu.memory_space<vmem>>, %arg2: memref<2x2000x128xf32, #tpu.memory_space<vmem>>, %arg3: memref<2x2000x128xf32, #tpu.memory_space<vmem>>, %arg4: memref<2000x128xf32, #tpu.memory_space<vmem>>, %arg5: memref<2000x128xf32, #tpu.memory_space<vmem>>, %arg6: memref<2000x128xf32, #tpu.memory_space<vmem>>, %arg7: memref<2000x128xf32, #tpu.memory_space<vmem>>) attributes {dimension_semantics = [#tpu.dimension_semantics<arbitrary>], iteration_bounds = array<i64: 5>, scalar_prefetch = 0 : i64, scratch_operands = 0 : i64, tpu.core_type = #tpu.core_type<tc>, window_params = [{transform_indices = @transform_0, window_bounds = array<i64: 2, 2000, 128>}, {transform_indices = @transform_1, window_bounds = array<i64: 2, 2000, 128>}, {transform_indices = @transform_2, window_bounds = array<i64: 2, 2000, 128>}, {transform_indices = @transform_3, window_bounds = array<i64: 2000, 128>}, {transform_indices = @transform_4, window_bounds = array<i64: 2000, 128>}, {transform_indices = @transform_5, window_bounds = array<i64: 2000, 128>}, {transform_indices = @transform_6, window_bounds = array<i64: 2000, 128>}]} {
    %get3A = arith.constant 0 : index
    %get3A_0 = arith.constant 0 : index
    %get3A_1 = arith.constant 0 : index
    %get3A_2 = vector.load %arg1[%get3A, %get3A_0, %get3A_1] : memref<2x2000x128xf32, #tpu.memory_space<vmem>>, vector<2x2000x128xf32>
    %slice3A = vector.extract_strided_slice %get3A_2 {offsets = [0, 0, 0], sizes = [1, 2000, 1], strides = [1, 1, 1]} : vector<2x2000x128xf32> to vector<1x2000x1xf32>
    %squeeze3A = vector.shape_cast %slice3A : vector<1x2000x1xf32> to vector<2000x1xf32>
    %slice3A_3 = vector.extract_strided_slice %get3A_2 {offsets = [1, 0, 0], sizes = [1, 2000, 1], strides = [1, 1, 1]} : vector<2x2000x128xf32> to vector<1x2000x1xf32>
    %squeeze3A_4 = vector.shape_cast %slice3A_3 : vector<1x2000x1xf32> to vector<2000x1xf32>
    %add3A = arith.addf %squeeze3A, %squeeze3A_4 : vector<2000x1xf32>
    %gt3A = arith.constant 0.000000e+00 : f32
    %gt3A_5 = vector.broadcast %gt3A : f32 to vector<2000x1xf32>
    %gt3A_6 = arith.cmpf ogt, %add3A, %gt3A_5 : vector<2000x1xf32>
    %max3A = arith.constant 1.000000e+00 : f32
    %max3A_7 = vector.broadcast %max3A : f32 to vector<2000x1xf32>
    %max3A_8 = arith.maximumf %add3A, %max3A_7 : vector<2000x1xf32>
    %rsqrt3A = math.rsqrt %max3A_8 : vector<2000x1xf32>
    %jit3A = arith.constant 0.000000e+00 : f32
    %broadcast_in_dim3A = vector.broadcast %jit3A : f32 to vector<2000x1xf32>
    %select_n3A = arith.select %gt3A_6, %rsqrt3A, %broadcast_in_dim3A : vector<2000x1xi1>, vector<2000x1xf32>
    %get3A_9 = arith.constant 0 : index
    %get3A_10 = arith.constant 0 : index
    %get3A_11 = arith.constant 0 : index
    %get3A_12 = vector.load %arg2[%get3A_9, %get3A_10, %get3A_11] : memref<2x2000x128xf32, #tpu.memory_space<vmem>>, vector<2x2000x128xf32>
    %get3A_13 = arith.constant 0 : index
    %get3A_14 = arith.constant 0 : index
    %get3A_15 = arith.constant 0 : index
    %get3A_16 = vector.load %arg3[%get3A_13, %get3A_14, %get3A_15] : memref<2x2000x128xf32, #tpu.memory_space<vmem>>, vector<2x2000x128xf32>
    %slice3A_17 = vector.extract_strided_slice %get3A_12 {offsets = [0, 0, 0], sizes = [1, 2000, 128], strides = [1, 1, 1]} : vector<2x2000x128xf32> to vector<1x2000x128xf32>
    %squeeze3A_18 = vector.shape_cast %slice3A_17 : vector<1x2000x128xf32> to vector<2000x128xf32>
    %slice3A_19 = vector.extract_strided_slice %get3A_12 {offsets = [1, 0, 0], sizes = [1, 2000, 128], strides = [1, 1, 1]} : vector<2x2000x128xf32> to vector<1x2000x128xf32>
    %squeeze3A_20 = vector.shape_cast %slice3A_19 : vector<1x2000x128xf32> to vector<2000x128xf32>
    %add3A_21 = arith.addf %squeeze3A_18, %squeeze3A_20 : vector<2000x128xf32>
    %mul3A = vector.broadcast %select_n3A : vector<2000x1xf32> to vector<2000x128xf32>
    %mul3A_22 = arith.mulf %mul3A, %add3A_21 : vector<2000x128xf32>
    %neg3A = arith.constant 0.000000e+00 : f32
    %neg3A_23 = vector.broadcast %neg3A : f32 to vector<2000x128xf32>
    %neg3A_24 = arith.subf %neg3A_23, %mul3A_22 : vector<2000x128xf32>
    %slice3A_25 = vector.extract_strided_slice %get3A_16 {offsets = [0, 0, 0], sizes = [1, 2000, 128], strides = [1, 1, 1]} : vector<2x2000x128xf32> to vector<1x2000x128xf32>
    %squeeze3A_26 = vector.shape_cast %slice3A_25 : vector<1x2000x128xf32> to vector<2000x128xf32>
    %slice3A_27 = vector.extract_strided_slice %get3A_16 {offsets = [1, 0, 0], sizes = [1, 2000, 128], strides = [1, 1, 1]} : vector<2x2000x128xf32> to vector<1x2000x128xf32>
    %squeeze3A_28 = vector.shape_cast %slice3A_27 : vector<1x2000x128xf32> to vector<2000x128xf32>
    %add3A_29 = arith.addf %squeeze3A_26, %squeeze3A_28 : vector<2000x128xf32>
    %mul3A_30 = vector.broadcast %select_n3A : vector<2000x1xf32> to vector<2000x128xf32>
    %mul3A_31 = arith.mulf %mul3A_30, %add3A_29 : vector<2000x128xf32>
    %neg3A_32 = arith.constant 0.000000e+00 : f32
    %neg3A_33 = vector.broadcast %neg3A_32 : f32 to vector<2000x128xf32>
    %neg3A_34 = arith.subf %neg3A_33, %mul3A_31 : vector<2000x128xf32>
    %swap3A = arith.constant 0 : index
    %swap3A_35 = arith.constant 0 : index
    %swap3A_36 = vector.load %arg4[%swap3A, %swap3A_35] : memref<2000x128xf32, #tpu.memory_space<vmem>>, vector<2000x128xf32>
    tpu.vector_store %arg4[%swap3A, %swap3A_35], %neg3A_24 {strides = array<i32>} : memref<2000x128xf32, #tpu.memory_space<vmem>>, vector<2000x128xf32>,
    %swap3A_37 = arith.constant 0 : index
    %swap3A_38 = arith.constant 0 : index
    %swap3A_39 = vector.load %arg5[%swap3A_37, %swap3A_38] : memref<2000x128xf32, #tpu.memory_space<vmem>>, vector<2000x128xf32>
    tpu.vector_store %arg5[%swap3A_37, %swap3A_38], %neg3A_34 {strides = array<i32>} : memref<2000x128xf32, #tpu.memory_space<vmem>>, vector<2000x128xf32>,
    %mul3A_40 = vector.broadcast %select_n3A : vector<2000x1xf32> to vector<2000x128xf32>
    %mul3A_41 = arith.mulf %mul3A_40, %neg3A_24 : vector<2000x128xf32>
    %swap3A_42 = arith.constant 0 : index
    %swap3A_43 = arith.constant 0 : index
    %swap3A_44 = vector.load %arg6[%swap3A_42, %swap3A_43] : memref<2000x128xf32, #tpu.memory_space<vmem>>, vector<2000x128xf32>
    tpu.vector_store %arg6[%swap3A_42, %swap3A_43], %mul3A_41 {strides = array<i32>} : memref<2000x128xf32, #tpu.memory_space<vmem>>, vector<2000x128xf32>,
    %mul3A_45 = vector.broadcast %select_n3A : vector<2000x1xf32> to vector<2000x128xf32>
    %mul3A_46 = arith.mulf %mul3A_45, %neg3A_34 : vector<2000x128xf32>
    %swap3A_47 = arith.constant 0 : index
    %swap3A_48 = arith.constant 0 : index
    %swap3A_49 = vector.load %arg7[%swap3A_47, %swap3A_48] : memref<2000x128xf32, #tpu.memory_space<vmem>>, vector<2000x128xf32>
    tpu.vector_store %arg7[%swap3A_47, %swap3A_48], %mul3A_46 {strides = array<i32>} : memref<2000x128xf32, #tpu.memory_space<vmem>>, vector<2000x128xf32>,
    return
  }
  func.func @transform_0(%arg0: i32) -> (i32, i32, i32) {
    %c0_i32 = arith.constant 0 : i32
    %c0_i32_0 = arith.constant 0 : i32
    %c0_i32_1 = arith.constant 0 : i32
    return %c0_i32, %arg0, %c0_i32_0 : i32, i32, i32
  }
  func.func @transform_1(%arg0: i32) -> (i32, i32, i32) {
    %c0_i32 = arith.constant 0 : i32
    %c0_i32_0 = arith.constant 0 : i32
    %c0_i32_1 = arith.constant 0 : i32
    return %c0_i32, %arg0, %c0_i32_0 : i32, i32, i32
  }
  func.func @transform_2(%arg0: i32) -> (i32, i32, i32) {
    %c0_i32 = arith.constant 0 : i32
    %c0_i32_0 = arith.constant 0 : i32
    %c0_i32_1 = arith.constant 0 : i32
    return %c0_i32, %arg0, %c0_i32_0 : i32, i32, i32
  }
  func.func @transform_3(%arg0: i32) -> (i32, i32) {
    %c0_i32 = arith.constant 0 : i32
    %c0_i32_0 = arith.constant 0 : i32
    return %arg0, %c0_i32 : i32, i32
  }
  func.func @transform_4(%arg0: i32) -> (i32, i32) {
    %c0_i32 = arith.constant 0 : i32
    %c0_i32_0 = arith.constant 0 : i32
    return %arg0, %c0_i32 : i32, i32
  }
  func.func @transform_5(%arg0: i32) -> (i32, i32) {
    %c0_i32 = arith.constant 0 : i32
    %c0_i32_0 = arith.constant 0 : i32
    return %arg0, %c0_i32 : i32, i32
  }
  func.func @transform_6(%arg0: i32) -> (i32, i32) {
    %c0_i32 = arith.constant 0 : i32
    %c0_i32_0 = arith.constant 0 : i32
    return %arg0, %c0_i32 : i32, i32
  }
}

module attributes {stable_mosaic.version = 14 : i64} {
  func.func @body(%arg0: i32, %arg1: memref<2x2000x128xf32, #tpu.memory_space<vmem>>, %arg2: memref<2000x128xf32, #tpu.memory_space<vmem>>, %arg3: memref<2000x128xf32, #tpu.memory_space<vmem>>, %arg4: memref<2000x128xf32, #tpu.memory_space<vmem>>, %arg5: memref<2000x128xf32, #tpu.memory_space<vmem>>, %arg6: memref<2x2000x128xf32, #tpu.memory_space<vmem>>, %arg7: memref<2x2000x128xf32, #tpu.memory_space<vmem>>, %arg8: memref<3x128x128xf32, #tpu.memory_space<vmem>>, %arg9: memref<3x128x128xf32, #tpu.memory_space<vmem>>, %arg10: memref<256x128xf32, #tpu.memory_space<vmem>>, %arg11: memref<256x128xf32, #tpu.memory_space<vmem>>, %arg12: memref<256x128xf32, #tpu.memory_space<vmem>>, %arg13: memref<1x128xf32, #tpu.memory_space<vmem>>, %arg14: memref<1x128xf32, #tpu.memory_space<vmem>>, %arg15: memref<1x128xf32, #tpu.memory_space<vmem>>, %arg16: memref<1x128xf32, #tpu.memory_space<vmem>>, %arg17: memref<1x128xf32, #tpu.memory_space<vmem>>, %arg18: memref<2000x128xf32, #tpu.memory_space<vmem>>) attributes {dimension_semantics = [#tpu.dimension_semantics<arbitrary>], iteration_bounds = array<i64: 5>, scalar_prefetch = 0 : i64, scratch_operands = 0 : i64, tpu.core_type = #tpu.core_type<tc>, window_params = [{transform_indices = @transform_0, window_bounds = array<i64: 2, 2000, 128>}, {transform_indices = @transform_1, window_bounds = array<i64: 2000, 128>}, {transform_indices = @transform_2, window_bounds = array<i64: 2000, 128>}, {transform_indices = @transform_3, window_bounds = array<i64: 2000, 128>}, {transform_indices = @transform_4, window_bounds = array<i64: 2000, 128>}, {transform_indices = @transform_5, window_bounds = array<i64: 2, 2000, 128>}, {transform_indices = @transform_6, window_bounds = array<i64: 2, 2000, 128>}, {pipeline_mode = #tpu.pipeline_mode<synchronous>, transform_indices = @transform_7, window_bounds = array<i64: 3, 128, 128>}, {pipeline_mode = #tpu.pipeline_mode<synchronous>, transform_indices = @transform_8, window_bounds = array<i64: 3, 128, 128>}, {pipeline_mode = #tpu.pipeline_mode<synchronous>, transform_indices = @transform_9, window_bounds = array<i64: 256, 128>}, {pipeline_mode = #tpu.pipeline_mode<synchronous>, transform_indices = @transform_10, window_bounds = array<i64: 256, 128>}, {pipeline_mode = #tpu.pipeline_mode<synchronous>, transform_indices = @transform_11, window_bounds = array<i64: 256, 128>}, {pipeline_mode = #tpu.pipeline_mode<synchronous>, transform_indices = @transform_12, window_bounds = array<i64: 1, 128>}, {pipeline_mode = #tpu.pipeline_mode<synchronous>, transform_indices = @transform_13, window_bounds = array<i64: 1, 128>}, {pipeline_mode = #tpu.pipeline_mode<synchronous>, transform_indices = @transform_14, window_bounds = array<i64: 1, 128>}, {pipeline_mode = #tpu.pipeline_mode<synchronous>, transform_indices = @transform_15, window_bounds = array<i64: 1, 128>}, {pipeline_mode = #tpu.pipeline_mode<synchronous>, transform_indices = @transform_16, window_bounds = array<i64: 1, 128>}, {transform_indices = @transform_17, window_bounds = array<i64: 2000, 128>}]} {
    %get3A = arith.constant 0 : index
    %get3A_0 = arith.constant 0 : index
    %get3A_1 = arith.constant 0 : index
    %get3A_2 = vector.load %arg1[%get3A, %get3A_0, %get3A_1] : memref<2x2000x128xf32, #tpu.memory_space<vmem>>, vector<2x2000x128xf32>
    %slice3A = vector.extract_strided_slice %get3A_2 {offsets = [0, 0, 0], sizes = [1, 2000, 1], strides = [1, 1, 1]} : vector<2x2000x128xf32> to vector<1x2000x1xf32>
    %squeeze3A = vector.shape_cast %slice3A : vector<1x2000x1xf32> to vector<2000x1xf32>
    %slice3A_3 = vector.extract_strided_slice %get3A_2 {offsets = [1, 0, 0], sizes = [1, 2000, 1], strides = [1, 1, 1]} : vector<2x2000x128xf32> to vector<1x2000x1xf32>
    %squeeze3A_4 = vector.shape_cast %slice3A_3 : vector<1x2000x1xf32> to vector<2000x1xf32>
    %add3A = arith.addf %squeeze3A, %squeeze3A_4 : vector<2000x1xf32>
    %gt3A = arith.constant 0.000000e+00 : f32
    %gt3A_5 = vector.broadcast %gt3A : f32 to vector<2000x1xf32>
    %gt3A_6 = arith.cmpf ogt, %add3A, %gt3A_5 : vector<2000x1xf32>
    %max3A = arith.constant 1.000000e+00 : f32
    %max3A_7 = vector.broadcast %max3A : f32 to vector<2000x1xf32>
    %max3A_8 = arith.maximumf %add3A, %max3A_7 : vector<2000x1xf32>
    %rsqrt3A = math.rsqrt %max3A_8 : vector<2000x1xf32>
    %jit3A = arith.constant 0.000000e+00 : f32
    %broadcast_in_dim3A = vector.broadcast %jit3A : f32 to vector<2000x1xf32>
    %select_n3A = arith.select %gt3A_6, %rsqrt3A, %broadcast_in_dim3A : vector<2000x1xi1>, vector<2000x1xf32>
    %get3A_9 = arith.constant 0 : index
    %get3A_10 = arith.constant 0 : index
    %get3A_11 = vector.load %arg2[%get3A_9, %get3A_10] : memref<2000x128xf32, #tpu.memory_space<vmem>>, vector<2000x128xf32>
    %get3A_12 = arith.constant 0 : index
    %get3A_13 = arith.constant 0 : index
    %get3A_14 = vector.load %arg3[%get3A_12, %get3A_13] : memref<2000x128xf32, #tpu.memory_space<vmem>>, vector<2000x128xf32>
    %get3A_15 = arith.constant 0 : index
    %get3A_16 = arith.constant 0 : index
    %get3A_17 = arith.constant 0 : index
    %get3A_18 = vector.load %arg6[%get3A_15, %get3A_16, %get3A_17] : memref<2x2000x128xf32, #tpu.memory_space<vmem>>, vector<2x2000x128xf32>
    %get3A_19 = arith.constant 0 : index
    %get3A_20 = arith.constant 0 : index
    %get3A_21 = arith.constant 0 : index
    %get3A_22 = vector.load %arg7[%get3A_19, %get3A_20, %get3A_21] : memref<2x2000x128xf32, #tpu.memory_space<vmem>>, vector<2x2000x128xf32>
    %slice3A_23 = vector.extract_strided_slice %get3A_18 {offsets = [0, 0, 0], sizes = [1, 2000, 128], strides = [1, 1, 1]} : vector<2x2000x128xf32> to vector<1x2000x128xf32>
    %squeeze3A_24 = vector.shape_cast %slice3A_23 : vector<1x2000x128xf32> to vector<2000x128xf32>
    %slice3A_25 = vector.extract_strided_slice %get3A_18 {offsets = [1, 0, 0], sizes = [1, 2000, 128], strides = [1, 1, 1]} : vector<2x2000x128xf32> to vector<1x2000x128xf32>
    %squeeze3A_26 = vector.shape_cast %slice3A_25 : vector<1x2000x128xf32> to vector<2000x128xf32>
    %add3A_27 = arith.addf %squeeze3A_24, %squeeze3A_26 : vector<2000x128xf32>
    %mul3A = vector.broadcast %select_n3A : vector<2000x1xf32> to vector<2000x128xf32>
    %mul3A_28 = arith.mulf %mul3A, %add3A_27 : vector<2000x128xf32>
    %mul3A_29 = arith.constant -2.000000e+00 : f32
    %mul3A_30 = vector.broadcast %mul3A_29 : f32 to vector<2000x128xf32>
    %mul3A_31 = arith.mulf %mul3A_30, %mul3A_28 : vector<2000x128xf32>
    %sub3A = arith.subf %mul3A_31, %get3A_11 : vector<2000x128xf32>
    %slice3A_32 = vector.extract_strided_slice %get3A_22 {offsets = [0, 0, 0], sizes = [1, 2000, 128], strides = [1, 1, 1]} : vector<2x2000x128xf32> to vector<1x2000x128xf32>
    %squeeze3A_33 = vector.shape_cast %slice3A_32 : vector<1x2000x128xf32> to vector<2000x128xf32>
    %slice3A_34 = vector.extract_strided_slice %get3A_22 {offsets = [1, 0, 0], sizes = [1, 2000, 128], strides = [1, 1, 1]} : vector<2x2000x128xf32> to vector<1x2000x128xf32>
    %squeeze3A_35 = vector.shape_cast %slice3A_34 : vector<1x2000x128xf32> to vector<2000x128xf32>
    %add3A_36 = arith.addf %squeeze3A_33, %squeeze3A_35 : vector<2000x128xf32>
    %mul3A_37 = vector.broadcast %select_n3A : vector<2000x1xf32> to vector<2000x128xf32>
    %mul3A_38 = arith.mulf %mul3A_37, %add3A_36 : vector<2000x128xf32>
    %mul3A_39 = arith.constant -2.000000e+00 : f32
    %mul3A_40 = vector.broadcast %mul3A_39 : f32 to vector<2000x128xf32>
    %mul3A_41 = arith.mulf %mul3A_40, %mul3A_38 : vector<2000x128xf32>
    %sub3A_42 = arith.subf %mul3A_41, %get3A_14 : vector<2000x128xf32>
    %get3A_43 = arith.constant 0 : index
    %get3A_44 = arith.constant 0 : index
    %get3A_45 = arith.constant 0 : index
    %get3A_46 = vector.load %arg8[%get3A_43, %get3A_44, %get3A_45] : memref<3x128x128xf32, #tpu.memory_space<vmem>>, vector<3x128x128xf32>
    %get3A_47 = arith.constant 0 : index
    %get3A_48 = arith.constant 0 : index
    %get3A_49 = arith.constant 0 : index
    %get3A_50 = vector.load %arg9[%get3A_47, %get3A_48, %get3A_49] : memref<3x128x128xf32, #tpu.memory_space<vmem>>, vector<3x128x128xf32>
    %slice3A_51 = vector.extract_strided_slice %get3A_46 {offsets = [0, 0, 0], sizes = [1, 128, 128], strides = [1, 1, 1]} : vector<3x128x128xf32> to vector<1x128x128xf32>
    %squeeze3A_52 = vector.shape_cast %slice3A_51 : vector<1x128x128xf32> to vector<128x128xf32>
    %dot_general3A = arith.constant dense<0.000000e+00> : vector<2000x128xf32>
    %dot_general3A_53 = tpu.matmul %get3A_11, %squeeze3A_52, %dot_general3A {dimension_numbers = #tpu.dot_dimension_numbers<[1], [0], [0], [1], [0, 0, 1, 1], [], []>, precision = #tpu.contract_precision<fp32>, transpose_lhs_hint = false} : vector<2000x128xf32>, vector<128x128xf32>, vector<2000x128xf32> -> vector<2000x128xf32>
    %get3A_54 = arith.constant 0 : index
    %get3A_55 = arith.constant 0 : index
    %get3A_56 = vector.load %arg4[%get3A_54, %get3A_55] : memref<2000x128xf32, #tpu.memory_space<vmem>>, vector<2000x128xf32>
    %slice3A_57 = vector.extract_strided_slice %get3A_46 {offsets = [1, 0, 0], sizes = [1, 128, 128], strides = [1, 1, 1]} : vector<3x128x128xf32> to vector<1x128x128xf32>
    %squeeze3A_58 = vector.shape_cast %slice3A_57 : vector<1x128x128xf32> to vector<128x128xf32>
    %dot_general3A_59 = arith.constant dense<0.000000e+00> : vector<2000x128xf32>
    %dot_general3A_60 = tpu.matmul %get3A_56, %squeeze3A_58, %dot_general3A_59 {dimension_numbers = #tpu.dot_dimension_numbers<[1], [0], [0], [1], [0, 0, 1, 1], [], []>, precision = #tpu.contract_precision<fp32>, transpose_lhs_hint = false} : vector<2000x128xf32>, vector<128x128xf32>, vector<2000x128xf32> -> vector<2000x128xf32>
    %add3A_61 = arith.addf %dot_general3A_53, %dot_general3A_60 : vector<2000x128xf32>
    %slice3A_62 = vector.extract_strided_slice %get3A_46 {offsets = [2, 0, 0], sizes = [1, 128, 128], strides = [1, 1, 1]} : vector<3x128x128xf32> to vector<1x128x128xf32>
    %squeeze3A_63 = vector.shape_cast %slice3A_62 : vector<1x128x128xf32> to vector<128x128xf32>
    %dot_general3A_64 = arith.constant dense<0.000000e+00> : vector<2000x128xf32>
    %dot_general3A_65 = tpu.matmul %sub3A, %squeeze3A_63, %dot_general3A_64 {dimension_numbers = #tpu.dot_dimension_numbers<[1], [0], [0], [1], [0, 0, 1, 1], [], []>, precision = #tpu.contract_precision<fp32>, transpose_lhs_hint = false} : vector<2000x128xf32>, vector<128x128xf32>, vector<2000x128xf32> -> vector<2000x128xf32>
    %add3A_66 = arith.addf %add3A_61, %dot_general3A_65 : vector<2000x128xf32>
    %get3A_67 = arith.constant 0 : index
    %get3A_68 = arith.constant 0 : index
    %get3A_69 = vector.load %arg13[%get3A_67, %get3A_68] : memref<1x128xf32, #tpu.memory_space<vmem>>, vector<1x128xf32>
    %add3A_70 = vector.broadcast %get3A_69 : vector<1x128xf32> to vector<2000x128xf32>
    %add3A_71 = arith.addf %add3A_66, %add3A_70 : vector<2000x128xf32>
    %slice3A_72 = vector.extract_strided_slice %get3A_50 {offsets = [0, 0, 0], sizes = [1, 128, 128], strides = [1, 1, 1]} : vector<3x128x128xf32> to vector<1x128x128xf32>
    %squeeze3A_73 = vector.shape_cast %slice3A_72 : vector<1x128x128xf32> to vector<128x128xf32>
    %dot_general3A_74 = arith.constant dense<0.000000e+00> : vector<2000x128xf32>
    %dot_general3A_75 = tpu.matmul %get3A_14, %squeeze3A_73, %dot_general3A_74 {dimension_numbers = #tpu.dot_dimension_numbers<[1], [0], [0], [1], [0, 0, 1, 1], [], []>, precision = #tpu.contract_precision<fp32>, transpose_lhs_hint = false} : vector<2000x128xf32>, vector<128x128xf32>, vector<2000x128xf32> -> vector<2000x128xf32>
    %get3A_76 = arith.constant 0 : index
    %get3A_77 = arith.constant 0 : index
    %get3A_78 = vector.load %arg5[%get3A_76, %get3A_77] : memref<2000x128xf32, #tpu.memory_space<vmem>>, vector<2000x128xf32>
    %slice3A_79 = vector.extract_strided_slice %get3A_50 {offsets = [1, 0, 0], sizes = [1, 128, 128], strides = [1, 1, 1]} : vector<3x128x128xf32> to vector<1x128x128xf32>
    %squeeze3A_80 = vector.shape_cast %slice3A_79 : vector<1x128x128xf32> to vector<128x128xf32>
    %dot_general3A_81 = arith.constant dense<0.000000e+00> : vector<2000x128xf32>
    %dot_general3A_82 = tpu.matmul %get3A_78, %squeeze3A_80, %dot_general3A_81 {dimension_numbers = #tpu.dot_dimension_numbers<[1], [0], [0], [1], [0, 0, 1, 1], [], []>, precision = #tpu.contract_precision<fp32>, transpose_lhs_hint = false} : vector<2000x128xf32>, vector<128x128xf32>, vector<2000x128xf32> -> vector<2000x128xf32>
    %add3A_83 = arith.addf %dot_general3A_75, %dot_general3A_82 : vector<2000x128xf32>
    %slice3A_84 = vector.extract_strided_slice %get3A_50 {offsets = [2, 0, 0], sizes = [1, 128, 128], strides = [1, 1, 1]} : vector<3x128x128xf32> to vector<1x128x128xf32>
    %squeeze3A_85 = vector.shape_cast %slice3A_84 : vector<1x128x128xf32> to vector<128x128xf32>
    %dot_general3A_86 = arith.constant dense<0.000000e+00> : vector<2000x128xf32>
    %dot_general3A_87 = tpu.matmul %sub3A_42, %squeeze3A_85, %dot_general3A_86 {dimension_numbers = #tpu.dot_dimension_numbers<[1], [0], [0], [1], [0, 0, 1, 1], [], []>, precision = #tpu.contract_precision<fp32>, transpose_lhs_hint = false} : vector<2000x128xf32>, vector<128x128xf32>, vector<2000x128xf32> -> vector<2000x128xf32>
    %add3A_88 = arith.addf %add3A_83, %dot_general3A_87 : vector<2000x128xf32>
    %get3A_89 = arith.constant 0 : index
    %get3A_90 = arith.constant 0 : index
    %get3A_91 = vector.load %arg14[%get3A_89, %get3A_90] : memref<1x128xf32, #tpu.memory_space<vmem>>, vector<1x128xf32>
    %add3A_92 = vector.broadcast %get3A_91 : vector<1x128xf32> to vector<2000x128xf32>
    %add3A_93 = arith.addf %add3A_88, %add3A_92 : vector<2000x128xf32>
    %get3A_94 = arith.constant 0 : index
    %get3A_95 = arith.constant 0 : index
    %get3A_96 = vector.load %arg10[%get3A_94, %get3A_95] : memref<256x128xf32, #tpu.memory_space<vmem>>, vector<256x128xf32>
    %get3A_97 = arith.constant 0 : index
    %get3A_98 = arith.constant 0 : index
    %get3A_99 = vector.load %arg11[%get3A_97, %get3A_98] : memref<256x128xf32, #tpu.memory_space<vmem>>, vector<256x128xf32>
    %get3A_100 = arith.constant 0 : index
    %get3A_101 = arith.constant 0 : index
    %get3A_102 = vector.load %arg12[%get3A_100, %get3A_101] : memref<256x128xf32, #tpu.memory_space<vmem>>, vector<256x128xf32>
    %slice3A_103 = vector.extract_strided_slice %get3A_96 {offsets = [0, 0], sizes = [128, 128], strides = [1, 1]} : vector<256x128xf32> to vector<128x128xf32>
    %dot_general3A_104 = arith.constant dense<0.000000e+00> : vector<2000x128xf32>
    %dot_general3A_105 = tpu.matmul %add3A_71, %slice3A_103, %dot_general3A_104 {dimension_numbers = #tpu.dot_dimension_numbers<[1], [0], [0], [1], [0, 0, 1, 1], [], []>, precision = #tpu.contract_precision<fp32>, transpose_lhs_hint = false} : vector<2000x128xf32>, vector<128x128xf32>, vector<2000x128xf32> -> vector<2000x128xf32>
    %slice3A_106 = vector.extract_strided_slice %get3A_96 {offsets = [128, 0], sizes = [128, 128], strides = [1, 1]} : vector<256x128xf32> to vector<128x128xf32>
    %dot_general3A_107 = arith.constant dense<0.000000e+00> : vector<2000x128xf32>
    %dot_general3A_108 = tpu.matmul %add3A_93, %slice3A_106, %dot_general3A_107 {dimension_numbers = #tpu.dot_dimension_numbers<[1], [0], [0], [1], [0, 0, 1, 1], [], []>, precision = #tpu.contract_precision<fp32>, transpose_lhs_hint = false} : vector<2000x128xf32>, vector<128x128xf32>, vector<2000x128xf32> -> vector<2000x128xf32>
    %add3A_109 = arith.addf %dot_general3A_105, %dot_general3A_108 : vector<2000x128xf32>
    %get3A_110 = arith.constant 0 : index
    %get3A_111 = arith.constant 0 : index
    %get3A_112 = vector.load %arg15[%get3A_110, %get3A_111] : memref<1x128xf32, #tpu.memory_space<vmem>>, vector<1x128xf32>
    %add3A_113 = vector.broadcast %get3A_112 : vector<1x128xf32> to vector<2000x128xf32>
    %add3A_114 = arith.addf %add3A_109, %add3A_113 : vector<2000x128xf32>
    %logistic3A = arith.negf %add3A_114 : vector<2000x128xf32>
    %logistic3A_115 = math.exp %logistic3A : vector<2000x128xf32>
    %logistic3A_116 = arith.constant 1.000000e+00 : f32
    %logistic3A_117 = vector.broadcast %logistic3A_116 : f32 to vector<2000x128xf32>
    %logistic3A_118 = arith.addf %logistic3A_117, %logistic3A_115 : vector<2000x128xf32>
    %logistic3A_119 = arith.divf %logistic3A_117, %logistic3A_118 : vector<2000x128xf32>
    %slice3A_120 = vector.extract_strided_slice %get3A_99 {offsets = [0, 0], sizes = [128, 128], strides = [1, 1]} : vector<256x128xf32> to vector<128x128xf32>
    %dot_general3A_121 = arith.constant dense<0.000000e+00> : vector<2000x128xf32>
    %dot_general3A_122 = tpu.matmul %add3A_71, %slice3A_120, %dot_general3A_121 {dimension_numbers = #tpu.dot_dimension_numbers<[1], [0], [0], [1], [0, 0, 1, 1], [], []>, precision = #tpu.contract_precision<fp32>, transpose_lhs_hint = false} : vector<2000x128xf32>, vector<128x128xf32>, vector<2000x128xf32> -> vector<2000x128xf32>
    %slice3A_123 = vector.extract_strided_slice %get3A_99 {offsets = [128, 0], sizes = [128, 128], strides = [1, 1]} : vector<256x128xf32> to vector<128x128xf32>
    %dot_general3A_124 = arith.constant dense<0.000000e+00> : vector<2000x128xf32>
    %dot_general3A_125 = tpu.matmul %add3A_93, %slice3A_123, %dot_general3A_124 {dimension_numbers = #tpu.dot_dimension_numbers<[1], [0], [0], [1], [0, 0, 1, 1], [], []>, precision = #tpu.contract_precision<fp32>, transpose_lhs_hint = false} : vector<2000x128xf32>, vector<128x128xf32>, vector<2000x128xf32> -> vector<2000x128xf32>
    %add3A_126 = arith.addf %dot_general3A_122, %dot_general3A_125 : vector<2000x128xf32>
    %get3A_127 = arith.constant 0 : index
    %get3A_128 = arith.constant 0 : index
    %get3A_129 = vector.load %arg16[%get3A_127, %get3A_128] : memref<1x128xf32, #tpu.memory_space<vmem>>, vector<1x128xf32>
    %add3A_130 = vector.broadcast %get3A_129 : vector<1x128xf32> to vector<2000x128xf32>
    %add3A_131 = arith.addf %add3A_126, %add3A_130 : vector<2000x128xf32>
    %logistic3A_132 = arith.negf %add3A_131 : vector<2000x128xf32>
    %logistic3A_133 = math.exp %logistic3A_132 : vector<2000x128xf32>
    %logistic3A_134 = arith.constant 1.000000e+00 : f32
    %logistic3A_135 = vector.broadcast %logistic3A_134 : f32 to vector<2000x128xf32>
    %logistic3A_136 = arith.addf %logistic3A_135, %logistic3A_133 : vector<2000x128xf32>
    %logistic3A_137 = arith.divf %logistic3A_135, %logistic3A_136 : vector<2000x128xf32>
    %slice3A_138 = vector.extract_strided_slice %get3A_102 {offsets = [0, 0], sizes = [128, 128], strides = [1, 1]} : vector<256x128xf32> to vector<128x128xf32>
    %dot_general3A_139 = arith.constant dense<0.000000e+00> : vector<2000x128xf32>
    %dot_general3A_140 = tpu.matmul %add3A_71, %slice3A_138, %dot_general3A_139 {dimension_numbers = #tpu.dot_dimension_numbers<[1], [0], [0], [1], [0, 0, 1, 1], [], []>, precision = #tpu.contract_precision<fp32>, transpose_lhs_hint = false} : vector<2000x128xf32>, vector<128x128xf32>, vector<2000x128xf32> -> vector<2000x128xf32>
    %mul3A_141 = arith.mulf %logistic3A_137, %add3A_93 : vector<2000x128xf32>
    %slice3A_142 = vector.extract_strided_slice %get3A_102 {offsets = [128, 0], sizes = [128, 128], strides = [1, 1]} : vector<256x128xf32> to vector<128x128xf32>
    %dot_general3A_143 = arith.constant dense<0.000000e+00> : vector<2000x128xf32>
    %dot_general3A_144 = tpu.matmul %mul3A_141, %slice3A_142, %dot_general3A_143 {dimension_numbers = #tpu.dot_dimension_numbers<[1], [0], [0], [1], [0, 0, 1, 1], [], []>, precision = #tpu.contract_precision<fp32>, transpose_lhs_hint = false} : vector<2000x128xf32>, vector<128x128xf32>, vector<2000x128xf32> -> vector<2000x128xf32>
    %add3A_145 = arith.addf %dot_general3A_140, %dot_general3A_144 : vector<2000x128xf32>
    %get3A_146 = arith.constant 0 : index
    %get3A_147 = arith.constant 0 : index
    %get3A_148 = vector.load %arg17[%get3A_146, %get3A_147] : memref<1x128xf32, #tpu.memory_space<vmem>>, vector<1x128xf32>
    %add3A_149 = vector.broadcast %get3A_148 : vector<1x128xf32> to vector<2000x128xf32>
    %add3A_150 = arith.addf %add3A_145, %add3A_149 : vector<2000x128xf32>
    %tanh3A = math.tanh %add3A_150 : vector<2000x128xf32>
    %mul3A_151 = arith.mulf %logistic3A_119, %get3A_14 : vector<2000x128xf32>
    %sub3A_152 = arith.constant 1.000000e+00 : f32
    %sub3A_153 = vector.broadcast %sub3A_152 : f32 to vector<2000x128xf32>
    %sub3A_154 = arith.subf %sub3A_153, %logistic3A_119 : vector<2000x128xf32>
    %mul3A_155 = arith.mulf %sub3A_154, %tanh3A : vector<2000x128xf32>
    %add3A_156 = arith.addf %mul3A_151, %mul3A_155 : vector<2000x128xf32>
    %swap3A = arith.constant 0 : index
    %swap3A_157 = arith.constant 0 : index
    %swap3A_158 = vector.load %arg18[%swap3A, %swap3A_157] : memref<2000x128xf32, #tpu.memory_space<vmem>>, vector<2000x128xf32>
    tpu.vector_store %arg18[%swap3A, %swap3A_157], %add3A_156 {strides = array<i32>} : memref<2000x128xf32, #tpu.memory_space<vmem>>, vector<2000x128xf32>,
    return
  }
  func.func @transform_0(%arg0: i32) -> (i32, i32, i32) {
    %c0_i32 = arith.constant 0 : i32
    %c0_i32_0 = arith.constant 0 : i32
    %c0_i32_1 = arith.constant 0 : i32
    return %c0_i32, %arg0, %c0_i32_0 : i32, i32, i32
  }
  func.func @transform_1(%arg0: i32) -> (i32, i32) {
    %c0_i32 = arith.constant 0 : i32
    %c0_i32_0 = arith.constant 0 : i32
    return %arg0, %c0_i32 : i32, i32
  }
  func.func @transform_2(%arg0: i32) -> (i32, i32) {
    %c0_i32 = arith.constant 0 : i32
    %c0_i32_0 = arith.constant 0 : i32
    return %arg0, %c0_i32 : i32, i32
  }
  func.func @transform_3(%arg0: i32) -> (i32, i32) {
    %c0_i32 = arith.constant 0 : i32
    %c0_i32_0 = arith.constant 0 : i32
    return %arg0, %c0_i32 : i32, i32
  }
  func.func @transform_4(%arg0: i32) -> (i32, i32) {
    %c0_i32 = arith.constant 0 : i32
    %c0_i32_0 = arith.constant 0 : i32
    return %arg0, %c0_i32 : i32, i32
  }
  func.func @transform_5(%arg0: i32) -> (i32, i32, i32) {
    %c0_i32 = arith.constant 0 : i32
    %c0_i32_0 = arith.constant 0 : i32
    %c0_i32_1 = arith.constant 0 : i32
    return %c0_i32, %arg0, %c0_i32_0 : i32, i32, i32
  }
  func.func @transform_6(%arg0: i32) -> (i32, i32, i32) {
    %c0_i32 = arith.constant 0 : i32
    %c0_i32_0 = arith.constant 0 : i32
    %c0_i32_1 = arith.constant 0 : i32
    return %c0_i32, %arg0, %c0_i32_0 : i32, i32, i32
  }
  func.func @transform_7(%arg0: i32) -> (i32, i32, i32) {
    %c0_i32 = arith.constant 0 : i32
    %c0_i32_0 = arith.constant 0 : i32
    %c0_i32_1 = arith.constant 0 : i32
    %c0_i32_2 = arith.constant 0 : i32
    return %c0_i32, %c0_i32_0, %c0_i32_1 : i32, i32, i32
  }
  func.func @transform_8(%arg0: i32) -> (i32, i32, i32) {
    %c0_i32 = arith.constant 0 : i32
    %c0_i32_0 = arith.constant 0 : i32
    %c0_i32_1 = arith.constant 0 : i32
    %c0_i32_2 = arith.constant 0 : i32
    return %c0_i32, %c0_i32_0, %c0_i32_1 : i32, i32, i32
  }
  func.func @transform_9(%arg0: i32) -> (i32, i32) {
    %c0_i32 = arith.constant 0 : i32
    %c0_i32_0 = arith.constant 0 : i32
    %c0_i32_1 = arith.constant 0 : i32
    return %c0_i32, %c0_i32_0 : i32, i32
  }
  func.func @transform_10(%arg0: i32) -> (i32, i32) {
    %c0_i32 = arith.constant 0 : i32
    %c0_i32_0 = arith.constant 0 : i32
    %c0_i32_1 = arith.constant 0 : i32
    return %c0_i32, %c0_i32_0 : i32, i32
  }
  func.func @transform_11(%arg0: i32) -> (i32, i32) {
    %c0_i32 = arith.constant 0 : i32
    %c0_i32_0 = arith.constant 0 : i32
    %c0_i32_1 = arith.constant 0 : i32
    return %c0_i32, %c0_i32_0 : i32, i32
  }
  func.func @transform_12(%arg0: i32) -> (i32, i32) {
    %c0_i32 = arith.constant 0 : i32
    %c0_i32_0 = arith.constant 0 : i32
    %c0_i32_1 = arith.constant 0 : i32
    return %c0_i32, %c0_i32_0 : i32, i32
  }
  func.func @transform_13(%arg0: i32) -> (i32, i32) {
    %c0_i32 = arith.constant 0 : i32
    %c0_i32_0 = arith.constant 0 : i32
    %c0_i32_1 = arith.constant 0 : i32
    return %c0_i32, %c0_i32_0 : i32, i32
  }
  func.func @transform_14(%arg0: i32) -> (i32, i32) {
    %c0_i32 = arith.constant 0 : i32
    %c0_i32_0 = arith.constant 0 : i32
    %c0_i32_1 = arith.constant 0 : i32
    return %c0_i32, %c0_i32_0 : i32, i32
  }
  func.func @transform_15(%arg0: i32) -> (i32, i32) {
    %c0_i32 = arith.constant 0 : i32
    %c0_i32_0 = arith.constant 0 : i32
    %c0_i32_1 = arith.constant 0 : i32
    return %c0_i32, %c0_i32_0 : i32, i32
  }
  func.func @transform_16(%arg0: i32) -> (i32, i32) {
    %c0_i32 = arith.constant 0 : i32
    %c0_i32_0 = arith.constant 0 : i32
    %c0_i32_1 = arith.constant 0 : i32
    return %c0_i32, %c0_i32_0 : i32, i32
  }
  func.func @transform_17(%arg0: i32) -> (i32, i32) {
    %c0_i32 = arith.constant 0 : i32
    %c0_i32_0 = arith.constant 0 : i32
    return %arg0, %c0_i32 : i32, i32
  }
}

</mosaic_0001>

<sc_bundles>
// kernel: kernel.11.cloned.1.call-start
scs
__scs_entry_jumppad:
0x0: {  	(pc) =	sbr.rel $0x88, $3  }
0x1: {  	(tag) =	ssettag $0x0;
	lr =	simm.s32 $0x1  }
0x2: {  	[smem:$0x3F94] =	sst lr;
	_ =	strace $0xD0000000  }
0x3: {  	_ = 	snop  }
0x4: {  	_ = 	snop  }
0x5: {  	_ = 	snop  }
0x6: {  	_ = 	snop  }
0x7: {  	_ = 	snop  }
__scs_overlays_trampoline_lowered:
0x8: {  	[smem:$0x3FA3] =	sst s0  }
0x9: {  	[smem:$0x3FA4] =	sst s1  }
0xa: {  	[smem:$0x3FA5] =	sst s2  }
0xb: {  	[smem:$0x3FA6] =	sst s3  }
0xc: {  	[smem:$0x3FA7] =	sst s4  }
0xd: {  	[smem:$0x3FA8] =	sst s5  }
0xe: {  	[smem:$0x3FA9] =	sst s6  }
0xf: {  	[smem:$0x3FAA] =	sst s7  }
0x10: {  	[smem:$0x3FAB] =	sst s8  }
0x11: {  	[smem:$0x3FAC] =	sst s9;
	s0 =	simm.s32 @!p0 $0x0  }
0x12: {  	s1 =	sld [smem:$0x3F92];
	s0 =	simm.s32 @p0 $0x1  }
0x13: {  	[smem:$0x3FAD] =	sst s0;
	s0 =	simm.s32 @!p1 $0x0  }
0x14: {  	s2 =	sld [smem:$0x3F91];
	s0 =	simm.s32 @p1 $0x1  }
0x15: {  	[smem:$0x3FAE] =	sst s0;
	s0 =	simm.s32 @!p2 $0x0  }
0x16: {  	s3 =	sld [smem:$0x3FDB];
	s0 =	simm.s32 @p2 $0x1  }
0x17: {  	s4 =	simm.s32 $0x1BF5;
	[smem:$0x3FB0] =	sst s0  }
0x18: {  	s0 =	sld [smem:$0x3F93];
	_ =	swait.ge [sflag:s4], $0x0  }
0x19: {  	s7 =	sld [smem:$0x3F94]  }
0x1a: {  	s8 =	sadd.s32 $0xFFFFE003, lr  }
0x1b: {  	s9 =	sadd.s32 $0xFFFFFEF7, lr;
	s5 =	simm.s32 $0xFFFFFFFF;
	p2 =	slt.u32 s8, $0xFFFFF086  }
0x1c: {  	p1 =	slt.u32 s9, $0xF7A;
	s5 =	simm.s32 @!p2 $0x0  }
0x1d: {  	s5 =	simm.s32 @p1 $0x1;
	p0 =	seq.s32 s7, s2  }
0x1e: {  	s7 =	smul.u32 @!p0 $0xF7A, s2;
	p2 =	seq.s32 @!p0 s5, $0x0  }
0x1f: {  	s9 =	smul.u32 $0xF7A, s1;
	s8 =	simm.s32 @!p0 $0x1BF5;
	p2 =	por !p2, p0  }
0x20: {  	[sflag:s8] =	ssyncset.s32 @!p0 $0xFFFFF086;
	s6 =	sadd.s32 @!p0 s3, s7;
	s7 =	simm.s32 @!p0 $0x108  }
0x21: {  	s3 =	sadd.s32 s3, s9;
	s6 =	sadd.s32 @!p0 $0x88, s6;
	s7 =	simm.s32 @p2 $0x1082  }
0x22: {  	[simem:s7], [sflag:s8] =	dma.local @!p0 [hbm:s6], $0xF7A  }
0x23: {  	s9 =	sor.u32 $0xD0000000, s2;
	s6 =	simm.s32 $0x108;
	_ =	swait.ge @!p0 [sflag:s8], $0x0  }
0x24: {  	s3 =	sadd.s32 $0x88, s3;
	s6 =	simm.s32 @!p1 $0x1082;
	[sflag:s4] =	ssyncset.s32 $0xFFFFF086  }
0x25: {  	[simem:s6], [sflag:s4] =	dma.local [hbm:s3], $0xF7A  }
0x26: {  	[smem:$0x3F94] =	sst s1;
	(tag) =	ssettag s2;
	_ =	strace s9  }
0x27: {  	s1 =	sld [smem:$0x3FA4]  }
0x28: {  	s2 =	sld [smem:$0x3FA5]  }
0x29: {  	s4 =	sld [smem:$0x3FA7]  }
0x2a: {  	p0 =	seq.s32 s5, $0x0;
	s5 =	sld [smem:$0x3FA8]  }
0x2b: {  	s6 =	sld [smem:$0x3FA9]  }
0x2c: {  	s7 =	sld [smem:$0x3FAA]  }
0x2d: {  	s3 =	simm.s32 $0x108;
	s8 =	sld [smem:$0x3FAB]  }
0x2e: {  	s3 =	simm.s32 @!p0 $0x1082;
	s9 =	sld [smem:$0x3FAC]  }
0x2f: {  	lr =	sadd.s32 s0, s3;
	s0 =	sld [smem:$0x3FA3]  }
0x30: {  	s3 =	sld [smem:$0x3FA6]  }
0x31: {  	[smem:$0x3FAF] =	sst s10  }
0x32: {  	s10 =	sld [smem:$0x3FAD];
	_ =	sdelay $0x3  }
0x33: {  	p0 =	seq.s32 s10, $0x1;
	s10 =	sld [smem:$0x3FAF];
	_ =	sdelay $0x3  }
0x34: {  	[smem:$0x3FAF] =	sst s10  }
0x35: {  	s10 =	sld [smem:$0x3FAE];
	_ =	sdelay $0x3  }
0x36: {  	p1 =	seq.s32 s10, $0x1;
	s10 =	sld [smem:$0x3FAF];
	_ =	sdelay $0x3  }
0x37: {  	[smem:$0x3FAF] =	sst s10  }
0x38: {  	s10 =	sld [smem:$0x3FB0]  }
0x39: {  	_ = 	snop;
	(pc) =	sbr.ind lr, $3  }
0x3a: {  	_ = 	snop  }
0x3b: {  	_ = 	snop  }
0x3c: {  	p2 =	seq.s32 s10, $0x1;
	s10 =	sld [smem:$0x3FAF]  }
0x3d: {  	_ =	shalt  }
0x3e: {  	_ =	shalt  }
0x3f: {  	_ =	shalt  }
0x40: {  	_ =	shalt  }
0x41: {  	_ =	shalt  }
0x42: {  	_ =	shalt  }
0x43: {  	_ =	shalt  }
0x44: {  	_ =	shalt  }
0x45: {  	_ =	shalt  }
0x46: {  	_ =	shalt  }
0x47: {  	_ =	shalt  }
0x48: {  	_ =	shalt  }
0x49: {  	_ =	shalt  }
0x4a: {  	_ =	shalt  }
0x4b: {  	_ =	shalt  }
0x4c: {  	_ =	shalt  }
0x4d: {  	_ =	shalt  }
0x4e: {  	_ =	shalt  }
0x4f: {  	_ =	shalt  }
0x50: {  	_ =	shalt  }
0x51: {  	_ =	shalt  }
0x52: {  	_ =	shalt  }
0x53: {  	_ =	shalt  }
0x54: {  	_ =	shalt  }
0x55: {  	_ =	shalt  }
0x56: {  	_ =	shalt  }
0x57: {  	_ =	shalt  }
0x58: {  	_ =	shalt  }
0x59: {  	_ =	shalt  }
0x5a: {  	_ =	shalt  }
0x5b: {  	_ =	shalt  }
0x5c: {  	_ =	shalt  }
0x5d: {  	_ =	shalt  }
0x5e: {  	_ =	shalt  }
0x5f: {  	_ =	shalt  }
0x60: {  	_ =	shalt  }
0x61: {  	_ =	shalt  }
0x62: {  	_ =	shalt  }
0x63: {  	_ =	shalt  }
0x64: {  	_ =	shalt  }
0x65: {  	_ =	shalt  }
0x66: {  	_ =	shalt  }
0x67: {  	_ =	shalt  }
0x68: {  	_ =	shalt  }
0x69: {  	_ =	shalt  }
0x6a: {  	_ =	shalt  }
0x6b: {  	_ =	shalt  }
0x6c: {  	_ =	shalt  }
0x6d: {  	_ =	shalt  }
0x6e: {  	_ =	shalt  }
0x6f: {  	_ =	shalt  }
0x70: {  	_ =	shalt  }
0x71: {  	_ =	shalt  }
0x72: {  	_ =	shalt  }
0x73: {  	_ =	shalt  }
0x74: {  	_ =	shalt  }
0x75: {  	_ =	shalt  }
0x76: {  	_ =	shalt  }
0x77: {  	_ =	shalt  }
0x78: {  	_ =	shalt  }
0x79: {  	_ =	shalt  }
0x7a: {  	_ =	shalt  }
0x7b: {  	_ =	shalt  }
0x7c: {  	_ =	shalt  }
0x7d: {  	_ =	shalt  }
0x7e: {  	_ =	shalt  }
0x7f: {  	_ =	shalt  }
0x80: {  	_ =	shalt  }
0x81: {  	_ =	shalt  }
0x82: {  	_ =	shalt  }
0x83: {  	_ =	shalt  }
0x84: {  	_ =	shalt  }
0x85: {  	_ =	shalt  }
0x86: {  	_ =	shalt  }
0x87: {  	_ =	shalt  }
.Lfunc_end0:
.L_simem_size_0:
called_computation.1_lowered:
.L_overlay_start_0:
0x88: {  	s2 =	sld [smem:$0x3FD9]  }
0x89: {  	s3 =	sld [smem:$0x3FFE];
	_ =	sdelay $0x1  }
0x8a: {  	s1 =	srdreg.scid  }
0x8b: {  	s0 =	sand.u32 $0x1, s1  }
0x8c: {  	s16 =	sshll.u32 s0, $0xA;
	s2 =	sadd.s32 s3, s2  }
0x8d: {  	s2 =	sadd.s32 s2, s16  }
0x8e: {  	[smem:$0x3FBB] =	sst s2  }
0x8f: {  	_ = 	snop  }
0x90: {  	(tm) =	ssettm $0x1  }
0x91: {  	s17 =	sld [smem:$0x3FFB];
	_ =	sdelay $0x3  }
0x92: {  	_ =	strace s17  }
0x93: {  	s2 =	sld [smem:$0x3FFC];
	_ =	sdelay $0x3  }
0x94: {  	_ =	strace s2  }
0x95: {  	s2 =	sld [smem:$0x3FFD];
	_ =	sdelay $0x3  }
0x96: {  	_ =	strace s2  }
0x97: {  	_ =	strace $0x8FFFFFFF  }
0x98: {  	s18 =	sld [smem:$0x3FDB];
	_ =	sdelay $0x1  }
0x99: {  	s19 =	simm.s32 $_scs_section_size  }
0x9a: {  	s4 =	simm.s32 $_size__tile_overlayer_lowered;
	s5 =	simm.s32 $_tile_overlayer_lowered  }
0x9b: {  	s22 =	simm.s32 $0x1BFF;
	s21 =	sshll.u32 s5, $0x1;
	s2 =	sadd.s32 s19, s18  }
0x9c: {  	s6 =	simm.s32 $0x0;
	s20 =	sshll.u32 s4, $0x1;
	s4 =	sadd.s32 s21, s2  }
0x9d: {  	[timem:s6], [sflag:s22] =	dma.local [hbm:s4], s20  }
0x9e: {  	_ =	swait.ge [sflag:s22], s20  }
0x9f: {  	s3 =	ssub.s32 $0x0, s20;
	[sflag:s22] =	ssyncset.done $0x0  }
0xa0: {  	[sflag:s22] =	ssyncadd.s32 s3;
	_ =	sdelay $0x1  }
0xa1: {  	s23 =	simm.s32 $0x1B8B  }
0xa2: {  	_ =	swait.ge [sflag:s23], $0x1  }
0xa3: {  	[sflag:s23] =	ssyncset.done $0x0  }
0xa4: {  	s25 =	simm.s32 $0x1B8E;
	s24 =	sld [smem:$0x3FFE];
	[sflag:s23] =	ssyncadd.s32 $0xFFFFFFFF  }
0xa5: {  	s26 =	simm.s32 $execute0_lowered;
	[smem:$0x3FD2] =	sst s25  }
0xa6: {  	s4 =	sshll.u32 s26, $0x1;
	_ =	strace $0x80000049;
	[dreg:$0x1] =	wrdreg $0xFFFFFFFF  }
0xa7: {  	s28 =	simm.s32 $_size_execute0_lowered;
	s2 =	sadd.s32 s2, s4;
	[dreg:$0x0] =	wrdreg $0x0  }
0xa8: {  	s4 =	sshll.u32 s28, $0x1;
	[dreg:$0x2] =	wrdreg s2  }
0xa9: {  	[dreg:$0x3] =	wrdreg s4  }
0xaa: {  	[dreg:$0x4] =	wrdreg $0xC0  }
0xab: {  	_ =	task [dreg:s6], $0x5FFFF  }
0xac: {  	[dreg:$0x1] =	wrdreg $0xFFFFFFFF  }
0xad: {  	[dreg:$0x0] =	wrdreg $0x60  }
0xae: {  	[dreg:$0x2] =	wrdreg s24  }
0xaf: {  	[dreg:$0x3] =	wrdreg $0xA9000  }
0xb0: {  	[dreg:$0x4] =	wrdreg $0x9  }
0xb1: {  	_ =	task.clear_ibuf [dreg:s6], $0x5FFFF;
	_ =	strace $0x90000049  }
0xb2: {  	s29 =	simm.s32 $0x9;
	_ =	strace $0x8000004B  }
0xb3: {  	_ =	swait.ge [sflag:s29], $0x1  }
0xb4: {  	[sflag:s29] =	ssyncadd.s32 $0xFFFFFFFF  }
0xb5: {  	_ =	strace $0x9000004B  }
0xb6: {  	_ =	sfence  }
0xb7: {  	s30 =	sld [smem:$0x0];
	_ =	sdelay $0x2  }
0xb8: {  	s31 =	sshll.u32 s1, $0xD;
	s1 =	sshrl.u32 s1, $0x2  }
0xb9: {  	s3 =	sand.u32 $0x4000, s31;
	s1 =	sadd.s32 s1, s30  }
0xba: {  	s0 =	sor.u32 s3, s0;
	s1 =	sshll.u32 s1, $0x11  }
0xbb: {  	s0 =	sor.u32 s1, s0  }
0xbc: {  	s0 =	sadd.s32 $0x8F2B, s0  }
0xbd: {  	[sflag:s0] =	ssyncadd.remote.s32 $0x1  }
0xbe: {  	_ =	sfence.sel $0xFFFF  }
0xbf: {  	[dreg:$0x0] =	wrdreg $0xFFFFFFFF;
	(pc) =	sbr.abs _section_cstart, $3  }
0xc0: {  	[dreg:$0x1] =	wrdreg $0xFFFFFFFF  }
0xc1: {  	_ =	task.clear_ibuf [dreg:s6], $0x2FFFF;
	_ =	strace $0x9FFFFFFF  }
0xc2: {  	(tm) =	ssettm $0x7FFFFFFF  }
0xc3: {  	_ =	shalt  }
tec
execute0_lowered:
.L_overlay_start_1:
0x0: {  	(tag) =	ssettag $0x1  }
0x1: {  	s9 =	rddreg [dreg:$0x0];
	s1 =	srdreg.scid  }
0x2: {  	s0 =	stileid.u32;
	s2 =	rddreg [dreg:$0x1]  }
0x3: {  	s3 =	simm.s32 $0x0;
	s18 =	simm.s32 $0x2900;
	s19 =	simm.s32 $0x2880  }
0x4: {  	s20 =	simm.s32 $0x80;
	s21 =	simm.s32 $0x6900;
	s22 =	simm.s32 $0x1  }
0x5: {  	s23 =	simm.s32 $0x2;
	s8 =	sand.u32 $0x1, s1;
	s1 =	rddreg [dreg:$0x2]  }
0x6: {  	s24 =	simm.s32 $0x0;
	s4 =	sshll.u32 s0, $0x1;
	[smem:$0x7FF] =	sst s3  }
0x7: {  	s5 =	sadd.s32 $0x69C00, s9;
	s12 =	smul.u32 $0x13C00, s0;
	s6 =	sadd.s32 $0x91400, s9  }
0x8: {  	s7 =	sadd.s32 $0x5FC00, s9;
	s14 =	smul.u32 $0x4F000, s0;
	s31 =	sshll.u32 s0, $0x6  }
0x9: {  	s4 =	sor.u32 s8, s4;
	_ =	strace $0x8000004A;
	s10 =	smul.u32 $0x13C000, s8  }
0xa: {  	s29 =	ssub.s32 $0x2, s8;
	s8 =	sadd.s32 $0xE400, s9;
	s4 =	smul.u32 $0x2800, s4  }
0xb: {  	s15 =	sshrl.u32 s29, $0x1;
	s30 =	sshrl.u32 s14, $0x2;
	s14 =	simm.s32 $0x3  }
0xc: {  	s10 =	sadd.s32 s12, s10;
	s15 =	ssub.s32 s29, s15;
	s11 =	sshrl.u32 s4, $0x3  }
0xd: {  	s17 =	sadd.s32 s30, s2;
	s10 =	sshrl.u32 s10, $0x3;
	s13 =	sadd.s32 s11, s9  }
0xe: {  	s16 =	sadd.s32 s10, s9;
	s10 =	sadd.s32 s7, s11;
	s9 =	sadd.s32 $0x4400, s13  }
0xf: {  	s11 =	sadd.s32 $0xB8C00, s16;
	s12 =	sadd.s32 $0x107C00, s16;
	s13 =	smax.u32 s15, $0x1  }
0x10: {  	s15 =	sor.u32 $0x1C03, s31;
	s16 =	sshrl.u32 s17, $0x3;
	s17 =	simm.s32 $0x2800  }
.LBB2_1:
0x11: {  	[tilespmem:s3], [sflag:$0x3] =	stream.linear.gather [hbm4b:s9+s3], $0x2780, $0x38;
	[tilespmem:$0x1E500] =	vst v63  }
0x12: {  	_ =	swait.ge [sflag:s14], $0x2780  }
0x13: {  	[sflag:s14] =	ssyncset.done $0x0  }
0x14: {  	[sflag:s14] =	ssyncadd.s32 $0xFFFFD880  }
0x15: {  	[spmem:s16], [sflag:s15] =	dma.local [hbm:s8], $0x2780  }
0x16: {  	_ =	swait.ge [sflag:s14], $0x2780  }
0x17: {  	[sflag:s14] =	ssyncset.done $0x0  }
0x18: {  	s25 =	simm.s32 $0x0;
	[sflag:s14] =	ssyncadd.s32 $0xFFFFD880  }
0x19: {  	s26 =	simm.s32 $0x80;
	s25 =	sand.u32 $0x3C00, s25;
	[bflag:$0x0] =	sbarrier.arrive $0xFFFF  }
0x1a: {  	[tilespmem:s17], [sflag:$0x3] =	stream.linear.gather [hbm4b:s10+s3], $0x80, $0x38;
	[tilespmem:$0x1E500] =	vst v63  }
0x1b: {  	s26 =	sand.u32 $0x380, s26;
	s25 =	sadd.s32 s4, s25;
	_ =	swait.ge [sflag:s14], $0x80  }
0x1c: {  	s25 =	sor.u32 s25, s26;
	[sflag:s14] =	ssyncset.done $0x0  }
0x1d: {  	s25 =	sshrl.u32 s25, $0x3;
	[sflag:s14] =	ssyncadd.s32 $0xFFFFFF80  }
0x1e: {  	[tilespmem:s18], [sflag:$0x1] =	stream.indirect.gather [hbm4b:s5+s20], $0x80, s3, s20, $0xb8;
	[tilespmem:$0x1E500] =	vst v63  }
0x1f: {  	s25 =	sadd.s32 s7, s25  }
0x20: {  	[tilespmem:s19], [sflag:$0x3] =	stream.linear.gather [hbm4b:s25+s3], $0x80, $0x38;
	[tilespmem:$0x1E500] =	vst v63  }
0x21: {  	_ =	swait.ge [sflag:s14], $0x80  }
0x22: {  	[sflag:s14] =	ssyncset.done $0x0  }
0x23: {  	[sflag:s14] =	ssyncadd.s32 $0xFFFFFF80  }
0x24: {  	[tilespmem:s21], [sflag:$0x2] =	stream.indirect.gather [hbm4b:s5+s20], $0x80, s20, s20, $0xb8;
	[tilespmem:$0x1E500] =	vst v63  }
0x25: {  	s31 =	simm.s32 $0x100;
	_ =	swait.ge [sflag:s22], $0x4000  }
0x26: {  	s28 =	sand.u32 $0x7C00, s31;
	[sflag:s22] =	ssyncset.done $0x0  }
0x27: {  	s26 =	sadd.s32 s4, s28;
	s25 =	sand.u32 $0x300, s31;
	[sflag:s22] =	ssyncadd.s32 $0xFFFFC000  }
0x28: {  	[spmem:s2] =	stream.indirect.scatter.add.f32 [tilespmem:s18], [sflag:$0x3], $0x80, s17, s20, $0xb8;
	[tilespmem:$0x1E500] =	vst v63  }
0x29: {  	s25 =	sor.u32 s25, s26;
	_ =	swait.ge [sflag:s14], $0x4000  }
0x2a: {  	s25 =	sshrl.u32 s25, $0x3;
	[sflag:s14] =	ssyncset.done $0x0  }
0x2b: {  	s25 =	sadd.s32 s7, s25;
	[sflag:s14] =	ssyncadd.s32 $0xFFFFC000  }
0x2c: {  	[tilespmem:s17], [sflag:$0x3] =	stream.linear.gather [hbm4b:s25+s3], $0x80, $0x38;
	[tilespmem:$0x1E500] =	vst v63  }
0x2d: {  	s30 =	simm.s32 $0x180;
	s31 =	simm.s32 $0x100;
	_ =	swait.ge [sflag:s14], $0x80  }
0x2e: {  	s28 =	simm.s32 $0x100;
	s26 =	sand.u32 $0x3C00, s31;
	[sflag:s14] =	ssyncset.done $0x0  }
0x2f: {  	s31 =	sand.u32 $0x380, s30;
	s26 =	sadd.s32 s4, s26;
	[sflag:s14] =	ssyncadd.s32 $0xFFFFFF80  }
0x30: {  	[tilespmem:s18], [sflag:$0x1] =	stream.indirect.gather [hbm4b:s5+s20], $0x80, s28, s20, $0xb8;
	[tilespmem:$0x1E500] =	vst v63  }
0x31: {  	s29 =	simm.s32 $0x300;
	s30 =	sor.u32 s26, s31;
	_ =	swait.ge [sflag:s23], $0x4000  }
0x32: {  	s26 =	simm.s32 $0x180;
	s25 =	simm.s32 $0x200;
	[sflag:s23] =	ssyncset.done $0x0  }
.LBB2_2:
0x33: {  	s30 =	sshrl.u32 s30, $0x3  }
0x34: {  	[sflag:s23] =	ssyncadd.s32 $0xFFFFC000;
	s31 =	smov.u32 s29;
	s28 =	sadd.s32 $0x100, s29  }
0x35: {  	[spmem:s2] =	stream.indirect.scatter.add.f32 [tilespmem:s21], [sflag:$0x3], $0x80, s19, s20, $0xb8;
	[tilespmem:$0x1E500] =	vst v63  }
0x36: {  	p0 =	sne.s32 s29, $0x2700;
	_ =	swait.ge [sflag:s14], $0x4000  }
0x37: {  	[sflag:s14] =	ssyncset.done $0x0  }
0x38: {  	s29 =	sadd.s32 s7, s30;
	[sflag:s14] =	ssyncadd.s32 $0xFFFFC000  }
0x39: {  	[tilespmem:s19], [sflag:$0x3] =	stream.linear.gather [hbm4b:s29+s3], $0x80, $0x38;
	[tilespmem:$0x1E500] =	vst v63  }
0x3a: {  	_ =	swait.ge [sflag:s14], $0x80  }
0x3b: {  	[sflag:s14] =	ssyncset.done $0x0  }
0x3c: {  	[sflag:s14] =	ssyncadd.s32 $0xFFFFFF80  }
0x3d: {  	[tilespmem:s21], [sflag:$0x2] =	stream.indirect.gather [hbm4b:s5+s20], $0x80, s26, s20, $0xb8;
	[tilespmem:$0x1E500] =	vst v63  }
0x3e: {  	_ =	swait.ge [sflag:s22], $0x4000  }
0x3f: {  	[sflag:s22] =	ssyncset.done $0x0  }
0x40: {  	s29 =	sand.u32 $0x7C00, s25;
	[sflag:s22] =	ssyncadd.s32 $0xFFFFC000  }
0x41: {  	[spmem:s2] =	stream.indirect.scatter.add.f32 [tilespmem:s18], [sflag:$0x3], $0x80, s17, s20, $0xb8;
	[tilespmem:$0x1E500] =	vst v63  }
0x42: {  	s25 =	sand.u32 $0x300, s25;
	s29 =	sadd.s32 s4, s29;
	_ =	swait.ge [sflag:s14], $0x4000  }
0x43: {  	s29 =	sor.u32 s25, s29;
	s25 =	smov.u32 s31;
	[sflag:s14] =	ssyncset.done $0x0  }
0x44: {  	s29 =	sshrl.u32 s29, $0x3;
	[sflag:s14] =	ssyncadd.s32 $0xFFFFC000  }
0x45: {  	s29 =	sadd.s32 s7, s29  }
0x46: {  	[tilespmem:s17], [sflag:$0x3] =	stream.linear.gather [hbm4b:s29+s3], $0x80, $0x38;
	[tilespmem:$0x1E500] =	vst v63  }
0x47: {  	s30 =	sadd.s32 $0x80, s26;
	s31 =	sadd.s32 $0xFFFFFF80, s25;
	_ =	swait.ge [sflag:s14], $0x80  }
.Ltmp0:
0x48: {  	s29 =	sadd.s32 $0xFFFFFF00, s25;
	[sflag:s14] =	ssyncset.done $0x0;
	(pc) =	sbr.rel @p0 .LBB2_2-.Ltmp0, $4  }
0x49: {  	s26 =	sadd.s32 $0x100, s26;
	s29 =	sand.u32 $0x3C00, s29;
	[sflag:s14] =	ssyncadd.s32 $0xFFFFFF80  }
0x4a: {  	[tilespmem:s18], [sflag:$0x1] =	stream.indirect.gather [hbm4b:s5+s20], $0x80, s30, s20, $0xb8;
	[tilespmem:$0x1E500] =	vst v63  }
0x4b: {  	s29 =	sadd.s32 s4, s29;
	s30 =	sand.u32 $0x380, s31;
	_ =	swait.ge [sflag:s23], $0x4000  }
0x4c: {  	s30 =	sor.u32 s29, s30;
	s29 =	smov.u32 s28;
	[sflag:s23] =	ssyncset.done $0x0  }
0x4d: {  	[sflag:s23] =	ssyncadd.s32 $0xFFFFC000  }
0x4e: {  	[spmem:s2] =	stream.indirect.scatter.add.f32 [tilespmem:s21], [sflag:$0x3], $0x80, s19, s20, $0xb8;
	[tilespmem:$0x1E500] =	vst v63  }
0x4f: {  	_ =	swait.ge [sflag:s14], $0x4000  }
0x50: {  	s28 =	sshrl.u32 s30, $0x3;
	[sflag:s14] =	ssyncset.done $0x0  }
0x51: {  	s28 =	sadd.s32 s7, s28;
	[sflag:s14] =	ssyncadd.s32 $0xFFFFC000  }
0x52: {  	[tilespmem:s19], [sflag:$0x3] =	stream.linear.gather [hbm4b:s28+s3], $0x80, $0x38;
	[tilespmem:$0x1E500] =	vst v63  }
0x53: {  	_ =	swait.ge [sflag:s14], $0x80  }
0x54: {  	[sflag:s14] =	ssyncset.done $0x0  }
0x55: {  	[sflag:s14] =	ssyncadd.s32 $0xFFFFFF80  }
0x56: {  	[tilespmem:s21], [sflag:$0x2] =	stream.indirect.gather [hbm4b:s5+s20], $0x80, s26, s20, $0xb8;
	[tilespmem:$0x1E500] =	vst v63  }
0x57: {  	_ =	swait.ge [sflag:s22], $0x4000  }
0x58: {  	s31 =	sand.u32 $0x7C00, s25;
	[sflag:s22] =	ssyncset.done $0x0  }
0x59: {  	s28 =	sadd.s32 s4, s31;
	s31 =	sand.u32 $0x300, s25;
	[sflag:s22] =	ssyncadd.s32 $0xFFFFC000  }
0x5a: {  	[spmem:s2] =	stream.indirect.scatter.add.f32 [tilespmem:s18], [sflag:$0x3], $0x80, s17, s20, $0xb8;
	[tilespmem:$0x1E500] =	vst v63  }
0x5b: {  	s25 =	sor.u32 s31, s28;
	_ =	swait.ge [sflag:s14], $0x4000  }
0x5c: {  	s25 =	sshrl.u32 s25, $0x3;
	[sflag:s14] =	ssyncset.done $0x0  }
0x5d: {  	s25 =	sadd.s32 s7, s25;
	[sflag:s14] =	ssyncadd.s32 $0xFFFFC000  }
0x5e: {  	[tilespmem:s17], [sflag:$0x3] =	stream.linear.gather [hbm4b:s25+s3], $0x80, $0x38;
	[tilespmem:$0x1E500] =	vst v63  }
0x5f: {  	_ =	swait.ge [sflag:s14], $0x80  }
0x60: {  	[sflag:s14] =	ssyncset.done $0x0  }
0x61: {  	s26 =	sadd.s32 $0x80, s26;
	[sflag:s14] =	ssyncadd.s32 $0xFFFFFF80  }
0x62: {  	[tilespmem:s18], [sflag:$0x1] =	stream.indirect.gather [hbm4b:s5+s20], $0x80, s26, s20, $0xb8;
	[tilespmem:$0x1E500] =	vst v63  }
0x63: {  	_ =	swait.ge [sflag:s23], $0x4000  }
0x64: {  	[sflag:s23] =	ssyncset.done $0x0  }
0x65: {  	[sflag:s23] =	ssyncadd.s32 $0xFFFFC000  }
0x66: {  	[spmem:s2] =	stream.indirect.scatter.add.f32 [tilespmem:s21], [sflag:$0x3], $0x80, s19, s20, $0xb8;
	[tilespmem:$0x1E500] =	vst v63  }
0x67: {  	_ =	swait.ge [sflag:s14], $0x4000  }
0x68: {  	[sflag:s14] =	ssyncset.done $0x0  }
0x69: {  	[sflag:s14] =	ssyncadd.s32 $0xFFFFC000  }
0x6a: {  	_ =	swait.ge [sflag:s22], $0x4000  }
0x6b: {  	[sflag:s22] =	ssyncset.done $0x0  }
0x6c: {  	s25 =	simm.s32 $0x80;
	[sflag:s22] =	ssyncadd.s32 $0xFFFFC000  }
0x6d: {  	[spmem:s2] =	stream.indirect.scatter.add.f32 [tilespmem:s18], [sflag:$0x3], $0x80, s17, s25, $0xb8;
	[tilespmem:$0x1E500] =	vst v63  }
0x6e: {  	_ =	swait.ge [sflag:s14], $0x4000  }
0x6f: {  	[sflag:s14] =	ssyncset.done $0x0  }
0x70: {  	[sflag:s14] =	ssyncadd.s32 $0xFFFFC000  }
0x71: {  	[bflag:$0x0] =	sbarrier.arrive $0xFFFF  }
0x72: {  	[hbm:s11], [sflag:s15] =	dma.local [spmem:s16], $0x2780  }
0x73: {  	_ =	swait.ge [sflag:s14], $0x2780  }
0x74: {  	[sflag:s14] =	ssyncset.done $0x0  }
0x75: {  	[sflag:s14] =	ssyncadd.s32 $0xFFFFD880  }
0x76: {  	[bflag:$0x0] =	sbarrier.arrive $0xFFFF  }
0x77: {  	[spmem:s16], [sflag:s15] =	dma.local [hbm:s8], $0x2780  }
0x78: {  	_ =	swait.ge [sflag:s14], $0x2780  }
0x79: {  	[sflag:s14] =	ssyncset.done $0x0  }
0x7a: {  	s28 =	simm.s32 $0x0;
	[sflag:s14] =	ssyncadd.s32 $0xFFFFD880  }
0x7b: {  	s31 =	simm.s32 $0x80;
	s26 =	sand.u32 $0x3C00, s28;
	[bflag:$0x0] =	sbarrier.arrive $0xFFFF  }
0x7c: {  	[tilespmem:s17], [sflag:$0x3] =	stream.linear.gather [hbm4b:s10+s3], $0x80, $0x38;
	[tilespmem:$0x1E500] =	vst v63  }
0x7d: {  	s28 =	sand.u32 $0x380, s31;
	s26 =	sadd.s32 s4, s26;
	_ =	swait.ge [sflag:s14], $0x80  }
0x7e: {  	s26 =	sor.u32 s26, s28;
	[sflag:s14] =	ssyncset.done $0x0  }
0x7f: {  	s26 =	sshrl.u32 s26, $0x3;
	[sflag:s14] =	ssyncadd.s32 $0xFFFFFF80  }
0x80: {  	[tilespmem:s18], [sflag:$0x1] =	stream.indirect.gather [hbm4b:s6+s25], $0x80, s3, s25, $0xb8;
	[tilespmem:$0x1E500] =	vst v63  }
0x81: {  	s26 =	sadd.s32 s7, s26  }
0x82: {  	[tilespmem:s19], [sflag:$0x3] =	stream.linear.gather [hbm4b:s26+s3], $0x80, $0x38;
	[tilespmem:$0x1E500] =	vst v63  }
0x83: {  	_ =	swait.ge [sflag:s14], $0x80  }
0x84: {  	[sflag:s14] =	ssyncset.done $0x0  }
0x85: {  	[sflag:s14] =	ssyncadd.s32 $0xFFFFFF80  }
0x86: {  	[tilespmem:s21], [sflag:$0x2] =	stream.indirect.gather [hbm4b:s6+s20], $0x80, s25, s20, $0xb8;
	[tilespmem:$0x1E500] =	vst v63  }
0x87: {  	s31 =	simm.s32 $0x100;
	_ =	swait.ge [sflag:s22], $0x4000  }
0x88: {  	s28 =	sand.u32 $0x7C00, s31;
	[sflag:s22] =	ssyncset.done $0x0  }
0x89: {  	s26 =	sadd.s32 s4, s28;
	s25 =	sand.u32 $0x300, s31;
	[sflag:s22] =	ssyncadd.s32 $0xFFFFC000  }
0x8a: {  	[spmem:s2] =	stream.indirect.scatter.add.f32 [tilespmem:s18], [sflag:$0x3], $0x80, s17, s20, $0xb8;
	[tilespmem:$0x1E500] =	vst v63  }
0x8b: {  	s25 =	sor.u32 s25, s26;
	_ =	swait.ge [sflag:s14], $0x4000  }
0x8c: {  	s25 =	sshrl.u32 s25, $0x3;
	[sflag:s14] =	ssyncset.done $0x0  }
0x8d: {  	s25 =	sadd.s32 s7, s25;
	[sflag:s14] =	ssyncadd.s32 $0xFFFFC000  }
0x8e: {  	[tilespmem:s17], [sflag:$0x3] =	stream.linear.gather [hbm4b:s25+s3], $0x80, $0x38;
	[tilespmem:$0x1E500] =	vst v63  }
0x8f: {  	s29 =	simm.s32 $0x300;
	s26 =	simm.s32 $0x100;
	_ =	swait.ge [sflag:s14], $0x80  }
0x90: {  	s30 =	simm.s32 $0x180;
	s26 =	sand.u32 $0x3C00, s26;
	[sflag:s14] =	ssyncset.done $0x0  }
0x91: {  	s31 =	simm.s32 $0x100;
	s26 =	sadd.s32 s4, s26;
	[sflag:s14] =	ssyncadd.s32 $0xFFFFFF80  }
0x92: {  	[tilespmem:s18], [sflag:$0x1] =	stream.indirect.gather [hbm4b:s6+s20], $0x80, s31, s20, $0xb8;
	[tilespmem:$0x1E500] =	vst v63  }
0x93: {  	s25 =	simm.s32 $0x200;
	s31 =	sand.u32 $0x380, s30;
	_ =	swait.ge [sflag:s23], $0x4000  }
0x94: {  	s30 =	sor.u32 s26, s31;
	s26 =	simm.s32 $0x180;
	[sflag:s23] =	ssyncset.done $0x0  }
.LBB2_4:
0x95: {  	s30 =	sshrl.u32 s30, $0x3  }
0x96: {  	[sflag:s23] =	ssyncadd.s32 $0xFFFFC000;
	s31 =	smov.u32 s29;
	s28 =	sadd.s32 $0x100, s29  }
0x97: {  	[spmem:s2] =	stream.indirect.scatter.add.f32 [tilespmem:s21], [sflag:$0x3], $0x80, s19, s20, $0xb8;
	[tilespmem:$0x1E500] =	vst v63  }
0x98: {  	p0 =	sne.s32 s29, $0x2700;
	_ =	swait.ge [sflag:s14], $0x4000  }
0x99: {  	[sflag:s14] =	ssyncset.done $0x0  }
0x9a: {  	s29 =	sadd.s32 s7, s30;
	[sflag:s14] =	ssyncadd.s32 $0xFFFFC000  }
0x9b: {  	[tilespmem:s19], [sflag:$0x3] =	stream.linear.gather [hbm4b:s29+s3], $0x80, $0x38;
	[tilespmem:$0x1E500] =	vst v63  }
0x9c: {  	_ =	swait.ge [sflag:s14], $0x80  }
0x9d: {  	[sflag:s14] =	ssyncset.done $0x0  }
0x9e: {  	[sflag:s14] =	ssyncadd.s32 $0xFFFFFF80  }
0x9f: {  	[tilespmem:s21], [sflag:$0x2] =	stream.indirect.gather [hbm4b:s6+s20], $0x80, s26, s20, $0xb8;
	[tilespmem:$0x1E500] =	vst v63  }
0xa0: {  	_ =	swait.ge [sflag:s22], $0x4000  }
0xa1: {  	[sflag:s22] =	ssyncset.done $0x0  }
0xa2: {  	s29 =	sand.u32 $0x7C00, s25;
	[sflag:s22] =	ssyncadd.s32 $0xFFFFC000  }
0xa3: {  	[spmem:s2] =	stream.indirect.scatter.add.f32 [tilespmem:s18], [sflag:$0x3], $0x80, s17, s20, $0xb8;
	[tilespmem:$0x1E500] =	vst v63  }
0xa4: {  	s25 =	sand.u32 $0x300, s25;
	s29 =	sadd.s32 s4, s29;
	_ =	swait.ge [sflag:s14], $0x4000  }
0xa5: {  	s29 =	sor.u32 s25, s29;
	s25 =	smov.u32 s31;
	[sflag:s14] =	ssyncset.done $0x0  }
0xa6: {  	s29 =	sshrl.u32 s29, $0x3;
	[sflag:s14] =	ssyncadd.s32 $0xFFFFC000  }
0xa7: {  	s29 =	sadd.s32 s7, s29  }
0xa8: {  	[tilespmem:s17], [sflag:$0x3] =	stream.linear.gather [hbm4b:s29+s3], $0x80, $0x38;
	[tilespmem:$0x1E500] =	vst v63  }
0xa9: {  	s30 =	sadd.s32 $0x80, s26;
	s31 =	sadd.s32 $0xFFFFFF80, s25;
	_ =	swait.ge [sflag:s14], $0x80  }
.Ltmp1:
0xaa: {  	s29 =	sadd.s32 $0xFFFFFF00, s25;
	[sflag:s14] =	ssyncset.done $0x0;
	(pc) =	sbr.rel @p0 .LBB2_4-.Ltmp1, $4  }
0xab: {  	s26 =	sadd.s32 $0x100, s26;
	s29 =	sand.u32 $0x3C00, s29;
	[sflag:s14] =	ssyncadd.s32 $0xFFFFFF80  }
0xac: {  	[tilespmem:s18], [sflag:$0x1] =	stream.indirect.gather [hbm4b:s6+s20], $0x80, s30, s20, $0xb8;
	[tilespmem:$0x1E500] =	vst v63  }
0xad: {  	s29 =	sadd.s32 s4, s29;
	s30 =	sand.u32 $0x380, s31;
	_ =	swait.ge [sflag:s23], $0x4000  }
0xae: {  	s30 =	sor.u32 s29, s30;
	s29 =	smov.u32 s28;
	[sflag:s23] =	ssyncset.done $0x0  }
0xaf: {  	[sflag:s23] =	ssyncadd.s32 $0xFFFFC000  }
0xb0: {  	[spmem:s2] =	stream.indirect.scatter.add.f32 [tilespmem:s21], [sflag:$0x3], $0x80, s19, s20, $0xb8;
	[tilespmem:$0x1E500] =	vst v63  }
0xb1: {  	_ =	swait.ge [sflag:s14], $0x4000  }
0xb2: {  	s28 =	sshrl.u32 s30, $0x3;
	[sflag:s14] =	ssyncset.done $0x0  }
0xb3: {  	s28 =	sadd.s32 s7, s28;
	[sflag:s14] =	ssyncadd.s32 $0xFFFFC000  }
0xb4: {  	[tilespmem:s19], [sflag:$0x3] =	stream.linear.gather [hbm4b:s28+s3], $0x80, $0x38;
	[tilespmem:$0x1E500] =	vst v63  }
0xb5: {  	_ =	swait.ge [sflag:s14], $0x80  }
0xb6: {  	[sflag:s14] =	ssyncset.done $0x0  }
0xb7: {  	[sflag:s14] =	ssyncadd.s32 $0xFFFFFF80  }
0xb8: {  	[tilespmem:s21], [sflag:$0x2] =	stream.indirect.gather [hbm4b:s6+s20], $0x80, s26, s20, $0xb8;
	[tilespmem:$0x1E500] =	vst v63  }
0xb9: {  	_ =	swait.ge [sflag:s22], $0x4000  }
0xba: {  	s29 =	sand.u32 $0x7C00, s25;
	[sflag:s22] =	ssyncset.done $0x0  }
0xbb: {  	s30 =	sand.u32 $0x300, s25;
	s28 =	sadd.s32 s4, s29;
	[sflag:s22] =	ssyncadd.s32 $0xFFFFC000  }
0xbc: {  	[spmem:s2] =	stream.indirect.scatter.add.f32 [tilespmem:s18], [sflag:$0x3], $0x80, s17, s20, $0xb8;
	[tilespmem:$0x1E500] =	vst v63  }
0xbd: {  	s25 =	sor.u32 s30, s28;
	_ =	swait.ge [sflag:s14], $0x4000  }
0xbe: {  	s25 =	sshrl.u32 s25, $0x3;
	[sflag:s14] =	ssyncset.done $0x0  }
0xbf: {  	s25 =	sadd.s32 s7, s25;
	[sflag:s14] =	ssyncadd.s32 $0xFFFFC000  }
0xc0: {  	[tilespmem:s17], [sflag:$0x3] =	stream.linear.gather [hbm4b:s25+s3], $0x80, $0x38;
	[tilespmem:$0x1E500] =	vst v63  }
0xc1: {  	_ =	swait.ge [sflag:s14], $0x80  }
0xc2: {  	[sflag:s14] =	ssyncset.done $0x0  }
0xc3: {  	s31 =	sadd.s32 $0x80, s26;
	[sflag:s14] =	ssyncadd.s32 $0xFFFFFF80  }
0xc4: {  	[tilespmem:s18], [sflag:$0x1] =	stream.indirect.gather [hbm4b:s6+s20], $0x80, s31, s20, $0xb8;
	[tilespmem:$0x1E500] =	vst v63  }
0xc5: {  	_ =	swait.ge [sflag:s23], $0x4000  }
0xc6: {  	[sflag:s23] =	ssyncset.done $0x0  }
0xc7: {  	[sflag:s23] =	ssyncadd.s32 $0xFFFFC000  }
0xc8: {  	[spmem:s2] =	stream.indirect.scatter.add.f32 [tilespmem:s21], [sflag:$0x3], $0x80, s19, s20, $0xb8;
	[tilespmem:$0x1E500] =	vst v63  }
0xc9: {  	_ =	swait.ge [sflag:s14], $0x4000  }
0xca: {  	[sflag:s14] =	ssyncset.done $0x0  }
0xcb: {  	[sflag:s14] =	ssyncadd.s32 $0xFFFFC000  }
0xcc: {  	_ =	swait.ge [sflag:s22], $0x4000  }
0xcd: {  	[sflag:s22] =	ssyncset.done $0x0  }
0xce: {  	[sflag:s22] =	ssyncadd.s32 $0xFFFFC000  }
0xcf: {  	[spmem:s2] =	stream.indirect.scatter.add.f32 [tilespmem:s18], [sflag:$0x3], $0x80, s17, s20, $0xb8;
	[tilespmem:$0x1E500] =	vst v63  }
0xd0: {  	_ =	swait.ge [sflag:s14], $0x4000  }
0xd1: {  	[sflag:s14] =	ssyncset.done $0x0  }
0xd2: {  	s24 =	sadd.s32 $0x1, s24;
	[sflag:s14] =	ssyncadd.s32 $0xFFFFC000  }
0xd3: {  	p0 =	sne.s32 s24, s13;
	[bflag:$0x0] =	sbarrier.arrive $0xFFFF  }
0xd4: {  	[hbm:s12], [sflag:s15] =	dma.local [spmem:s16], $0x2780  }
.Ltmp2:
0xd5: {  	_ =	swait.ge [sflag:s14], $0x2780;
	(pc) =	sbr.rel @p0 .LBB2_1-.Ltmp2, $3  }
0xd6: {  	[sflag:s14] =	ssyncset.done $0x0  }
0xd7: {  	[sflag:s14] =	ssyncadd.s32 $0xFFFFD880  }
0xd8: {  	[bflag:$0x0] =	sbarrier.arrive $0xFFFF;
	_ =	sdelay $0x1  }
0xd9: {  	_ =	sfence.sel $0x180000  }
0xda: {  	[bflag:$0x0] =	sbarrier.arrive $0xFFFF  }
0xdb: {  	p0 =	sne.s32 s0, $0x0;
	_ =	strace $0x9000004A  }
0xdc: {  	s0 =	sadd.s32 @!p0 $0x100000, s1;
	[bflag:$0x2] =	sbarrier.arrive $0xFFFF  }
0xdd: {  	[sflag:s0] =	ssyncadd.tile.s32 @!p0 $0x1;
	_ =	shalt  }
.Lfunc_end2:
_tile_overlayer_lowered:
.L_overlay_start_2:
0xde: {  	(tag) =	ssettag $0x2  }
0xdf: {  	s0 =	rddreg [dreg:$0x0];
	s2 =	stileid.u32  }
0xe0: {  	s1 =	rddreg [dreg:$0x1];
	p0 =	sne.s32 s2, $0x0  }
0xe1: {  	s3 =	rddreg [dreg:$0x2];
	[bflag:$0x3] =	sbarrier.arrive $0xFFFF;
	s2 =	simm.s32 @!p0 $0x1C03  }
0xe2: {  	[timem:s3], [sflag:s2] =	dma.local @!p0 [hbm:s0], s1  }
0xe3: {  	s0 =	simm.s32 @!p0 $0x3  }
0xe4: {  	_ =	swait.ge @!p0 [sflag:s0], s1  }
0xe5: {  	s1 =	ssub.s32 @!p0 $0x0, s1;
	[sflag:s0] =	ssyncset.done @!p0 $0x0  }
0xe6: {  	[sflag:s0] =	ssyncadd.s32 @!p0 s1  }
0xe7: {  	[bflag:$0x3] =	sbarrier.arrive $0xFFFF  }
0xe8: {  	_ =	shalt  }

// kernel: kernel.14.cloned.1.call-start
scs
__scs_entry_jumppad:
0x0: {  	(pc) =	sbr.rel $0x88, $3  }
0x1: {  	(tag) =	ssettag $0x0;
	lr =	simm.s32 $0x1  }
0x2: {  	[smem:$0x3F94] =	sst lr;
	_ =	strace $0xD0000000  }
0x3: {  	_ = 	snop  }
0x4: {  	_ = 	snop  }
0x5: {  	_ = 	snop  }
0x6: {  	_ = 	snop  }
0x7: {  	_ = 	snop  }
__scs_overlays_trampoline_lowered:
0x8: {  	[smem:$0x3FA3] =	sst s0  }
0x9: {  	[smem:$0x3FA4] =	sst s1  }
0xa: {  	[smem:$0x3FA5] =	sst s2  }
0xb: {  	[smem:$0x3FA6] =	sst s3  }
0xc: {  	[smem:$0x3FA7] =	sst s4  }
0xd: {  	[smem:$0x3FA8] =	sst s5  }
0xe: {  	[smem:$0x3FA9] =	sst s6  }
0xf: {  	[smem:$0x3FAA] =	sst s7  }
0x10: {  	[smem:$0x3FAB] =	sst s8  }
0x11: {  	[smem:$0x3FAC] =	sst s9;
	s0 =	simm.s32 @!p0 $0x0  }
0x12: {  	s1 =	sld [smem:$0x3F92];
	s0 =	simm.s32 @p0 $0x1  }
0x13: {  	[smem:$0x3FAD] =	sst s0;
	s0 =	simm.s32 @!p1 $0x0  }
0x14: {  	s2 =	sld [smem:$0x3F91];
	s0 =	simm.s32 @p1 $0x1  }
0x15: {  	[smem:$0x3FAE] =	sst s0;
	s0 =	simm.s32 @!p2 $0x0  }
0x16: {  	s3 =	sld [smem:$0x3FDB];
	s0 =	simm.s32 @p2 $0x1  }
0x17: {  	s4 =	simm.s32 $0x1BF5;
	[smem:$0x3FB0] =	sst s0  }
0x18: {  	s0 =	sld [smem:$0x3F93];
	_ =	swait.ge [sflag:s4], $0x0  }
0x19: {  	s7 =	sld [smem:$0x3F94]  }
0x1a: {  	s8 =	sadd.s32 $0xFFFFE003, lr  }
0x1b: {  	s9 =	sadd.s32 $0xFFFFFEF7, lr;
	s5 =	simm.s32 $0xFFFFFFFF;
	p2 =	slt.u32 s8, $0xFFFFF086  }
0x1c: {  	p1 =	slt.u32 s9, $0xF7A;
	s5 =	simm.s32 @!p2 $0x0  }
0x1d: {  	s5 =	simm.s32 @p1 $0x1;
	p0 =	seq.s32 s7, s2  }
0x1e: {  	s7 =	smul.u32 @!p0 $0xF7A, s2;
	p2 =	seq.s32 @!p0 s5, $0x0  }
0x1f: {  	s9 =	smul.u32 $0xF7A, s1;
	s8 =	simm.s32 @!p0 $0x1BF5;
	p2 =	por !p2, p0  }
0x20: {  	[sflag:s8] =	ssyncset.s32 @!p0 $0xFFFFF086;
	s6 =	sadd.s32 @!p0 s3, s7;
	s7 =	simm.s32 @!p0 $0x108  }
0x21: {  	s3 =	sadd.s32 s3, s9;
	s6 =	sadd.s32 @!p0 $0x88, s6;
	s7 =	simm.s32 @p2 $0x1082  }
0x22: {  	[simem:s7], [sflag:s8] =	dma.local @!p0 [hbm:s6], $0xF7A  }
0x23: {  	s9 =	sor.u32 $0xD0000000, s2;
	s6 =	simm.s32 $0x108;
	_ =	swait.ge @!p0 [sflag:s8], $0x0  }
0x24: {  	s3 =	sadd.s32 $0x88, s3;
	s6 =	simm.s32 @!p1 $0x1082;
	[sflag:s4] =	ssyncset.s32 $0xFFFFF086  }
0x25: {  	[simem:s6], [sflag:s4] =	dma.local [hbm:s3], $0xF7A  }
0x26: {  	[smem:$0x3F94] =	sst s1;
	(tag) =	ssettag s2;
	_ =	strace s9  }
0x27: {  	s1 =	sld [smem:$0x3FA4]  }
0x28: {  	s2 =	sld [smem:$0x3FA5]  }
0x29: {  	s4 =	sld [smem:$0x3FA7]  }
0x2a: {  	p0 =	seq.s32 s5, $0x0;
	s5 =	sld [smem:$0x3FA8]  }
0x2b: {  	s6 =	sld [smem:$0x3FA9]  }
0x2c: {  	s7 =	sld [smem:$0x3FAA]  }
0x2d: {  	s3 =	simm.s32 $0x108;
	s8 =	sld [smem:$0x3FAB]  }
0x2e: {  	s3 =	simm.s32 @!p0 $0x1082;
	s9 =	sld [smem:$0x3FAC]  }
0x2f: {  	lr =	sadd.s32 s0, s3;
	s0 =	sld [smem:$0x3FA3]  }
0x30: {  	s3 =	sld [smem:$0x3FA6]  }
0x31: {  	[smem:$0x3FAF] =	sst s10  }
0x32: {  	s10 =	sld [smem:$0x3FAD];
	_ =	sdelay $0x3  }
0x33: {  	p0 =	seq.s32 s10, $0x1;
	s10 =	sld [smem:$0x3FAF];
	_ =	sdelay $0x3  }
0x34: {  	[smem:$0x3FAF] =	sst s10  }
0x35: {  	s10 =	sld [smem:$0x3FAE];
	_ =	sdelay $0x3  }
0x36: {  	p1 =	seq.s32 s10, $0x1;
	s10 =	sld [smem:$0x3FAF];
	_ =	sdelay $0x3  }
0x37: {  	[smem:$0x3FAF] =	sst s10  }
0x38: {  	s10 =	sld [smem:$0x3FB0]  }
0x39: {  	_ = 	snop;
	(pc) =	sbr.ind lr, $3  }
0x3a: {  	_ = 	snop  }
0x3b: {  	_ = 	snop  }
0x3c: {  	p2 =	seq.s32 s10, $0x1;
	s10 =	sld [smem:$0x3FAF]  }
0x3d: {  	_ =	shalt  }
0x3e: {  	_ =	shalt  }
0x3f: {  	_ =	shalt  }
0x40: {  	_ =	shalt  }
0x41: {  	_ =	shalt  }
0x42: {  	_ =	shalt  }
0x43: {  	_ =	shalt  }
0x44: {  	_ =	shalt  }
0x45: {  	_ =	shalt  }
0x46: {  	_ =	shalt  }
0x47: {  	_ =	shalt  }
0x48: {  	_ =	shalt  }
0x49: {  	_ =	shalt  }
0x4a: {  	_ =	shalt  }
0x4b: {  	_ =	shalt  }
0x4c: {  	_ =	shalt  }
0x4d: {  	_ =	shalt  }
0x4e: {  	_ =	shalt  }
0x4f: {  	_ =	shalt  }
0x50: {  	_ =	shalt  }
0x51: {  	_ =	shalt  }
0x52: {  	_ =	shalt  }
0x53: {  	_ =	shalt  }
0x54: {  	_ =	shalt  }
0x55: {  	_ =	shalt  }
0x56: {  	_ =	shalt  }
0x57: {  	_ =	shalt  }
0x58: {  	_ =	shalt  }
0x59: {  	_ =	shalt  }
0x5a: {  	_ =	shalt  }
0x5b: {  	_ =	shalt  }
0x5c: {  	_ =	shalt  }
0x5d: {  	_ =	shalt  }
0x5e: {  	_ =	shalt  }
0x5f: {  	_ =	shalt  }
0x60: {  	_ =	shalt  }
0x61: {  	_ =	shalt  }
0x62: {  	_ =	shalt  }
0x63: {  	_ =	shalt  }
0x64: {  	_ =	shalt  }
0x65: {  	_ =	shalt  }
0x66: {  	_ =	shalt  }
0x67: {  	_ =	shalt  }
0x68: {  	_ =	shalt  }
0x69: {  	_ =	shalt  }
0x6a: {  	_ =	shalt  }
0x6b: {  	_ =	shalt  }
0x6c: {  	_ =	shalt  }
0x6d: {  	_ =	shalt  }
0x6e: {  	_ =	shalt  }
0x6f: {  	_ =	shalt  }
0x70: {  	_ =	shalt  }
0x71: {  	_ =	shalt  }
0x72: {  	_ =	shalt  }
0x73: {  	_ =	shalt  }
0x74: {  	_ =	shalt  }
0x75: {  	_ =	shalt  }
0x76: {  	_ =	shalt  }
0x77: {  	_ =	shalt  }
0x78: {  	_ =	shalt  }
0x79: {  	_ =	shalt  }
0x7a: {  	_ =	shalt  }
0x7b: {  	_ =	shalt  }
0x7c: {  	_ =	shalt  }
0x7d: {  	_ =	shalt  }
0x7e: {  	_ =	shalt  }
0x7f: {  	_ =	shalt  }
0x80: {  	_ =	shalt  }
0x81: {  	_ =	shalt  }
0x82: {  	_ =	shalt  }
0x83: {  	_ =	shalt  }
0x84: {  	_ =	shalt  }
0x85: {  	_ =	shalt  }
0x86: {  	_ =	shalt  }
0x87: {  	_ =	shalt  }
.Lfunc_end0:
.L_simem_size_0:
called_computation.2_lowered:
.L_overlay_start_0:
0x88: {  	s2 =	sld [smem:$0x3FD9]  }
0x89: {  	s3 =	sld [smem:$0x3FFE];
	_ =	sdelay $0x1  }
0x8a: {  	s1 =	srdreg.scid  }
0x8b: {  	s0 =	sand.u32 $0x1, s1  }
0x8c: {  	s16 =	sshll.u32 s0, $0xA;
	s2 =	sadd.s32 s3, s2  }
0x8d: {  	s2 =	sadd.s32 s2, s16  }
0x8e: {  	[smem:$0x3FBB] =	sst s2  }
0x8f: {  	_ = 	snop  }
0x90: {  	(tm) =	ssettm $0x1  }
0x91: {  	s17 =	sld [smem:$0x3FFB];
	_ =	sdelay $0x3  }
0x92: {  	_ =	strace s17  }
0x93: {  	s2 =	sld [smem:$0x3FFC];
	_ =	sdelay $0x3  }
0x94: {  	_ =	strace s2  }
0x95: {  	s2 =	sld [smem:$0x3FFD];
	_ =	sdelay $0x3  }
0x96: {  	_ =	strace s2  }
0x97: {  	_ =	strace $0x8FFFFFFF  }
0x98: {  	s18 =	sld [smem:$0x3FDB];
	_ =	sdelay $0x1  }
0x99: {  	s19 =	simm.s32 $_scs_section_size  }
0x9a: {  	s4 =	simm.s32 $_size__tile_overlayer_lowered;
	s5 =	simm.s32 $_tile_overlayer_lowered  }
0x9b: {  	s22 =	simm.s32 $0x1BFF;
	s21 =	sshll.u32 s5, $0x1;
	s2 =	sadd.s32 s19, s18  }
0x9c: {  	s6 =	simm.s32 $0x0;
	s20 =	sshll.u32 s4, $0x1;
	s4 =	sadd.s32 s21, s2  }
0x9d: {  	[timem:s6], [sflag:s22] =	dma.local [hbm:s4], s20  }
0x9e: {  	_ =	swait.ge [sflag:s22], s20  }
0x9f: {  	s3 =	ssub.s32 $0x0, s20;
	[sflag:s22] =	ssyncset.done $0x0  }
0xa0: {  	[sflag:s22] =	ssyncadd.s32 s3;
	_ =	sdelay $0x1  }
0xa1: {  	s23 =	simm.s32 $0x1B8B  }
0xa2: {  	_ =	swait.ge [sflag:s23], $0x1  }
0xa3: {  	[sflag:s23] =	ssyncset.done $0x0  }
0xa4: {  	s25 =	simm.s32 $0x1B8E;
	s24 =	sld [smem:$0x3FFE];
	[sflag:s23] =	ssyncadd.s32 $0xFFFFFFFF  }
0xa5: {  	s26 =	simm.s32 $execute0_lowered;
	[smem:$0x3FD2] =	sst s25  }
0xa6: {  	s4 =	sshll.u32 s26, $0x1;
	_ =	strace $0x8000004C;
	[dreg:$0x1] =	wrdreg $0xFFFFFFFF  }
0xa7: {  	s28 =	simm.s32 $_size_execute0_lowered;
	s2 =	sadd.s32 s2, s4;
	[dreg:$0x0] =	wrdreg $0x0  }
0xa8: {  	s4 =	sshll.u32 s28, $0x1;
	[dreg:$0x2] =	wrdreg s2  }
0xa9: {  	[dreg:$0x3] =	wrdreg s4  }
0xaa: {  	[dreg:$0x4] =	wrdreg $0xC0  }
0xab: {  	_ =	task [dreg:s6], $0x5FFFF  }
0xac: {  	[dreg:$0x1] =	wrdreg $0xFFFFFFFF  }
0xad: {  	[dreg:$0x0] =	wrdreg $0x60  }
0xae: {  	[dreg:$0x2] =	wrdreg s24  }
0xaf: {  	[dreg:$0x3] =	wrdreg $0xA9000  }
0xb0: {  	[dreg:$0x4] =	wrdreg $0x9  }
0xb1: {  	_ =	task.clear_ibuf [dreg:s6], $0x5FFFF;
	_ =	strace $0x9000004C  }
0xb2: {  	s29 =	simm.s32 $0x9;
	_ =	strace $0x8000004E  }
0xb3: {  	_ =	swait.ge [sflag:s29], $0x1  }
0xb4: {  	[sflag:s29] =	ssyncadd.s32 $0xFFFFFFFF  }
0xb5: {  	_ =	strace $0x9000004E  }
0xb6: {  	_ =	sfence  }
0xb7: {  	s30 =	sld [smem:$0x0];
	_ =	sdelay $0x2  }
0xb8: {  	s31 =	sshll.u32 s1, $0xD;
	s1 =	sshrl.u32 s1, $0x2  }
0xb9: {  	s3 =	sand.u32 $0x4000, s31;
	s1 =	sadd.s32 s1, s30  }
0xba: {  	s0 =	sor.u32 s3, s0;
	s1 =	sshll.u32 s1, $0x11  }
0xbb: {  	s0 =	sor.u32 s1, s0  }
0xbc: {  	s0 =	sadd.s32 $0x8F2B, s0  }
0xbd: {  	[sflag:s0] =	ssyncadd.remote.s32 $0x1  }
0xbe: {  	_ =	sfence.sel $0xFFFF  }
0xbf: {  	[dreg:$0x0] =	wrdreg $0xFFFFFFFF;
	(pc) =	sbr.abs _section_cstart, $3  }
0xc0: {  	[dreg:$0x1] =	wrdreg $0xFFFFFFFF  }
0xc1: {  	_ =	task.clear_ibuf [dreg:s6], $0x2FFFF;
	_ =	strace $0x9FFFFFFF  }
0xc2: {  	(tm) =	ssettm $0x7FFFFFFF  }
0xc3: {  	_ =	shalt  }
tec
execute0_lowered:
.L_overlay_start_1:
0x0: {  	(tag) =	ssettag $0x1  }
0x1: {  	s9 =	rddreg [dreg:$0x0];
	s1 =	srdreg.scid  }
0x2: {  	s0 =	stileid.u32;
	s2 =	rddreg [dreg:$0x1]  }
0x3: {  	s3 =	simm.s32 $0x0;
	s18 =	simm.s32 $0x2900;
	s19 =	simm.s32 $0x2880  }
0x4: {  	s20 =	simm.s32 $0x80;
	s21 =	simm.s32 $0x6900;
	s22 =	simm.s32 $0x1  }
0x5: {  	s23 =	simm.s32 $0x2;
	s8 =	sand.u32 $0x1, s1;
	s1 =	rddreg [dreg:$0x2]  }
0x6: {  	s24 =	simm.s32 $0x0;
	s4 =	sshll.u32 s0, $0x1;
	[smem:$0x7FF] =	sst s3  }
0x7: {  	s5 =	sadd.s32 $0x69C00, s9;
	s12 =	smul.u32 $0x13C00, s0;
	s6 =	sadd.s32 $0x91400, s9  }
0x8: {  	s7 =	sadd.s32 $0x5FC00, s9;
	s14 =	smul.u32 $0x4F000, s0;
	s31 =	sshll.u32 s0, $0x6  }
0x9: {  	s4 =	sor.u32 s8, s4;
	_ =	strace $0x8000004D;
	s10 =	smul.u32 $0x13C000, s8  }
0xa: {  	s29 =	ssub.s32 $0x2, s8;
	s8 =	sadd.s32 $0xE400, s9;
	s4 =	smul.u32 $0x2800, s4  }
0xb: {  	s15 =	sshrl.u32 s29, $0x1;
	s30 =	sshrl.u32 s14, $0x2;
	s14 =	simm.s32 $0x3  }
0xc: {  	s10 =	sadd.s32 s12, s10;
	s15 =	ssub.s32 s29, s15;
	s11 =	sshrl.u32 s4, $0x3  }
0xd: {  	s17 =	sadd.s32 s30, s2;
	s10 =	sshrl.u32 s10, $0x3;
	s13 =	sadd.s32 s11, s9  }
0xe: {  	s16 =	sadd.s32 s10, s9;
	s10 =	sadd.s32 s7, s11;
	s9 =	sadd.s32 $0x4400, s13  }
0xf: {  	s11 =	sadd.s32 $0xDFE00, s16;
	s12 =	sadd.s32 $0x12EE00, s16;
	s13 =	smax.u32 s15, $0x1  }
0x10: {  	s15 =	sor.u32 $0x1C03, s31;
	s16 =	sshrl.u32 s17, $0x3;
	s17 =	simm.s32 $0x2800  }
.LBB2_1:
0x11: {  	[tilespmem:s3], [sflag:$0x3] =	stream.linear.gather [hbm4b:s9+s3], $0x2780, $0x38;
	[tilespmem:$0x1E500] =	vst v63  }
0x12: {  	_ =	swait.ge [sflag:s14], $0x2780  }
0x13: {  	[sflag:s14] =	ssyncset.done $0x0  }
0x14: {  	[sflag:s14] =	ssyncadd.s32 $0xFFFFD880  }
0x15: {  	[spmem:s16], [sflag:s15] =	dma.local [hbm:s8], $0x2780  }
0x16: {  	_ =	swait.ge [sflag:s14], $0x2780  }
0x17: {  	[sflag:s14] =	ssyncset.done $0x0  }
0x18: {  	s25 =	simm.s32 $0x0;
	[sflag:s14] =	ssyncadd.s32 $0xFFFFD880  }
0x19: {  	s26 =	simm.s32 $0x80;
	s25 =	sand.u32 $0x3C00, s25;
	[bflag:$0x0] =	sbarrier.arrive $0xFFFF  }
0x1a: {  	[tilespmem:s17], [sflag:$0x3] =	stream.linear.gather [hbm4b:s10+s3], $0x80, $0x38;
	[tilespmem:$0x1E500] =	vst v63  }
0x1b: {  	s26 =	sand.u32 $0x380, s26;
	s25 =	sadd.s32 s4, s25;
	_ =	swait.ge [sflag:s14], $0x80  }
0x1c: {  	s25 =	sor.u32 s25, s26;
	[sflag:s14] =	ssyncset.done $0x0  }
0x1d: {  	s25 =	sshrl.u32 s25, $0x3;
	[sflag:s14] =	ssyncadd.s32 $0xFFFFFF80  }
0x1e: {  	[tilespmem:s18], [sflag:$0x1] =	stream.indirect.gather [hbm4b:s5+s20], $0x80, s3, s20, $0xb8;
	[tilespmem:$0x1E500] =	vst v63  }
0x1f: {  	s25 =	sadd.s32 s7, s25  }
0x20: {  	[tilespmem:s19], [sflag:$0x3] =	stream.linear.gather [hbm4b:s25+s3], $0x80, $0x38;
	[tilespmem:$0x1E500] =	vst v63  }
0x21: {  	_ =	swait.ge [sflag:s14], $0x80  }
0x22: {  	[sflag:s14] =	ssyncset.done $0x0  }
0x23: {  	[sflag:s14] =	ssyncadd.s32 $0xFFFFFF80  }
0x24: {  	[tilespmem:s21], [sflag:$0x2] =	stream.indirect.gather [hbm4b:s5+s20], $0x80, s20, s20, $0xb8;
	[tilespmem:$0x1E500] =	vst v63  }
0x25: {  	s31 =	simm.s32 $0x100;
	_ =	swait.ge [sflag:s22], $0x4000  }
0x26: {  	s28 =	sand.u32 $0x7C00, s31;
	[sflag:s22] =	ssyncset.done $0x0  }
0x27: {  	s26 =	sadd.s32 s4, s28;
	s25 =	sand.u32 $0x300, s31;
	[sflag:s22] =	ssyncadd.s32 $0xFFFFC000  }
0x28: {  	[spmem:s2] =	stream.indirect.scatter.add.f32 [tilespmem:s18], [sflag:$0x3], $0x80, s17, s20, $0xb8;
	[tilespmem:$0x1E500] =	vst v63  }
0x29: {  	s25 =	sor.u32 s25, s26;
	_ =	swait.ge [sflag:s14], $0x4000  }
0x2a: {  	s25 =	sshrl.u32 s25, $0x3;
	[sflag:s14] =	ssyncset.done $0x0  }
0x2b: {  	s25 =	sadd.s32 s7, s25;
	[sflag:s14] =	ssyncadd.s32 $0xFFFFC000  }
0x2c: {  	[tilespmem:s17], [sflag:$0x3] =	stream.linear.gather [hbm4b:s25+s3], $0x80, $0x38;
	[tilespmem:$0x1E500] =	vst v63  }
0x2d: {  	s30 =	simm.s32 $0x180;
	s31 =	simm.s32 $0x100;
	_ =	swait.ge [sflag:s14], $0x80  }
0x2e: {  	s28 =	simm.s32 $0x100;
	s26 =	sand.u32 $0x3C00, s31;
	[sflag:s14] =	ssyncset.done $0x0  }
0x2f: {  	s31 =	sand.u32 $0x380, s30;
	s26 =	sadd.s32 s4, s26;
	[sflag:s14] =	ssyncadd.s32 $0xFFFFFF80  }
0x30: {  	[tilespmem:s18], [sflag:$0x1] =	stream.indirect.gather [hbm4b:s5+s20], $0x80, s28, s20, $0xb8;
	[tilespmem:$0x1E500] =	vst v63  }
0x31: {  	s29 =	simm.s32 $0x300;
	s30 =	sor.u32 s26, s31;
	_ =	swait.ge [sflag:s23], $0x4000  }
0x32: {  	s26 =	simm.s32 $0x180;
	s25 =	simm.s32 $0x200;
	[sflag:s23] =	ssyncset.done $0x0  }
.LBB2_2:
0x33: {  	s30 =	sshrl.u32 s30, $0x3  }
0x34: {  	[sflag:s23] =	ssyncadd.s32 $0xFFFFC000;
	s31 =	smov.u32 s29;
	s28 =	sadd.s32 $0x100, s29  }
0x35: {  	[spmem:s2] =	stream.indirect.scatter.add.f32 [tilespmem:s21], [sflag:$0x3], $0x80, s19, s20, $0xb8;
	[tilespmem:$0x1E500] =	vst v63  }
0x36: {  	p0 =	sne.s32 s29, $0x2700;
	_ =	swait.ge [sflag:s14], $0x4000  }
0x37: {  	[sflag:s14] =	ssyncset.done $0x0  }
0x38: {  	s29 =	sadd.s32 s7, s30;
	[sflag:s14] =	ssyncadd.s32 $0xFFFFC000  }
0x39: {  	[tilespmem:s19], [sflag:$0x3] =	stream.linear.gather [hbm4b:s29+s3], $0x80, $0x38;
	[tilespmem:$0x1E500] =	vst v63  }
0x3a: {  	_ =	swait.ge [sflag:s14], $0x80  }
0x3b: {  	[sflag:s14] =	ssyncset.done $0x0  }
0x3c: {  	[sflag:s14] =	ssyncadd.s32 $0xFFFFFF80  }
0x3d: {  	[tilespmem:s21], [sflag:$0x2] =	stream.indirect.gather [hbm4b:s5+s20], $0x80, s26, s20, $0xb8;
	[tilespmem:$0x1E500] =	vst v63  }
0x3e: {  	_ =	swait.ge [sflag:s22], $0x4000  }
0x3f: {  	[sflag:s22] =	ssyncset.done $0x0  }
0x40: {  	s29 =	sand.u32 $0x7C00, s25;
	[sflag:s22] =	ssyncadd.s32 $0xFFFFC000  }
0x41: {  	[spmem:s2] =	stream.indirect.scatter.add.f32 [tilespmem:s18], [sflag:$0x3], $0x80, s17, s20, $0xb8;
	[tilespmem:$0x1E500] =	vst v63  }
0x42: {  	s25 =	sand.u32 $0x300, s25;
	s29 =	sadd.s32 s4, s29;
	_ =	swait.ge [sflag:s14], $0x4000  }
0x43: {  	s29 =	sor.u32 s25, s29;
	s25 =	smov.u32 s31;
	[sflag:s14] =	ssyncset.done $0x0  }
0x44: {  	s29 =	sshrl.u32 s29, $0x3;
	[sflag:s14] =	ssyncadd.s32 $0xFFFFC000  }
0x45: {  	s29 =	sadd.s32 s7, s29  }
0x46: {  	[tilespmem:s17], [sflag:$0x3] =	stream.linear.gather [hbm4b:s29+s3], $0x80, $0x38;
	[tilespmem:$0x1E500] =	vst v63  }
0x47: {  	s30 =	sadd.s32 $0x80, s26;
	s31 =	sadd.s32 $0xFFFFFF80, s25;
	_ =	swait.ge [sflag:s14], $0x80  }
.Ltmp0:
0x48: {  	s29 =	sadd.s32 $0xFFFFFF00, s25;
	[sflag:s14] =	ssyncset.done $0x0;
	(pc) =	sbr.rel @p0 .LBB2_2-.Ltmp0, $4  }
0x49: {  	s26 =	sadd.s32 $0x100, s26;
	s29 =	sand.u32 $0x3C00, s29;
	[sflag:s14] =	ssyncadd.s32 $0xFFFFFF80  }
0x4a: {  	[tilespmem:s18], [sflag:$0x1] =	stream.indirect.gather [hbm4b:s5+s20], $0x80, s30, s20, $0xb8;
	[tilespmem:$0x1E500] =	vst v63  }
0x4b: {  	s29 =	sadd.s32 s4, s29;
	s30 =	sand.u32 $0x380, s31;
	_ =	swait.ge [sflag:s23], $0x4000  }
0x4c: {  	s30 =	sor.u32 s29, s30;
	s29 =	smov.u32 s28;
	[sflag:s23] =	ssyncset.done $0x0  }
0x4d: {  	[sflag:s23] =	ssyncadd.s32 $0xFFFFC000  }
0x4e: {  	[spmem:s2] =	stream.indirect.scatter.add.f32 [tilespmem:s21], [sflag:$0x3], $0x80, s19, s20, $0xb8;
	[tilespmem:$0x1E500] =	vst v63  }
0x4f: {  	_ =	swait.ge [sflag:s14], $0x4000  }
0x50: {  	s28 =	sshrl.u32 s30, $0x3;
	[sflag:s14] =	ssyncset.done $0x0  }
0x51: {  	s28 =	sadd.s32 s7, s28;
	[sflag:s14] =	ssyncadd.s32 $0xFFFFC000  }
0x52: {  	[tilespmem:s19], [sflag:$0x3] =	stream.linear.gather [hbm4b:s28+s3], $0x80, $0x38;
	[tilespmem:$0x1E500] =	vst v63  }
0x53: {  	_ =	swait.ge [sflag:s14], $0x80  }
0x54: {  	[sflag:s14] =	ssyncset.done $0x0  }
0x55: {  	[sflag:s14] =	ssyncadd.s32 $0xFFFFFF80  }
0x56: {  	[tilespmem:s21], [sflag:$0x2] =	stream.indirect.gather [hbm4b:s5+s20], $0x80, s26, s20, $0xb8;
	[tilespmem:$0x1E500] =	vst v63  }
0x57: {  	_ =	swait.ge [sflag:s22], $0x4000  }
0x58: {  	s31 =	sand.u32 $0x7C00, s25;
	[sflag:s22] =	ssyncset.done $0x0  }
0x59: {  	s28 =	sadd.s32 s4, s31;
	s31 =	sand.u32 $0x300, s25;
	[sflag:s22] =	ssyncadd.s32 $0xFFFFC000  }
0x5a: {  	[spmem:s2] =	stream.indirect.scatter.add.f32 [tilespmem:s18], [sflag:$0x3], $0x80, s17, s20, $0xb8;
	[tilespmem:$0x1E500] =	vst v63  }
0x5b: {  	s25 =	sor.u32 s31, s28;
	_ =	swait.ge [sflag:s14], $0x4000  }
0x5c: {  	s25 =	sshrl.u32 s25, $0x3;
	[sflag:s14] =	ssyncset.done $0x0  }
0x5d: {  	s25 =	sadd.s32 s7, s25;
	[sflag:s14] =	ssyncadd.s32 $0xFFFFC000  }
0x5e: {  	[tilespmem:s17], [sflag:$0x3] =	stream.linear.gather [hbm4b:s25+s3], $0x80, $0x38;
	[tilespmem:$0x1E500] =	vst v63  }
0x5f: {  	_ =	swait.ge [sflag:s14], $0x80  }
0x60: {  	[sflag:s14] =	ssyncset.done $0x0  }
0x61: {  	s26 =	sadd.s32 $0x80, s26;
	[sflag:s14] =	ssyncadd.s32 $0xFFFFFF80  }
0x62: {  	[tilespmem:s18], [sflag:$0x1] =	stream.indirect.gather [hbm4b:s5+s20], $0x80, s26, s20, $0xb8;
	[tilespmem:$0x1E500] =	vst v63  }
0x63: {  	_ =	swait.ge [sflag:s23], $0x4000  }
0x64: {  	[sflag:s23] =	ssyncset.done $0x0  }
0x65: {  	[sflag:s23] =	ssyncadd.s32 $0xFFFFC000  }
0x66: {  	[spmem:s2] =	stream.indirect.scatter.add.f32 [tilespmem:s21], [sflag:$0x3], $0x80, s19, s20, $0xb8;
	[tilespmem:$0x1E500] =	vst v63  }
0x67: {  	_ =	swait.ge [sflag:s14], $0x4000  }
0x68: {  	[sflag:s14] =	ssyncset.done $0x0  }
0x69: {  	[sflag:s14] =	ssyncadd.s32 $0xFFFFC000  }
0x6a: {  	_ =	swait.ge [sflag:s22], $0x4000  }
0x6b: {  	[sflag:s22] =	ssyncset.done $0x0  }
0x6c: {  	s25 =	simm.s32 $0x80;
	[sflag:s22] =	ssyncadd.s32 $0xFFFFC000  }
0x6d: {  	[spmem:s2] =	stream.indirect.scatter.add.f32 [tilespmem:s18], [sflag:$0x3], $0x80, s17, s25, $0xb8;
	[tilespmem:$0x1E500] =	vst v63  }
0x6e: {  	_ =	swait.ge [sflag:s14], $0x4000  }
0x6f: {  	[sflag:s14] =	ssyncset.done $0x0  }
0x70: {  	[sflag:s14] =	ssyncadd.s32 $0xFFFFC000  }
0x71: {  	[bflag:$0x0] =	sbarrier.arrive $0xFFFF  }
0x72: {  	[hbm:s11], [sflag:s15] =	dma.local [spmem:s16], $0x2780  }
0x73: {  	_ =	swait.ge [sflag:s14], $0x2780  }
0x74: {  	[sflag:s14] =	ssyncset.done $0x0  }
0x75: {  	[sflag:s14] =	ssyncadd.s32 $0xFFFFD880  }
0x76: {  	[bflag:$0x0] =	sbarrier.arrive $0xFFFF  }
0x77: {  	[spmem:s16], [sflag:s15] =	dma.local [hbm:s8], $0x2780  }
0x78: {  	_ =	swait.ge [sflag:s14], $0x2780  }
0x79: {  	[sflag:s14] =	ssyncset.done $0x0  }
0x7a: {  	s28 =	simm.s32 $0x0;
	[sflag:s14] =	ssyncadd.s32 $0xFFFFD880  }
0x7b: {  	s31 =	simm.s32 $0x80;
	s26 =	sand.u32 $0x3C00, s28;
	[bflag:$0x0] =	sbarrier.arrive $0xFFFF  }
0x7c: {  	[tilespmem:s17], [sflag:$0x3] =	stream.linear.gather [hbm4b:s10+s3], $0x80, $0x38;
	[tilespmem:$0x1E500] =	vst v63  }
0x7d: {  	s28 =	sand.u32 $0x380, s31;
	s26 =	sadd.s32 s4, s26;
	_ =	swait.ge [sflag:s14], $0x80  }
0x7e: {  	s26 =	sor.u32 s26, s28;
	[sflag:s14] =	ssyncset.done $0x0  }
0x7f: {  	s26 =	sshrl.u32 s26, $0x3;
	[sflag:s14] =	ssyncadd.s32 $0xFFFFFF80  }
0x80: {  	[tilespmem:s18], [sflag:$0x1] =	stream.indirect.gather [hbm4b:s6+s25], $0x80, s3, s25, $0xb8;
	[tilespmem:$0x1E500] =	vst v63  }
0x81: {  	s26 =	sadd.s32 s7, s26  }
0x82: {  	[tilespmem:s19], [sflag:$0x3] =	stream.linear.gather [hbm4b:s26+s3], $0x80, $0x38;
	[tilespmem:$0x1E500] =	vst v63  }
0x83: {  	_ =	swait.ge [sflag:s14], $0x80  }
0x84: {  	[sflag:s14] =	ssyncset.done $0x0  }
0x85: {  	[sflag:s14] =	ssyncadd.s32 $0xFFFFFF80  }
0x86: {  	[tilespmem:s21], [sflag:$0x2] =	stream.indirect.gather [hbm4b:s6+s20], $0x80, s25, s20, $0xb8;
	[tilespmem:$0x1E500] =	vst v63  }
0x87: {  	s31 =	simm.s32 $0x100;
	_ =	swait.ge [sflag:s22], $0x4000  }
0x88: {  	s28 =	sand.u32 $0x7C00, s31;
	[sflag:s22] =	ssyncset.done $0x0  }
0x89: {  	s26 =	sadd.s32 s4, s28;
	s25 =	sand.u32 $0x300, s31;
	[sflag:s22] =	ssyncadd.s32 $0xFFFFC000  }
0x8a: {  	[spmem:s2] =	stream.indirect.scatter.add.f32 [tilespmem:s18], [sflag:$0x3], $0x80, s17, s20, $0xb8;
	[tilespmem:$0x1E500] =	vst v63  }
0x8b: {  	s25 =	sor.u32 s25, s26;
	_ =	swait.ge [sflag:s14], $0x4000  }
0x8c: {  	s25 =	sshrl.u32 s25, $0x3;
	[sflag:s14] =	ssyncset.done $0x0  }
0x8d: {  	s25 =	sadd.s32 s7, s25;
	[sflag:s14] =	ssyncadd.s32 $0xFFFFC000  }
0x8e: {  	[tilespmem:s17], [sflag:$0x3] =	stream.linear.gather [hbm4b:s25+s3], $0x80, $0x38;
	[tilespmem:$0x1E500] =	vst v63  }
0x8f: {  	s29 =	simm.s32 $0x300;
	s26 =	simm.s32 $0x100;
	_ =	swait.ge [sflag:s14], $0x80  }
0x90: {  	s30 =	simm.s32 $0x180;
	s26 =	sand.u32 $0x3C00, s26;
	[sflag:s14] =	ssyncset.done $0x0  }
0x91: {  	s31 =	simm.s32 $0x100;
	s26 =	sadd.s32 s4, s26;
	[sflag:s14] =	ssyncadd.s32 $0xFFFFFF80  }
0x92: {  	[tilespmem:s18], [sflag:$0x1] =	stream.indirect.gather [hbm4b:s6+s20], $0x80, s31, s20, $0xb8;
	[tilespmem:$0x1E500] =	vst v63  }
0x93: {  	s25 =	simm.s32 $0x200;
	s31 =	sand.u32 $0x380, s30;
	_ =	swait.ge [sflag:s23], $0x4000  }
0x94: {  	s30 =	sor.u32 s26, s31;
	s26 =	simm.s32 $0x180;
	[sflag:s23] =	ssyncset.done $0x0  }
.LBB2_4:
0x95: {  	s30 =	sshrl.u32 s30, $0x3  }
0x96: {  	[sflag:s23] =	ssyncadd.s32 $0xFFFFC000;
	s31 =	smov.u32 s29;
	s28 =	sadd.s32 $0x100, s29  }
0x97: {  	[spmem:s2] =	stream.indirect.scatter.add.f32 [tilespmem:s21], [sflag:$0x3], $0x80, s19, s20, $0xb8;
	[tilespmem:$0x1E500] =	vst v63  }
0x98: {  	p0 =	sne.s32 s29, $0x2700;
	_ =	swait.ge [sflag:s14], $0x4000  }
0x99: {  	[sflag:s14] =	ssyncset.done $0x0  }
0x9a: {  	s29 =	sadd.s32 s7, s30;
	[sflag:s14] =	ssyncadd.s32 $0xFFFFC000  }
0x9b: {  	[tilespmem:s19], [sflag:$0x3] =	stream.linear.gather [hbm4b:s29+s3], $0x80, $0x38;
	[tilespmem:$0x1E500] =	vst v63  }
0x9c: {  	_ =	swait.ge [sflag:s14], $0x80  }
0x9d: {  	[sflag:s14] =	ssyncset.done $0x0  }
0x9e: {  	[sflag:s14] =	ssyncadd.s32 $0xFFFFFF80  }
0x9f: {  	[tilespmem:s21], [sflag:$0x2] =	stream.indirect.gather [hbm4b:s6+s20], $0x80, s26, s20, $0xb8;
	[tilespmem:$0x1E500] =	vst v63  }
0xa0: {  	_ =	swait.ge [sflag:s22], $0x4000  }
0xa1: {  	[sflag:s22] =	ssyncset.done $0x0  }
0xa2: {  	s29 =	sand.u32 $0x7C00, s25;
	[sflag:s22] =	ssyncadd.s32 $0xFFFFC000  }
0xa3: {  	[spmem:s2] =	stream.indirect.scatter.add.f32 [tilespmem:s18], [sflag:$0x3], $0x80, s17, s20, $0xb8;
	[tilespmem:$0x1E500] =	vst v63  }
0xa4: {  	s25 =	sand.u32 $0x300, s25;
	s29 =	sadd.s32 s4, s29;
	_ =	swait.ge [sflag:s14], $0x4000  }
0xa5: {  	s29 =	sor.u32 s25, s29;
	s25 =	smov.u32 s31;
	[sflag:s14] =	ssyncset.done $0x0  }
0xa6: {  	s29 =	sshrl.u32 s29, $0x3;
	[sflag:s14] =	ssyncadd.s32 $0xFFFFC000  }
0xa7: {  	s29 =	sadd.s32 s7, s29  }
0xa8: {  	[tilespmem:s17], [sflag:$0x3] =	stream.linear.gather [hbm4b:s29+s3], $0x80, $0x38;
	[tilespmem:$0x1E500] =	vst v63  }
0xa9: {  	s30 =	sadd.s32 $0x80, s26;
	s31 =	sadd.s32 $0xFFFFFF80, s25;
	_ =	swait.ge [sflag:s14], $0x80  }
.Ltmp1:
0xaa: {  	s29 =	sadd.s32 $0xFFFFFF00, s25;
	[sflag:s14] =	ssyncset.done $0x0;
	(pc) =	sbr.rel @p0 .LBB2_4-.Ltmp1, $4  }
0xab: {  	s26 =	sadd.s32 $0x100, s26;
	s29 =	sand.u32 $0x3C00, s29;
	[sflag:s14] =	ssyncadd.s32 $0xFFFFFF80  }
0xac: {  	[tilespmem:s18], [sflag:$0x1] =	stream.indirect.gather [hbm4b:s6+s20], $0x80, s30, s20, $0xb8;
	[tilespmem:$0x1E500] =	vst v63  }
0xad: {  	s29 =	sadd.s32 s4, s29;
	s30 =	sand.u32 $0x380, s31;
	_ =	swait.ge [sflag:s23], $0x4000  }
0xae: {  	s30 =	sor.u32 s29, s30;
	s29 =	smov.u32 s28;
	[sflag:s23] =	ssyncset.done $0x0  }
0xaf: {  	[sflag:s23] =	ssyncadd.s32 $0xFFFFC000  }
0xb0: {  	[spmem:s2] =	stream.indirect.scatter.add.f32 [tilespmem:s21], [sflag:$0x3], $0x80, s19, s20, $0xb8;
	[tilespmem:$0x1E500] =	vst v63  }
0xb1: {  	_ =	swait.ge [sflag:s14], $0x4000  }
0xb2: {  	s28 =	sshrl.u32 s30, $0x3;
	[sflag:s14] =	ssyncset.done $0x0  }
0xb3: {  	s28 =	sadd.s32 s7, s28;
	[sflag:s14] =	ssyncadd.s32 $0xFFFFC000  }
0xb4: {  	[tilespmem:s19], [sflag:$0x3] =	stream.linear.gather [hbm4b:s28+s3], $0x80, $0x38;
	[tilespmem:$0x1E500] =	vst v63  }
0xb5: {  	_ =	swait.ge [sflag:s14], $0x80  }
0xb6: {  	[sflag:s14] =	ssyncset.done $0x0  }
0xb7: {  	[sflag:s14] =	ssyncadd.s32 $0xFFFFFF80  }
0xb8: {  	[tilespmem:s21], [sflag:$0x2] =	stream.indirect.gather [hbm4b:s6+s20], $0x80, s26, s20, $0xb8;
	[tilespmem:$0x1E500] =	vst v63  }
0xb9: {  	_ =	swait.ge [sflag:s22], $0x4000  }
0xba: {  	s29 =	sand.u32 $0x7C00, s25;
	[sflag:s22] =	ssyncset.done $0x0  }
0xbb: {  	s30 =	sand.u32 $0x300, s25;
	s28 =	sadd.s32 s4, s29;
	[sflag:s22] =	ssyncadd.s32 $0xFFFFC000  }
0xbc: {  	[spmem:s2] =	stream.indirect.scatter.add.f32 [tilespmem:s18], [sflag:$0x3], $0x80, s17, s20, $0xb8;
	[tilespmem:$0x1E500] =	vst v63  }
0xbd: {  	s25 =	sor.u32 s30, s28;
	_ =	swait.ge [sflag:s14], $0x4000  }
0xbe: {  	s25 =	sshrl.u32 s25, $0x3;
	[sflag:s14] =	ssyncset.done $0x0  }
0xbf: {  	s25 =	sadd.s32 s7, s25;
	[sflag:s14] =	ssyncadd.s32 $0xFFFFC000  }
0xc0: {  	[tilespmem:s17], [sflag:$0x3] =	stream.linear.gather [hbm4b:s25+s3], $0x80, $0x38;
	[tilespmem:$0x1E500] =	vst v63  }
0xc1: {  	_ =	swait.ge [sflag:s14], $0x80  }
0xc2: {  	[sflag:s14] =	ssyncset.done $0x0  }
0xc3: {  	s31 =	sadd.s32 $0x80, s26;
	[sflag:s14] =	ssyncadd.s32 $0xFFFFFF80  }
0xc4: {  	[tilespmem:s18], [sflag:$0x1] =	stream.indirect.gather [hbm4b:s6+s20], $0x80, s31, s20, $0xb8;
	[tilespmem:$0x1E500] =	vst v63  }
0xc5: {  	_ =	swait.ge [sflag:s23], $0x4000  }
0xc6: {  	[sflag:s23] =	ssyncset.done $0x0  }
0xc7: {  	[sflag:s23] =	ssyncadd.s32 $0xFFFFC000  }
0xc8: {  	[spmem:s2] =	stream.indirect.scatter.add.f32 [tilespmem:s21], [sflag:$0x3], $0x80, s19, s20, $0xb8;
	[tilespmem:$0x1E500] =	vst v63  }
0xc9: {  	_ =	swait.ge [sflag:s14], $0x4000  }
0xca: {  	[sflag:s14] =	ssyncset.done $0x0  }
0xcb: {  	[sflag:s14] =	ssyncadd.s32 $0xFFFFC000  }
0xcc: {  	_ =	swait.ge [sflag:s22], $0x4000  }
0xcd: {  	[sflag:s22] =	ssyncset.done $0x0  }
0xce: {  	[sflag:s22] =	ssyncadd.s32 $0xFFFFC000  }
0xcf: {  	[spmem:s2] =	stream.indirect.scatter.add.f32 [tilespmem:s18], [sflag:$0x3], $0x80, s17, s20, $0xb8;
	[tilespmem:$0x1E500] =	vst v63  }
0xd0: {  	_ =	swait.ge [sflag:s14], $0x4000  }
0xd1: {  	[sflag:s14] =	ssyncset.done $0x0  }
0xd2: {  	s24 =	sadd.s32 $0x1, s24;
	[sflag:s14] =	ssyncadd.s32 $0xFFFFC000  }
0xd3: {  	p0 =	sne.s32 s24, s13;
	[bflag:$0x0] =	sbarrier.arrive $0xFFFF  }
0xd4: {  	[hbm:s12], [sflag:s15] =	dma.local [spmem:s16], $0x2780  }
.Ltmp2:
0xd5: {  	_ =	swait.ge [sflag:s14], $0x2780;
	(pc) =	sbr.rel @p0 .LBB2_1-.Ltmp2, $3  }
0xd6: {  	[sflag:s14] =	ssyncset.done $0x0  }
0xd7: {  	[sflag:s14] =	ssyncadd.s32 $0xFFFFD880  }
0xd8: {  	[bflag:$0x0] =	sbarrier.arrive $0xFFFF;
	_ =	sdelay $0x1  }
0xd9: {  	_ =	sfence.sel $0x180000  }
0xda: {  	[bflag:$0x0] =	sbarrier.arrive $0xFFFF  }
0xdb: {  	p0 =	sne.s32 s0, $0x0;
	_ =	strace $0x9000004D  }
0xdc: {  	s0 =	sadd.s32 @!p0 $0x100000, s1;
	[bflag:$0x2] =	sbarrier.arrive $0xFFFF  }
0xdd: {  	[sflag:s0] =	ssyncadd.tile.s32 @!p0 $0x1;
	_ =	shalt  }
.Lfunc_end2:
_tile_overlayer_lowered:
.L_overlay_start_2:
0xde: {  	(tag) =	ssettag $0x2  }
0xdf: {  	s0 =	rddreg [dreg:$0x0];
	s2 =	stileid.u32  }
0xe0: {  	s1 =	rddreg [dreg:$0x1];
	p0 =	sne.s32 s2, $0x0  }
0xe1: {  	s3 =	rddreg [dreg:$0x2];
	[bflag:$0x3] =	sbarrier.arrive $0xFFFF;
	s2 =	simm.s32 @!p0 $0x1C03  }
0xe2: {  	[timem:s3], [sflag:s2] =	dma.local @!p0 [hbm:s0], s1  }
0xe3: {  	s0 =	simm.s32 @!p0 $0x3  }
0xe4: {  	_ =	swait.ge @!p0 [sflag:s0], s1  }
0xe5: {  	s1 =	ssub.s32 @!p0 $0x0, s1;
	[sflag:s0] =	ssyncset.done @!p0 $0x0  }
0xe6: {  	[sflag:s0] =	ssyncadd.s32 @!p0 s1  }
0xe7: {  	[bflag:$0x3] =	sbarrier.arrive $0xFFFF  }
0xe8: {  	_ =	shalt  }

// kernel: kernel.8.cloned.1.call-start
scs
__scs_entry_jumppad:
0x0: {  	(pc) =	sbr.rel $0x88, $3  }
0x1: {  	(tag) =	ssettag $0x0;
	lr =	simm.s32 $0x1  }
0x2: {  	[smem:$0x3F94] =	sst lr;
	_ =	strace $0xD0000000  }
0x3: {  	_ = 	snop  }
0x4: {  	_ = 	snop  }
0x5: {  	_ = 	snop  }
0x6: {  	_ = 	snop  }
0x7: {  	_ = 	snop  }
__scs_overlays_trampoline_lowered:
0x8: {  	[smem:$0x3FA3] =	sst s0  }
0x9: {  	[smem:$0x3FA4] =	sst s1  }
0xa: {  	[smem:$0x3FA5] =	sst s2  }
0xb: {  	[smem:$0x3FA6] =	sst s3  }
0xc: {  	[smem:$0x3FA7] =	sst s4  }
0xd: {  	[smem:$0x3FA8] =	sst s5  }
0xe: {  	[smem:$0x3FA9] =	sst s6  }
0xf: {  	[smem:$0x3FAA] =	sst s7  }
0x10: {  	[smem:$0x3FAB] =	sst s8  }
0x11: {  	[smem:$0x3FAC] =	sst s9;
	s0 =	simm.s32 @!p0 $0x0  }
0x12: {  	s1 =	sld [smem:$0x3F92];
	s0 =	simm.s32 @p0 $0x1  }
0x13: {  	[smem:$0x3FAD] =	sst s0;
	s0 =	simm.s32 @!p1 $0x0  }
0x14: {  	s2 =	sld [smem:$0x3F91];
	s0 =	simm.s32 @p1 $0x1  }
0x15: {  	[smem:$0x3FAE] =	sst s0;
	s0 =	simm.s32 @!p2 $0x0  }
0x16: {  	s3 =	sld [smem:$0x3FDB];
	s0 =	simm.s32 @p2 $0x1  }
0x17: {  	s4 =	simm.s32 $0x1BF5;
	[smem:$0x3FB0] =	sst s0  }
0x18: {  	s0 =	sld [smem:$0x3F93];
	_ =	swait.ge [sflag:s4], $0x0  }
0x19: {  	s7 =	sld [smem:$0x3F94]  }
0x1a: {  	s8 =	sadd.s32 $0xFFFFE003, lr  }
0x1b: {  	s9 =	sadd.s32 $0xFFFFFEF7, lr;
	s5 =	simm.s32 $0xFFFFFFFF;
	p2 =	slt.u32 s8, $0xFFFFF086  }
0x1c: {  	p1 =	slt.u32 s9, $0xF7A;
	s5 =	simm.s32 @!p2 $0x0  }
0x1d: {  	s5 =	simm.s32 @p1 $0x1;
	p0 =	seq.s32 s7, s2  }
0x1e: {  	s7 =	smul.u32 @!p0 $0xF7A, s2;
	p2 =	seq.s32 @!p0 s5, $0x0  }
0x1f: {  	s9 =	smul.u32 $0xF7A, s1;
	s8 =	simm.s32 @!p0 $0x1BF5;
	p2 =	por !p2, p0  }
0x20: {  	[sflag:s8] =	ssyncset.s32 @!p0 $0xFFFFF086;
	s6 =	sadd.s32 @!p0 s3, s7;
	s7 =	simm.s32 @!p0 $0x108  }
0x21: {  	s3 =	sadd.s32 s3, s9;
	s6 =	sadd.s32 @!p0 $0x88, s6;
	s7 =	simm.s32 @p2 $0x1082  }
0x22: {  	[simem:s7], [sflag:s8] =	dma.local @!p0 [hbm:s6], $0xF7A  }
0x23: {  	s9 =	sor.u32 $0xD0000000, s2;
	s6 =	simm.s32 $0x108;
	_ =	swait.ge @!p0 [sflag:s8], $0x0  }
0x24: {  	s3 =	sadd.s32 $0x88, s3;
	s6 =	simm.s32 @!p1 $0x1082;
	[sflag:s4] =	ssyncset.s32 $0xFFFFF086  }
0x25: {  	[simem:s6], [sflag:s4] =	dma.local [hbm:s3], $0xF7A  }
0x26: {  	[smem:$0x3F94] =	sst s1;
	(tag) =	ssettag s2;
	_ =	strace s9  }
0x27: {  	s1 =	sld [smem:$0x3FA4]  }
0x28: {  	s2 =	sld [smem:$0x3FA5]  }
0x29: {  	s4 =	sld [smem:$0x3FA7]  }
0x2a: {  	p0 =	seq.s32 s5, $0x0;
	s5 =	sld [smem:$0x3FA8]  }
0x2b: {  	s6 =	sld [smem:$0x3FA9]  }
0x2c: {  	s7 =	sld [smem:$0x3FAA]  }
0x2d: {  	s3 =	simm.s32 $0x108;
	s8 =	sld [smem:$0x3FAB]  }
0x2e: {  	s3 =	simm.s32 @!p0 $0x1082;
	s9 =	sld [smem:$0x3FAC]  }
0x2f: {  	lr =	sadd.s32 s0, s3;
	s0 =	sld [smem:$0x3FA3]  }
0x30: {  	s3 =	sld [smem:$0x3FA6]  }
0x31: {  	[smem:$0x3FAF] =	sst s10  }
0x32: {  	s10 =	sld [smem:$0x3FAD];
	_ =	sdelay $0x3  }
0x33: {  	p0 =	seq.s32 s10, $0x1;
	s10 =	sld [smem:$0x3FAF];
	_ =	sdelay $0x3  }
0x34: {  	[smem:$0x3FAF] =	sst s10  }
0x35: {  	s10 =	sld [smem:$0x3FAE];
	_ =	sdelay $0x3  }
0x36: {  	p1 =	seq.s32 s10, $0x1;
	s10 =	sld [smem:$0x3FAF];
	_ =	sdelay $0x3  }
0x37: {  	[smem:$0x3FAF] =	sst s10  }
0x38: {  	s10 =	sld [smem:$0x3FB0]  }
0x39: {  	_ = 	snop;
	(pc) =	sbr.ind lr, $3  }
0x3a: {  	_ = 	snop  }
0x3b: {  	_ = 	snop  }
0x3c: {  	p2 =	seq.s32 s10, $0x1;
	s10 =	sld [smem:$0x3FAF]  }
0x3d: {  	_ =	shalt  }
0x3e: {  	_ =	shalt  }
0x3f: {  	_ =	shalt  }
0x40: {  	_ =	shalt  }
0x41: {  	_ =	shalt  }
0x42: {  	_ =	shalt  }
0x43: {  	_ =	shalt  }
0x44: {  	_ =	shalt  }
0x45: {  	_ =	shalt  }
0x46: {  	_ =	shalt  }
0x47: {  	_ =	shalt  }
0x48: {  	_ =	shalt  }
0x49: {  	_ =	shalt  }
0x4a: {  	_ =	shalt  }
0x4b: {  	_ =	shalt  }
0x4c: {  	_ =	shalt  }
0x4d: {  	_ =	shalt  }
0x4e: {  	_ =	shalt  }
0x4f: {  	_ =	shalt  }
0x50: {  	_ =	shalt  }
0x51: {  	_ =	shalt  }
0x52: {  	_ =	shalt  }
0x53: {  	_ =	shalt  }
0x54: {  	_ =	shalt  }
0x55: {  	_ =	shalt  }
0x56: {  	_ =	shalt  }
0x57: {  	_ =	shalt  }
0x58: {  	_ =	shalt  }
0x59: {  	_ =	shalt  }
0x5a: {  	_ =	shalt  }
0x5b: {  	_ =	shalt  }
0x5c: {  	_ =	shalt  }
0x5d: {  	_ =	shalt  }
0x5e: {  	_ =	shalt  }
0x5f: {  	_ =	shalt  }
0x60: {  	_ =	shalt  }
0x61: {  	_ =	shalt  }
0x62: {  	_ =	shalt  }
0x63: {  	_ =	shalt  }
0x64: {  	_ =	shalt  }
0x65: {  	_ =	shalt  }
0x66: {  	_ =	shalt  }
0x67: {  	_ =	shalt  }
0x68: {  	_ =	shalt  }
0x69: {  	_ =	shalt  }
0x6a: {  	_ =	shalt  }
0x6b: {  	_ =	shalt  }
0x6c: {  	_ =	shalt  }
0x6d: {  	_ =	shalt  }
0x6e: {  	_ =	shalt  }
0x6f: {  	_ =	shalt  }
0x70: {  	_ =	shalt  }
0x71: {  	_ =	shalt  }
0x72: {  	_ =	shalt  }
0x73: {  	_ =	shalt  }
0x74: {  	_ =	shalt  }
0x75: {  	_ =	shalt  }
0x76: {  	_ =	shalt  }
0x77: {  	_ =	shalt  }
0x78: {  	_ =	shalt  }
0x79: {  	_ =	shalt  }
0x7a: {  	_ =	shalt  }
0x7b: {  	_ =	shalt  }
0x7c: {  	_ =	shalt  }
0x7d: {  	_ =	shalt  }
0x7e: {  	_ =	shalt  }
0x7f: {  	_ =	shalt  }
0x80: {  	_ =	shalt  }
0x81: {  	_ =	shalt  }
0x82: {  	_ =	shalt  }
0x83: {  	_ =	shalt  }
0x84: {  	_ =	shalt  }
0x85: {  	_ =	shalt  }
0x86: {  	_ =	shalt  }
0x87: {  	_ =	shalt  }
.Lfunc_end0:
.L_simem_size_0:
called_computation_lowered:
.L_overlay_start_0:
0x88: {  	s2 =	sld [smem:$0x3FD9]  }
0x89: {  	s3 =	sld [smem:$0x3FFE];
	_ =	sdelay $0x1  }
0x8a: {  	s1 =	srdreg.scid  }
0x8b: {  	s0 =	sand.u32 $0x1, s1  }
0x8c: {  	s17 =	sshll.u32 s0, $0xA;
	s2 =	sadd.s32 s3, s2  }
0x8d: {  	s2 =	sadd.s32 s2, s17  }
0x8e: {  	[smem:$0x3FBB] =	sst s2  }
0x8f: {  	_ = 	snop  }
0x90: {  	s2 =	sld [smem:$0x3FD0];
	(tm) =	ssettm $0x1  }
0x91: {  	s18 =	sld [smem:$0x3FFB];
	_ =	sdelay $0x3  }
0x92: {  	_ =	strace s18  }
0x93: {  	s3 =	sld [smem:$0x3FFC];
	_ =	sdelay $0x3  }
0x94: {  	_ =	strace s3  }
0x95: {  	s3 =	sld [smem:$0x3FFD];
	_ =	sdelay $0x3  }
0x96: {  	_ =	strace s3  }
0x97: {  	_ =	strace $0x8FFFFFFF  }
0x98: {  	s19 =	sld [smem:$0x3FDB];
	_ =	sdelay $0x1  }
0x99: {  	s4 =	simm.s32 $_scs_section_size  }
0x9a: {  	s5 =	simm.s32 $_size__tile_overlayer_lowered;
	s6 =	simm.s32 $_tile_overlayer_lowered  }
0x9b: {  	s22 =	simm.s32 $0x1BFF;
	s21 =	sshll.u32 s6, $0x1;
	s3 =	sadd.s32 s4, s19  }
0x9c: {  	s7 =	simm.s32 $0x0;
	s20 =	sshll.u32 s5, $0x1;
	s5 =	sadd.s32 s21, s3  }
0x9d: {  	[timem:s7], [sflag:s22] =	dma.local [hbm:s5], s20  }
0x9e: {  	_ =	swait.ge [sflag:s22], s20  }
0x9f: {  	s4 =	ssub.s32 $0x0, s20;
	[sflag:s22] =	ssyncset.done $0x0  }
0xa0: {  	[sflag:s22] =	ssyncadd.s32 s4;
	_ =	sdelay $0x1  }
0xa1: {  	s23 =	simm.s32 $0x1B8B  }
0xa2: {  	_ =	swait.ge [sflag:s23], $0x1  }
0xa3: {  	[sflag:s23] =	ssyncset.done $0x0  }
0xa4: {  	s25 =	simm.s32 $0x1B8E;
	s24 =	sld [smem:$0x3FFE];
	[sflag:s23] =	ssyncadd.s32 $0xFFFFFFFF  }
0xa5: {  	s26 =	simm.s32 $execute0_lowered;
	[smem:$0x3FD2] =	sst s25  }
0xa6: {  	s5 =	sshll.u32 s26, $0x1;
	_ =	strace $0x80000046;
	[dreg:$0x1] =	wrdreg $0xFFFFFFFF  }
0xa7: {  	s28 =	simm.s32 $_size_execute0_lowered;
	s3 =	sadd.s32 s3, s5;
	[dreg:$0x0] =	wrdreg $0x0  }
0xa8: {  	s5 =	sshll.u32 s28, $0x1;
	[dreg:$0x2] =	wrdreg s3  }
0xa9: {  	[dreg:$0x3] =	wrdreg s5  }
0xaa: {  	[dreg:$0x4] =	wrdreg $0xC0  }
0xab: {  	_ =	task [dreg:s7], $0x5FFFF  }
0xac: {  	[dreg:$0x1] =	wrdreg $0xFFFFFFFF  }
0xad: {  	[dreg:$0x0] =	wrdreg $0x60  }
0xae: {  	[dreg:$0x2] =	wrdreg s24  }
0xaf: {  	[dreg:$0x3] =	wrdreg s2  }
0xb0: {  	[dreg:$0x4] =	wrdreg $0x68000  }
0xb1: {  	[dreg:$0x5] =	wrdreg $0x9  }
0xb2: {  	_ =	task.clear_ibuf [dreg:s7], $0x6FFFF;
	_ =	strace $0x90000046  }
0xb3: {  	s29 =	simm.s32 $0x9;
	_ =	strace $0x80000048  }
0xb4: {  	_ =	swait.ge [sflag:s29], $0x1  }
0xb5: {  	[sflag:s29] =	ssyncadd.s32 $0xFFFFFFFF  }
0xb6: {  	_ =	strace $0x90000048  }
0xb7: {  	_ =	sfence  }
0xb8: {  	s30 =	sld [smem:$0x0];
	_ =	sdelay $0x2  }
0xb9: {  	s31 =	sshll.u32 s1, $0xD;
	s1 =	sshrl.u32 s1, $0x2  }
0xba: {  	s3 =	sand.u32 $0x4000, s31;
	s1 =	sadd.s32 s1, s30  }
0xbb: {  	s0 =	sor.u32 s3, s0;
	s1 =	sshll.u32 s1, $0x11  }
0xbc: {  	s0 =	sor.u32 s1, s0  }
0xbd: {  	s0 =	sadd.s32 $0x8F2B, s0  }
0xbe: {  	[sflag:s0] =	ssyncadd.remote.s32 $0x1  }
0xbf: {  	_ =	sfence.sel $0xFFFF  }
0xc0: {  	[dreg:$0x0] =	wrdreg $0xFFFFFFFF;
	(pc) =	sbr.abs _section_cstart, $3  }
0xc1: {  	[dreg:$0x1] =	wrdreg $0xFFFFFFFF  }
0xc2: {  	_ =	task.clear_ibuf [dreg:s7], $0x2FFFF;
	_ =	strace $0x9FFFFFFF  }
0xc3: {  	(tm) =	ssettm $0x7FFFFFFF  }
tec
execute0_lowered:
.L_overlay_start_1:
0x0: {  	(tag) =	ssettag $0x1  }
0x1: {  	s6 =	rddreg [dreg:$0x0]  }
0x2: {  	s1 =	srdreg.scid;
	s2 =	rddreg [dreg:$0x1]  }
0x3: {  	s0 =	stileid.u32;
	s3 =	rddreg [dreg:$0x2];
	s4 =	simm.s32 $0x0  }
0x4: {  	s13 =	simm.s32 $0x80;
	s14 =	simm.s32 $0x0;
	s9 =	smul.u32 $0x13C00, s0  }
0x5: {  	s7 =	sand.u32 $0x1, s1;
	s28 =	sshll.u32 s0, $0x1;
	s29 =	smul.u32 $0x4F000, s0  }
0x6: {  	[smem:$0x7FF] =	sst s4;
	s1 =	sor.u32 s7, s28;
	s8 =	smul.u32 $0x13C000, s7  }
0x7: {  	s31 =	sshll.u32 s0, $0x6;
	s7 =	ssub.s32 $0x2, s7;
	s5 =	smul.u32 $0x500, s1  }
0x8: {  	s1 =	rddreg [dreg:$0x3];
	_ =	strace $0x80000047;
	s30 =	sshrl.u32 s7, $0x1  }
0x9: {  	s8 =	sadd.s32 s9, s8;
	s9 =	sshrl.u32 s29, $0x2;
	s11 =	ssub.s32 s7, s30  }
0xa: {  	s10 =	sadd.s32 s5, s6;
	s5 =	sadd.s32 $0xE400, s6;
	s8 =	sshrl.u32 s8, $0x3  }
0xb: {  	s12 =	sadd.s32 s9, s3;
	s9 =	simm.s32 $0x2800;
	s8 =	sadd.s32 s8, s6  }
0xc: {  	s6 =	sadd.s32 $0x4400, s10;
	s10 =	simm.s32 $0x1;
	s12 =	sshrl.u32 s12, $0x3  }
0xd: {  	s7 =	sadd.s32 $0x10C00, s8;
	s8 =	smax.u32 s11, $0x1;
	s11 =	sor.u32 $0x1C01, s31  }
.LBB2_1:
0xe: {  	[tilespmem:s9], [sflag:$0x1] =	stream.linear.gather [hbm4b:s2+s4], $0x4000, $0x38;
	[tilespmem:$0x1A400] =	vst v63  }
0xf: {  	_ =	swait.ge [sflag:s10], $0x4000  }
0x10: {  	[sflag:s10] =	ssyncset.done $0x0  }
0x11: {  	[sflag:s10] =	ssyncadd.s32 $0xFFFFC000  }
0x12: {  	[tilespmem:s4], [sflag:$0x1] =	stream.linear.gather [hbm4b:s6+s4], $0x2780, $0x38;
	[tilespmem:$0x1A400] =	vst v63  }
0x13: {  	_ =	swait.ge [sflag:s10], $0x2780  }
0x14: {  	[sflag:s10] =	ssyncset.done $0x0  }
0x15: {  	[sflag:s10] =	ssyncadd.s32 $0xFFFFD880  }
0x16: {  	[spmem:s12], [sflag:s11] =	dma.local [hbm:s5], $0x2780  }
0x17: {  	_ =	swait.ge [sflag:s10], $0x2780  }
0x18: {  	[sflag:s10] =	ssyncset.done $0x0  }
0x19: {  	[sflag:s10] =	ssyncadd.s32 $0xFFFFD880  }
0x1a: {  	s15 =	simm.s32 $0x0;
	[bflag:$0x0] =	sbarrier.arrive $0xFFFF  }
0x1b: {  	[spmem:s3] =	stream.indirect.scatter.add.f32 [tilespmem:s9], [sflag:$0x1], $0x80, s15, s13, $0xb8;
	[tilespmem:$0x1A400] =	vst v63  }
0x1c: {  	_ =	swait.ge [sflag:s10], $0x4000  }
0x1d: {  	s15 =	simm.s32 $0x200;
	[sflag:s10] =	ssyncset.done $0x0  }
.LBB2_2:
0x1e: {  	s16 =	sshra.s32 s15, $0x2;
	[sflag:s10] =	ssyncadd.s32 $0xFFFFC000;
	p0 =	sne.s32 s15, $0x9C00  }
0x1f: {  	[spmem:s3] =	stream.indirect.scatter.add.f32 [tilespmem:s9], [sflag:$0x1], $0x80, s16, s13, $0xb8;
	[tilespmem:$0x1A400] =	vst v63  }
.Ltmp0:
0x20: {  	_ = 	snop;
	(pc) =	sbr.rel @p0 .LBB2_2-.Ltmp0, $4  }
0x21: {  	_ = 	snop  }
0x22: {  	s15 =	sadd.s32 $0x200, s15  }
0x23: {  	_ =	swait.ge [sflag:s10], $0x4000  }
0x24: {  	[sflag:s10] =	ssyncset.done $0x0  }
0x25: {  	s14 =	sadd.s32 $0x1, s14  }
0x26: {  	[sflag:s10] =	ssyncadd.s32 $0xFFFFC000;
	p0 =	sne.s32 s14, s8  }
.Ltmp1:
0x27: {  	[bflag:$0x0] =	sbarrier.arrive $0xFFFF;
	(pc) =	sbr.rel @p0 .LBB2_1-.Ltmp1, $4  }
0x28: {  	[hbm:s7], [sflag:s11] =	dma.local [spmem:s12], $0x2780  }
0x29: {  	_ =	swait.ge [sflag:s10], $0x2780  }
0x2a: {  	[sflag:s10] =	ssyncset.done $0x0  }
0x2b: {  	[sflag:s10] =	ssyncadd.s32 $0xFFFFD880  }
0x2c: {  	_ =	sfence.sel $0x180000  }
0x2d: {  	[bflag:$0x0] =	sbarrier.arrive $0xFFFF  }
0x2e: {  	p0 =	sne.s32 s0, $0x0;
	_ =	strace $0x90000047  }
0x2f: {  	s0 =	sadd.s32 @!p0 $0x100000, s1;
	[bflag:$0x2] =	sbarrier.arrive $0xFFFF  }
0x30: {  	[sflag:s0] =	ssyncadd.tile.s32 @!p0 $0x1;
	_ =	shalt  }
.Lfunc_end2:
_tile_overlayer_lowered:
.L_overlay_start_2:
0x31: {  	(tag) =	ssettag $0x2  }
0x32: {  	s0 =	rddreg [dreg:$0x0];
	s2 =	stileid.u32  }
0x33: {  	s1 =	rddreg [dreg:$0x1];
	p0 =	sne.s32 s2, $0x0  }
0x34: {  	s3 =	rddreg [dreg:$0x2];
	[bflag:$0x3] =	sbarrier.arrive $0xFFFF;
	s2 =	simm.s32 @!p0 $0x1C01  }
0x35: {  	[timem:s3], [sflag:s2] =	dma.local @!p0 [hbm:s0], s1  }
0x36: {  	s0 =	simm.s32 @!p0 $0x1  }
0x37: {  	_ =	swait.ge @!p0 [sflag:s0], s1  }
0x38: {  	s1 =	ssub.s32 @!p0 $0x0, s1;
	[sflag:s0] =	ssyncset.done @!p0 $0x0  }
0x39: {  	[sflag:s0] =	ssyncadd.s32 @!p0 s1  }
0x3a: {  	[bflag:$0x3] =	sbarrier.arrive $0xFFFF  }
0x3b: {  	_ =	shalt  }

</sc_bundles>
